<compile_context>
chip_gen: v7x
topology: tpu7x:2x2x1
jax: 0.10.2.dev20260603
libtpu: 0.0.44.dev20260713+nightly
codegen_flags: <defaults>
</compile_context>

<pallas_src>
import functools

import jax
import jax.numpy as jnp
from jax import lax
from jax.experimental import pallas as pl
from jax.experimental.pallas import tpu as pltpu
from jax.experimental.pallas import tpu_sc as plsc

N = 10000
E = 320000
D = 128
R = 8
RN = R * N
DR = 640
NC, NS = 2, 16
NW = NC * NS
EPW = E // NW
EPT = E // NS
CH = 2000
GC = 128
NCHUNK = (EPW + GC - 1) // GC
NPW = N // NS

def _i16():
    return jnp.ones((16,), jnp.int32)


def _f16():
    return jnp.ones((16,), jnp.float32)


@functools.cache
def _make_k0():
    mesh = plsc.VectorSubcoreMesh(
        core_axis_name="c", subcore_axis_name="s",
        num_cores=NC, num_subcores=NS)
    return functools.partial(
        pl.kernel,
        out_type=jax.ShapeDtypeStruct((E,), jnp.float32),
        mesh=mesh,
        scratch_types=[
            pltpu.VMEM((DR, 128), jnp.float32),
            pltpu.VMEM((CH,), jnp.int32),
            pltpu.VMEM((CH,), jnp.int32),
            pltpu.VMEM((CH,), jnp.float32),
            pltpu.VMEM((DR // NS, 128), jnp.float32),
            pltpu.VMEM((DR // 128, 128), jnp.int32),
            pltpu.VMEM_SHARED((DR, 128), jnp.float32),
        ],
        compiler_params=pltpu.CompilerParams(needs_layout_passes=False),
    )(_k0_scales)


def _k0_scales(dst_h, typ_h, s_h, deg, eb_d, eb_t, sb, zb, idx5, sh_deg):
    sid = lax.axis_index("s")
    cid = lax.axis_index("c")
    wid = sid * NC + cid

    zrows = DR // NS

    def _zz(i, _):
        zb[i >> 3, pl.ds((i & 7) * 16, 16)] = 0.0 * _f16()
        return 0
    lax.fori_loop(0, zrows * 8, _zz, 0)

    def _zd(i, _):
        deg[i >> 3, pl.ds((i & 7) * 16, 16)] = 0.0 * _f16()
        return 0
    lax.fori_loop(0, DR * 8, _zd, 0)

    iota16 = lax.iota(jnp.int32, 16)

    def _zi(i, _):
        idx5[i >> 3, pl.ds((i & 7) * 16, 16)] = iota16 + i * 16
        return 0
    lax.fori_loop(0, (DR // 128) * 8, _zi, 0)

    pltpu.sync_copy(zb, sh_deg.at[pl.ds(sid * zrows, zrows)])
    plsc.subcore_barrier()

    for k in range(EPT // CH):
        base = sid * EPT + k * CH
        pltpu.sync_copy(dst_h.at[pl.ds(base, CH)], eb_d)
        pltpu.sync_copy(typ_h.at[pl.ds(base, CH)], eb_t)

        def _cnt(j, _):
            dv = eb_d[pl.ds(j * 16, 16)]
            tv = eb_t[pl.ds(j * 16, 16)]
            jv = tv * N + dv
            plsc.addupdate_scatter(deg, [jv >> 7, jv & 127], _f16())
            return 0
        lax.fori_loop(0, CH // 16, _cnt, 0)

    for c in range(DR // 128):
        pltpu.sync_copy(deg.at[pl.ds(c * 128, 128)], sh_deg.at[idx5.at[c]],
                        add=True)
    plsc.subcore_barrier()

    pltpu.sync_copy(sh_deg, deg)

    def _rd(i, _):
        v = deg[i >> 3, pl.ds((i & 7) * 16, 16)]
        deg[i >> 3, pl.ds((i & 7) * 16, 16)] = _f16() / jnp.maximum(v, _f16())
        return 0
    lax.fori_loop(0, DR * 8, _rd, 0)

    for k in range(EPW // CH):
        base = wid * EPW + k * CH
        pltpu.sync_copy(dst_h.at[pl.ds(base, CH)], eb_d)
        pltpu.sync_copy(typ_h.at[pl.ds(base, CH)], eb_t)

        def _lkp(j, _):
            dv = eb_d[pl.ds(j * 16, 16)]
            tv = eb_t[pl.ds(j * 16, 16)]
            jv = tv * N + dv
            sb[pl.ds(j * 16, 16)] = plsc.load_gather(deg, [jv >> 7, jv & 127])
            return 0
        lax.fori_loop(0, CH // 16, _lkp, 0)
        pltpu.sync_copy(sb, s_h.at[pl.ds(base, CH)])


NCH_TOT = E // GC
NCH_BASE = NCH_TOT // NW
NCH_EXTRA = NCH_TOT % NW


@functools.cache
def _make_k2():
    mesh = plsc.VectorSubcoreMesh(
        core_axis_name="c", subcore_axis_name="s",
        num_cores=NC, num_subcores=NS)
    return functools.partial(
        pl.kernel,
        out_type=jax.ShapeDtypeStruct((NC, N, D), jnp.float32),
        mesh=mesh,
        scratch_types=[
            pltpu.VMEM((2, GC), jnp.int32),
            pltpu.VMEM((GC,), jnp.int32),
            pltpu.VMEM((GC,), jnp.int32),
            pltpu.VMEM((GC,), jnp.int32),
            pltpu.VMEM((GC,), jnp.float32),
            pltpu.VMEM((GC, D), jnp.float32),
            pltpu.VMEM_SHARED((N, D), jnp.float32),
        ],
        compiler_params=pltpu.CompilerParams(needs_layout_passes=False),
    )(_k2_aggregate)


def _k2_aggregate(y_h, src_h, dst_h, typ_h, s_h, part_h,
                  idxs, es_c, ed_c, et_c, sc_c, rows, sh_out):
    sid = lax.axis_index("s")
    cid = lax.axis_index("c")
    wid = sid * NC + cid

    def _zr(i, _):
        rows[i >> 3, pl.ds((i & 7) * 16, 16)] = 0.0 * _f16()
        return 0
    lax.fori_loop(0, GC * 8, _zr, 0)

    obase = sid * NPW
    off = 0
    while off < NPW:
        n = min(GC, NPW - off)
        pltpu.sync_copy(rows.at[pl.ds(0, n)], sh_out.at[pl.ds(obase + off, n)])
        off += n
    plsc.subcore_barrier()

    nch = NCH_BASE + jnp.where(wid < NCH_EXTRA, 1, 0)
    cstart = wid * NCH_BASE + jnp.minimum(wid, NCH_EXTRA)

    def _chunk(c, _):
        base = (cstart + c) * GC
        pltpu.sync_copy(src_h.at[pl.ds(base, GC)], es_c)
        pltpu.sync_copy(dst_h.at[pl.ds(base, GC)], ed_c)
        pltpu.sync_copy(typ_h.at[pl.ds(base, GC)], et_c)
        pltpu.sync_copy(s_h.at[pl.ds(base, GC)], sc_c)

        def _fill(j, _):
            sv = es_c[pl.ds(j * 16, 16)]
            tv = et_c[pl.ds(j * 16, 16)]
            idxs[0, pl.ds(j * 16, 16)] = tv * N + sv
            idxs[1, pl.ds(j * 16, 16)] = ed_c[pl.ds(j * 16, 16)]
            return 0
        lax.fori_loop(0, GC // 16, _fill, 0)

        pltpu.sync_copy(y_h.at[idxs.at[0]], rows)

        def _scale(e, _):
            bv = plsc.load_gather(sc_c, [e * _i16()])
            for jj in range(D // 16):
                rows[e, pl.ds(jj * 16, 16)] = rows[e, pl.ds(jj * 16, 16)] * bv
            return 0
        lax.fori_loop(0, GC, _scale, 0)
        pltpu.sync_copy(rows, sh_out.at[idxs.at[1]], add=True)
        return 0
    lax.fori_loop(0, nch, _chunk, 0)
    plsc.subcore_barrier()

    wb = ((N + NS * 8 - 1) // (NS * 8)) * 8
    wstart = sid * wb
    wlen_full = min(wb, max(N - (NS - 1) * wb, 0))

    @pl.when(sid < NS - 1)
    def _():
        pltpu.sync_copy(sh_out.at[pl.ds(wstart, wb)],
                        part_h.at[cid, pl.ds(wstart, wb)])

    @pl.when(sid == NS - 1)
    def _():
        base = (NS - 1) * wb
        pltpu.sync_copy(sh_out.at[pl.ds(base, wlen_full)],
                        part_h.at[cid, pl.ds(base, wlen_full)])


def _mm_body(x_ref, w_ref, o_ref):
    o_ref[...] = jnp.dot(x_ref[...], w_ref[0],
                         preferred_element_type=jnp.float32)


def _comb_body(p_ref, b_ref, o_ref):
    o_ref[...] = p_ref[0] + p_ref[1] + b_ref[...]


_BN = 2000


def _matmul_y(x, weight):
    return pl.pallas_call(
        _mm_body,
        grid=(R, N // _BN),
        in_specs=[
            pl.BlockSpec((_BN, D), lambda r, i: (i, 0)),
            pl.BlockSpec((1, D, D), lambda r, i: (r, 0, 0)),
        ],
        out_specs=pl.BlockSpec((_BN, D), lambda r, i: (r * (N // _BN) + i, 0)),
        out_shape=jax.ShapeDtypeStruct((RN, D), jnp.float32),
    )(x, weight)


def _combine(part, bias2d):
    return pl.pallas_call(
        _comb_body,
        grid=(N // _BN,),
        in_specs=[
            pl.BlockSpec((NC, _BN, D), lambda i: (0, i, 0)),
            pl.BlockSpec((1, D), lambda i: (0, 0)),
        ],
        out_specs=pl.BlockSpec((_BN, D), lambda i: (i, 0)),
        out_shape=jax.ShapeDtypeStruct((N, D), jnp.float32),
    )(part, bias2d)


def kernel(x, weight, bias, edge_index, edge_type):
    src = edge_index[0]
    dst = edge_index[1]
    s_all = _make_k0()(dst, edge_type)
    y = _matmul_y(x, weight)
    part = _make_k2()(y, src, dst, edge_type, s_all)
    return _combine(part, bias.reshape(1, D))

# --- scband reference (transcript-rebuilt; emitter-appended) ---
"""Pipeline reference for scband-rel-graph-conv-layer-5772436045956 (READ-ONLY COPY).

The authoritative reference and input builder live on the scoring server;
editing this copy changes nothing except your own understanding.
"""

import jax, jax.numpy as jnp
import numpy as np

N = 10000
E = 320000
D_IN = 128
D_OUT = 128
R = 8


def setup_inputs(seed: int = 0) -> dict:
    key = jax.random.key(seed)
    k1, k2, k3, k4 = jax.random.split(key, 4)
    x = jax.random.normal(k1, (N, D_IN), dtype=jnp.float32)
    edge_index = jax.random.randint(k2, (2, E), 0, N, dtype=jnp.int32)
    edge_type = jax.random.randint(k3, (E,), 0, R, dtype=jnp.int32)
    # per-relation weights, xavier_uniform with relu gain (no basis since num_bases >= num_rels)
    gain = float(np.sqrt(2.0))
    bound = gain * float(np.sqrt(6.0 / (D_IN + D_OUT)))
    weight = jax.random.uniform(k4, (R, D_IN, D_OUT), dtype=jnp.float32, minval=-bound, maxval=bound)
    bias = jnp.zeros((D_OUT,), dtype=jnp.float32)
    return {"x": x, "weight": weight, "bias": bias, "edge_index": edge_index, "edge_type": edge_type}


def reference(x, weight, bias, edge_index, edge_type):
    # RelGraphConvLayer: per-relation GraphConv(norm='right', no self-loop),
    # HeteroGraphConv sum aggregation across relations, then shared bias.
    src = edge_index[0]
    dst = edge_index[1]
    msg_all = jnp.take(x, src, axis=0)  # gather source features [E, D_IN]
    out = jnp.zeros((N, D_OUT), dtype=x.dtype)
    for r in range(R):
        m = (edge_type == r).astype(x.dtype)  # [E]
        # scatter-add masked messages to destination nodes
        agg = jnp.zeros((N, D_IN), dtype=x.dtype).at[dst].add(msg_all * m[:, None])
        # norm='right': divide by in-degree (clamped to >= 1), per relation
        deg = jnp.zeros((N,), dtype=x.dtype).at[dst].add(m)
        deg = jnp.clip(deg, 1.0, None)
        h = agg / deg[:, None]
        out = out + h @ weight[r]
    out = out + bias[None, :]
    return out

if __name__ == "__main__":
    import jax
    _d = setup_inputs()
    print(jax.jit(kernel)(*tuple(_d.values())))

</pallas_src>

<mosaic_0001>
#map = affine_map<(d0, d1) -> (0, 0)>
#map1 = affine_map<(d0, d1) -> (0)>
#map2 = affine_map<(d0, d1) -> (0, 0, 0)>
module attributes {stable_mosaic.version = 14 : i64} {
  func.func @_k2_aggregate(%arg0: i32, %arg1: i32, %arg2: memref<80000x128xf32, #tpu.memory_space<hbm>>, %arg3: memref<320000xi32, #tpu.memory_space<hbm>>, %arg4: memref<320000xi32, #tpu.memory_space<hbm>>, %arg5: memref<320000xi32, #tpu.memory_space<hbm>>, %arg6: memref<320000xf32, #tpu.memory_space<hbm>>, %arg7: memref<2x10000x128xf32, #tpu.memory_space<hbm>>, %arg8: memref<2x128xi32, #tpu.memory_space<vmem>>, %arg9: memref<128xi32, #tpu.memory_space<vmem>>, %arg10: memref<128xi32, #tpu.memory_space<vmem>>, %arg11: memref<128xi32, #tpu.memory_space<vmem>>, %arg12: memref<128xf32, #tpu.memory_space<vmem>>, %arg13: memref<128x128xf32, #tpu.memory_space<vmem>>, %arg14: memref<10000x128xf32, #tpu.memory_space<vmem_shared>>) attributes {dimension_semantics = [#tpu.dimension_semantics<core_parallel>, #tpu.dimension_semantics<subcore_parallel>], iteration_bounds = array<i64: 2, 16>, scalar_prefetch = 0 : i64, scratch_operands = 7 : i64, tpu.core_type = #tpu.core_type<sc_vector_subcore>, window_params = [{transform_indices = #map}, {transform_indices = #map1}, {transform_indices = #map1}, {transform_indices = #map1}, {transform_indices = #map1}, {transform_indices = #map2}]} {
    %mul3A = arith.constant 2 : i32
    %mul3A_0 = arith.muli %arg1, %mul3A : i32
    %add3A = arith.addi %mul3A_0, %arg0 : i32
    %scan3A = arith.constant 0 : i32
    %scan3A_1 = arith.constant 0 : i32
    %scan3A_2 = arith.constant 1024 : i32
    %scan3A_3 = arith.addi %scan3A_1, %scan3A_2 : i32
    %scan3A_4 = arith.constant 1 : i32
    %scan3A_5 = scf.for %scan3A_48 = %scan3A_1 to %scan3A_3 step %scan3A_4 iter_args(%scan3A_49 = %scan3A) -> (i32)  : i32 {
      %broadcast_in_dim3A = arith.constant 1.000000e+00 : f32
      %broadcast_in_dim3A_50 = vector.broadcast %broadcast_in_dim3A : f32 to vector<16xf32>
      %mul3A_51 = arith.constant 0.000000e+00 : f32
      %mul3A_52 = vector.broadcast %mul3A_51 : f32 to vector<16xf32>
      %mul3A_53 = arith.mulf %mul3A_52, %broadcast_in_dim3A_50 : vector<16xf32>
      %shift_right_arithmetic3A = arith.constant 3 : i32
      %shift_right_arithmetic3A_54 = arith.shrsi %scan3A_48, %shift_right_arithmetic3A : i32
      %and3A = arith.constant 7 : i32
      %and3A_55 = arith.andi %scan3A_48, %and3A : i32
      %mul3A_56 = arith.constant 16 : i32
      %mul3A_57 = arith.muli %and3A_55, %mul3A_56 : i32
      %swap3A = arith.index_cast %shift_right_arithmetic3A_54 : i32 to index
      %swap3A_58 = arith.index_cast %mul3A_57 : i32 to index
      %swap3A_59 = tpu.vector_load %arg13[%swap3A, %swap3A_58] {strides = array<i32>} : memref<128x128xf32, #tpu.memory_space<vmem>>, vector<16xf32>,
      tpu.vector_store %arg13[%swap3A, %swap3A_58], %mul3A_53 {strides = array<i32>} : memref<128x128xf32, #tpu.memory_space<vmem>>, vector<16xf32>,
      %scan3A_60 = arith.constant 0 : i32
      scf.yield %scan3A_60 : i32
    }
    %scan3A_6 = arith.constant 1024 : i32
    %mul3A_7 = arith.constant 625 : i32
    %mul3A_8 = arith.muli %arg1, %mul3A_7 : i32
    %add3A_9 = arith.constant 0 : i32
    %add3A_10 = arith.addi %mul3A_8, %add3A_9 : i32
    "tpu.region"() ({
      %run_scoped3A = tpu.sem_alloc : memref<!tpu.dma_semaphore, #tpu.memory_space<semaphore_mem>>
      %dma_start3A = arith.constant 0 : i32
      %dma_start3A_48 = arith.constant 0 : i32
      %dma_start3A_49 = tpu.memref_slice %arg13[%dma_start3A, %dma_start3A_48] : memref<128x128xf32, #tpu.memory_space<vmem>> -> memref<128x128xf32, #tpu.memory_space<vmem>>
      %dma_start3A_50 = arith.constant 0 : i32
      %dma_start3A_51 = tpu.memref_slice %arg14[%add3A_10, %dma_start3A_50] : memref<10000x128xf32, #tpu.memory_space<vmem_shared>> -> memref<128x128xf32, #tpu.memory_space<vmem_shared>>
      %dma_start3A_52 = arith.constant 0 : i32
      %dma_start3A_53 = tpu.memref_slice %arg14[%add3A_10, %dma_start3A_52] : memref<10000x128xf32, #tpu.memory_space<vmem_shared>> -> memref<128x128xf32, #tpu.memory_space<vmem_shared>>
      %dma_start3A_54 = arith.constant 0 : i32
      %dma_start3A_55 = arith.constant 0 : i32
      %dma_start3A_56 = tpu.memref_slice %arg13[%dma_start3A_54, %dma_start3A_55] : memref<128x128xf32, #tpu.memory_space<vmem>> -> memref<128x128xf32, #tpu.memory_space<vmem>>
      tpu.enqueue_dma source(%dma_start3A_56 : memref<128x128xf32, #tpu.memory_space<vmem>>) target(%dma_start3A_53 : memref<128x128xf32, #tpu.memory_space<vmem_shared>>) target_semaphore(%run_scoped3A : memref<!tpu.dma_semaphore, #tpu.memory_space<semaphore_mem>>)
      %dma_wait3A = arith.constant 0 : i32
      %dma_wait3A_57 = arith.constant 0 : i32
      %dma_wait3A_58 = tpu.memref_slice %arg13[%dma_wait3A, %dma_wait3A_57] : memref<128x128xf32, #tpu.memory_space<vmem>> -> memref<128x128xf32, #tpu.memory_space<vmem>>
      %dma_wait3A_59 = arith.constant 0 : i32
      %dma_wait3A_60 = tpu.memref_slice %arg14[%add3A_10, %dma_wait3A_59] : memref<10000x128xf32, #tpu.memory_space<vmem_shared>> -> memref<128x128xf32, #tpu.memory_space<vmem_shared>>
      %dma_wait3A_61 = arith.constant 0 : i32
      %dma_wait3A_62 = tpu.memref_slice %arg14[%add3A_10, %dma_wait3A_61] : memref<10000x128xf32, #tpu.memory_space<vmem_shared>> -> memref<128x128xf32, #tpu.memory_space<vmem_shared>>
      %dma_wait3A_63 = arith.constant 0 : i32
      %dma_wait3A_64 = arith.constant 0 : i32
      %dma_wait3A_65 = tpu.memref_slice %arg13[%dma_wait3A_63, %dma_wait3A_64] : memref<128x128xf32, #tpu.memory_space<vmem>> -> memref<128x128xf32, #tpu.memory_space<vmem>>
      tpu.wait_dma2 semaphore(%run_scoped3A : memref<!tpu.dma_semaphore, #tpu.memory_space<semaphore_mem>>) src(%dma_wait3A_65 : memref<128x128xf32, #tpu.memory_space<vmem>>) dst(%dma_wait3A_62 : memref<128x128xf32, #tpu.memory_space<vmem_shared>>)
      tpu.yield
    }) : () -> ()
    %add3A_11 = arith.constant 128 : i32
    %add3A_12 = arith.addi %mul3A_8, %add3A_11 : i32
    "tpu.region"() ({
      %run_scoped3A = tpu.sem_alloc : memref<!tpu.dma_semaphore, #tpu.memory_space<semaphore_mem>>
      %dma_start3A = arith.constant 0 : i32
      %dma_start3A_48 = arith.constant 0 : i32
      %dma_start3A_49 = tpu.memref_slice %arg13[%dma_start3A, %dma_start3A_48] : memref<128x128xf32, #tpu.memory_space<vmem>> -> memref<128x128xf32, #tpu.memory_space<vmem>>
      %dma_start3A_50 = arith.constant 0 : i32
      %dma_start3A_51 = tpu.memref_slice %arg14[%add3A_12, %dma_start3A_50] : memref<10000x128xf32, #tpu.memory_space<vmem_shared>> -> memref<128x128xf32, #tpu.memory_space<vmem_shared>>
      %dma_start3A_52 = arith.constant 0 : i32
      %dma_start3A_53 = tpu.memref_slice %arg14[%add3A_12, %dma_start3A_52] : memref<10000x128xf32, #tpu.memory_space<vmem_shared>> -> memref<128x128xf32, #tpu.memory_space<vmem_shared>>
      %dma_start3A_54 = arith.constant 0 : i32
      %dma_start3A_55 = arith.constant 0 : i32
      %dma_start3A_56 = tpu.memref_slice %arg13[%dma_start3A_54, %dma_start3A_55] : memref<128x128xf32, #tpu.memory_space<vmem>> -> memref<128x128xf32, #tpu.memory_space<vmem>>
      tpu.enqueue_dma source(%dma_start3A_56 : memref<128x128xf32, #tpu.memory_space<vmem>>) target(%dma_start3A_53 : memref<128x128xf32, #tpu.memory_space<vmem_shared>>) target_semaphore(%run_scoped3A : memref<!tpu.dma_semaphore, #tpu.memory_space<semaphore_mem>>)
      %dma_wait3A = arith.constant 0 : i32
      %dma_wait3A_57 = arith.constant 0 : i32
      %dma_wait3A_58 = tpu.memref_slice %arg13[%dma_wait3A, %dma_wait3A_57] : memref<128x128xf32, #tpu.memory_space<vmem>> -> memref<128x128xf32, #tpu.memory_space<vmem>>
      %dma_wait3A_59 = arith.constant 0 : i32
      %dma_wait3A_60 = tpu.memref_slice %arg14[%add3A_12, %dma_wait3A_59] : memref<10000x128xf32, #tpu.memory_space<vmem_shared>> -> memref<128x128xf32, #tpu.memory_space<vmem_shared>>
      %dma_wait3A_61 = arith.constant 0 : i32
      %dma_wait3A_62 = tpu.memref_slice %arg14[%add3A_12, %dma_wait3A_61] : memref<10000x128xf32, #tpu.memory_space<vmem_shared>> -> memref<128x128xf32, #tpu.memory_space<vmem_shared>>
      %dma_wait3A_63 = arith.constant 0 : i32
      %dma_wait3A_64 = arith.constant 0 : i32
      %dma_wait3A_65 = tpu.memref_slice %arg13[%dma_wait3A_63, %dma_wait3A_64] : memref<128x128xf32, #tpu.memory_space<vmem>> -> memref<128x128xf32, #tpu.memory_space<vmem>>
      tpu.wait_dma2 semaphore(%run_scoped3A : memref<!tpu.dma_semaphore, #tpu.memory_space<semaphore_mem>>) src(%dma_wait3A_65 : memref<128x128xf32, #tpu.memory_space<vmem>>) dst(%dma_wait3A_62 : memref<128x128xf32, #tpu.memory_space<vmem_shared>>)
      tpu.yield
    }) : () -> ()
    %add3A_13 = arith.constant 256 : i32
    %add3A_14 = arith.addi %mul3A_8, %add3A_13 : i32
    "tpu.region"() ({
      %run_scoped3A = tpu.sem_alloc : memref<!tpu.dma_semaphore, #tpu.memory_space<semaphore_mem>>
      %dma_start3A = arith.constant 0 : i32
      %dma_start3A_48 = arith.constant 0 : i32
      %dma_start3A_49 = tpu.memref_slice %arg13[%dma_start3A, %dma_start3A_48] : memref<128x128xf32, #tpu.memory_space<vmem>> -> memref<128x128xf32, #tpu.memory_space<vmem>>
      %dma_start3A_50 = arith.constant 0 : i32
      %dma_start3A_51 = tpu.memref_slice %arg14[%add3A_14, %dma_start3A_50] : memref<10000x128xf32, #tpu.memory_space<vmem_shared>> -> memref<128x128xf32, #tpu.memory_space<vmem_shared>>
      %dma_start3A_52 = arith.constant 0 : i32
      %dma_start3A_53 = tpu.memref_slice %arg14[%add3A_14, %dma_start3A_52] : memref<10000x128xf32, #tpu.memory_space<vmem_shared>> -> memref<128x128xf32, #tpu.memory_space<vmem_shared>>
      %dma_start3A_54 = arith.constant 0 : i32
      %dma_start3A_55 = arith.constant 0 : i32
      %dma_start3A_56 = tpu.memref_slice %arg13[%dma_start3A_54, %dma_start3A_55] : memref<128x128xf32, #tpu.memory_space<vmem>> -> memref<128x128xf32, #tpu.memory_space<vmem>>
      tpu.enqueue_dma source(%dma_start3A_56 : memref<128x128xf32, #tpu.memory_space<vmem>>) target(%dma_start3A_53 : memref<128x128xf32, #tpu.memory_space<vmem_shared>>) target_semaphore(%run_scoped3A : memref<!tpu.dma_semaphore, #tpu.memory_space<semaphore_mem>>)
      %dma_wait3A = arith.constant 0 : i32
      %dma_wait3A_57 = arith.constant 0 : i32
      %dma_wait3A_58 = tpu.memref_slice %arg13[%dma_wait3A, %dma_wait3A_57] : memref<128x128xf32, #tpu.memory_space<vmem>> -> memref<128x128xf32, #tpu.memory_space<vmem>>
      %dma_wait3A_59 = arith.constant 0 : i32
      %dma_wait3A_60 = tpu.memref_slice %arg14[%add3A_14, %dma_wait3A_59] : memref<10000x128xf32, #tpu.memory_space<vmem_shared>> -> memref<128x128xf32, #tpu.memory_space<vmem_shared>>
      %dma_wait3A_61 = arith.constant 0 : i32
      %dma_wait3A_62 = tpu.memref_slice %arg14[%add3A_14, %dma_wait3A_61] : memref<10000x128xf32, #tpu.memory_space<vmem_shared>> -> memref<128x128xf32, #tpu.memory_space<vmem_shared>>
      %dma_wait3A_63 = arith.constant 0 : i32
      %dma_wait3A_64 = arith.constant 0 : i32
      %dma_wait3A_65 = tpu.memref_slice %arg13[%dma_wait3A_63, %dma_wait3A_64] : memref<128x128xf32, #tpu.memory_space<vmem>> -> memref<128x128xf32, #tpu.memory_space<vmem>>
      tpu.wait_dma2 semaphore(%run_scoped3A : memref<!tpu.dma_semaphore, #tpu.memory_space<semaphore_mem>>) src(%dma_wait3A_65 : memref<128x128xf32, #tpu.memory_space<vmem>>) dst(%dma_wait3A_62 : memref<128x128xf32, #tpu.memory_space<vmem_shared>>)
      tpu.yield
    }) : () -> ()
    %add3A_15 = arith.constant 384 : i32
    %add3A_16 = arith.addi %mul3A_8, %add3A_15 : i32
    "tpu.region"() ({
      %run_scoped3A = tpu.sem_alloc : memref<!tpu.dma_semaphore, #tpu.memory_space<semaphore_mem>>
      %dma_start3A = arith.constant 0 : i32
      %dma_start3A_48 = arith.constant 0 : i32
      %dma_start3A_49 = tpu.memref_slice %arg13[%dma_start3A, %dma_start3A_48] : memref<128x128xf32, #tpu.memory_space<vmem>> -> memref<128x128xf32, #tpu.memory_space<vmem>>
      %dma_start3A_50 = arith.constant 0 : i32
      %dma_start3A_51 = tpu.memref_slice %arg14[%add3A_16, %dma_start3A_50] : memref<10000x128xf32, #tpu.memory_space<vmem_shared>> -> memref<128x128xf32, #tpu.memory_space<vmem_shared>>
      %dma_start3A_52 = arith.constant 0 : i32
      %dma_start3A_53 = tpu.memref_slice %arg14[%add3A_16, %dma_start3A_52] : memref<10000x128xf32, #tpu.memory_space<vmem_shared>> -> memref<128x128xf32, #tpu.memory_space<vmem_shared>>
      %dma_start3A_54 = arith.constant 0 : i32
      %dma_start3A_55 = arith.constant 0 : i32
      %dma_start3A_56 = tpu.memref_slice %arg13[%dma_start3A_54, %dma_start3A_55] : memref<128x128xf32, #tpu.memory_space<vmem>> -> memref<128x128xf32, #tpu.memory_space<vmem>>
      tpu.enqueue_dma source(%dma_start3A_56 : memref<128x128xf32, #tpu.memory_space<vmem>>) target(%dma_start3A_53 : memref<128x128xf32, #tpu.memory_space<vmem_shared>>) target_semaphore(%run_scoped3A : memref<!tpu.dma_semaphore, #tpu.memory_space<semaphore_mem>>)
      %dma_wait3A = arith.constant 0 : i32
      %dma_wait3A_57 = arith.constant 0 : i32
      %dma_wait3A_58 = tpu.memref_slice %arg13[%dma_wait3A, %dma_wait3A_57] : memref<128x128xf32, #tpu.memory_space<vmem>> -> memref<128x128xf32, #tpu.memory_space<vmem>>
      %dma_wait3A_59 = arith.constant 0 : i32
      %dma_wait3A_60 = tpu.memref_slice %arg14[%add3A_16, %dma_wait3A_59] : memref<10000x128xf32, #tpu.memory_space<vmem_shared>> -> memref<128x128xf32, #tpu.memory_space<vmem_shared>>
      %dma_wait3A_61 = arith.constant 0 : i32
      %dma_wait3A_62 = tpu.memref_slice %arg14[%add3A_16, %dma_wait3A_61] : memref<10000x128xf32, #tpu.memory_space<vmem_shared>> -> memref<128x128xf32, #tpu.memory_space<vmem_shared>>
      %dma_wait3A_63 = arith.constant 0 : i32
      %dma_wait3A_64 = arith.constant 0 : i32
      %dma_wait3A_65 = tpu.memref_slice %arg13[%dma_wait3A_63, %dma_wait3A_64] : memref<128x128xf32, #tpu.memory_space<vmem>> -> memref<128x128xf32, #tpu.memory_space<vmem>>
      tpu.wait_dma2 semaphore(%run_scoped3A : memref<!tpu.dma_semaphore, #tpu.memory_space<semaphore_mem>>) src(%dma_wait3A_65 : memref<128x128xf32, #tpu.memory_space<vmem>>) dst(%dma_wait3A_62 : memref<128x128xf32, #tpu.memory_space<vmem_shared>>)
      tpu.yield
    }) : () -> ()
    %add3A_17 = arith.constant 512 : i32
    %add3A_18 = arith.addi %mul3A_8, %add3A_17 : i32
    "tpu.region"() ({
      %run_scoped3A = tpu.sem_alloc : memref<!tpu.dma_semaphore, #tpu.memory_space<semaphore_mem>>
      %dma_start3A = arith.constant 0 : i32
      %dma_start3A_48 = arith.constant 0 : i32
      %dma_start3A_49 = tpu.memref_slice %arg13[%dma_start3A, %dma_start3A_48] : memref<128x128xf32, #tpu.memory_space<vmem>> -> memref<113x128xf32, #tpu.memory_space<vmem>>
      %dma_start3A_50 = arith.constant 0 : i32
      %dma_start3A_51 = tpu.memref_slice %arg14[%add3A_18, %dma_start3A_50] : memref<10000x128xf32, #tpu.memory_space<vmem_shared>> -> memref<113x128xf32, #tpu.memory_space<vmem_shared>>
      %dma_start3A_52 = arith.constant 0 : i32
      %dma_start3A_53 = tpu.memref_slice %arg14[%add3A_18, %dma_start3A_52] : memref<10000x128xf32, #tpu.memory_space<vmem_shared>> -> memref<113x128xf32, #tpu.memory_space<vmem_shared>>
      %dma_start3A_54 = arith.constant 0 : i32
      %dma_start3A_55 = arith.constant 0 : i32
      %dma_start3A_56 = tpu.memref_slice %arg13[%dma_start3A_54, %dma_start3A_55] : memref<128x128xf32, #tpu.memory_space<vmem>> -> memref<113x128xf32, #tpu.memory_space<vmem>>
      tpu.enqueue_dma source(%dma_start3A_56 : memref<113x128xf32, #tpu.memory_space<vmem>>) target(%dma_start3A_53 : memref<113x128xf32, #tpu.memory_space<vmem_shared>>) target_semaphore(%run_scoped3A : memref<!tpu.dma_semaphore, #tpu.memory_space<semaphore_mem>>)
      %dma_wait3A = arith.constant 0 : i32
      %dma_wait3A_57 = arith.constant 0 : i32
      %dma_wait3A_58 = tpu.memref_slice %arg13[%dma_wait3A, %dma_wait3A_57] : memref<128x128xf32, #tpu.memory_space<vmem>> -> memref<113x128xf32, #tpu.memory_space<vmem>>
      %dma_wait3A_59 = arith.constant 0 : i32
      %dma_wait3A_60 = tpu.memref_slice %arg14[%add3A_18, %dma_wait3A_59] : memref<10000x128xf32, #tpu.memory_space<vmem_shared>> -> memref<113x128xf32, #tpu.memory_space<vmem_shared>>
      %dma_wait3A_61 = arith.constant 0 : i32
      %dma_wait3A_62 = tpu.memref_slice %arg14[%add3A_18, %dma_wait3A_61] : memref<10000x128xf32, #tpu.memory_space<vmem_shared>> -> memref<113x128xf32, #tpu.memory_space<vmem_shared>>
      %dma_wait3A_63 = arith.constant 0 : i32
      %dma_wait3A_64 = arith.constant 0 : i32
      %dma_wait3A_65 = tpu.memref_slice %arg13[%dma_wait3A_63, %dma_wait3A_64] : memref<128x128xf32, #tpu.memory_space<vmem>> -> memref<113x128xf32, #tpu.memory_space<vmem>>
      tpu.wait_dma2 semaphore(%run_scoped3A : memref<!tpu.dma_semaphore, #tpu.memory_space<semaphore_mem>>) src(%dma_wait3A_65 : memref<113x128xf32, #tpu.memory_space<vmem>>) dst(%dma_wait3A_62 : memref<113x128xf32, #tpu.memory_space<vmem_shared>>)
      tpu.yield
    }) : () -> ()
    %barrier3A = arith.constant 0 : index
    tpu.barrier barrier_id(%barrier3A)
    %lt3A = arith.constant 4 : i32
    %lt3A_19 = arith.cmpi slt, %add3A, %lt3A : i32
    %jit3A = arith.constant 1 : i32
    %jit3A_20 = arith.constant 0 : i32
    %select_n3A = arith.select %lt3A_19, %jit3A, %jit3A_20 : i32
    %add3A_21 = arith.constant 78 : i32
    %add3A_22 = arith.addi %add3A_21, %select_n3A : i32
    %mul3A_23 = arith.constant 78 : i32
    %mul3A_24 = arith.muli %add3A, %mul3A_23 : i32
    %min3A = arith.constant 4 : i32
    %min3A_25 = arith.minsi %add3A, %min3A : i32
    %add3A_26 = arith.addi %mul3A_24, %min3A_25 : i32
    %while3A = arith.constant 0 : i32
    %while3A_27 = arith.constant 0 : i32
    %while3A_28 = arith.subi %add3A_22, %while3A : i32
    %while3A_29 = arith.addi %while3A, %while3A_28 : i32
    %while3A_30 = arith.constant 1 : i32
    %while3A_31 = arith.divsi %while3A_28, %while3A_30 : i32
    %while3A_32 = arith.muli %while3A_31, %while3A_30 : i32
    %while3A_33 = arith.addi %while3A, %while3A_32 : i32
    %while3A_34 = arith.constant 1 : i32
    %while3A_35 = scf.for %while3A_48 = %while3A to %while3A_33 step %while3A_34 iter_args(%while3A_49 = %while3A_27) -> (i32)  : i32 {
      %add3A_50 = arith.addi %add3A_26, %while3A_48 : i32
      %mul3A_51 = arith.constant 128 : i32
      %mul3A_52 = arith.muli %add3A_50, %mul3A_51 : i32
      "tpu.region"() ({
        %run_scoped3A_69 = tpu.sem_alloc : memref<!tpu.dma_semaphore, #tpu.memory_space<semaphore_mem>>
        %dma_start3A = tpu.memref_slice %arg3[%mul3A_52] : memref<320000xi32, #tpu.memory_space<hbm>> -> memref<128xi32, #tpu.memory_space<hbm>>
        %dma_start3A_70 = tpu.memref_slice %arg3[%mul3A_52] : memref<320000xi32, #tpu.memory_space<hbm>> -> memref<128xi32, #tpu.memory_space<hbm>>
        tpu.enqueue_dma source(%dma_start3A_70 : memref<128xi32, #tpu.memory_space<hbm>>) target(%arg9 : memref<128xi32, #tpu.memory_space<vmem>>) target_semaphore(%run_scoped3A_69 : memref<!tpu.dma_semaphore, #tpu.memory_space<semaphore_mem>>)
        %dma_wait3A = tpu.memref_slice %arg3[%mul3A_52] : memref<320000xi32, #tpu.memory_space<hbm>> -> memref<128xi32, #tpu.memory_space<hbm>>
        %dma_wait3A_71 = tpu.memref_slice %arg3[%mul3A_52] : memref<320000xi32, #tpu.memory_space<hbm>> -> memref<128xi32, #tpu.memory_space<hbm>>
        tpu.wait_dma2 semaphore(%run_scoped3A_69 : memref<!tpu.dma_semaphore, #tpu.memory_space<semaphore_mem>>) src(%dma_wait3A_71 : memref<128xi32, #tpu.memory_space<hbm>>) dst(%arg9 : memref<128xi32, #tpu.memory_space<vmem>>)
        tpu.yield
      }) : () -> ()
      "tpu.region"() ({
        %run_scoped3A_69 = tpu.sem_alloc : memref<!tpu.dma_semaphore, #tpu.memory_space<semaphore_mem>>
        %dma_start3A = tpu.memref_slice %arg4[%mul3A_52] : memref<320000xi32, #tpu.memory_space<hbm>> -> memref<128xi32, #tpu.memory_space<hbm>>
        %dma_start3A_70 = tpu.memref_slice %arg4[%mul3A_52] : memref<320000xi32, #tpu.memory_space<hbm>> -> memref<128xi32, #tpu.memory_space<hbm>>
        tpu.enqueue_dma source(%dma_start3A_70 : memref<128xi32, #tpu.memory_space<hbm>>) target(%arg10 : memref<128xi32, #tpu.memory_space<vmem>>) target_semaphore(%run_scoped3A_69 : memref<!tpu.dma_semaphore, #tpu.memory_space<semaphore_mem>>)
        %dma_wait3A = tpu.memref_slice %arg4[%mul3A_52] : memref<320000xi32, #tpu.memory_space<hbm>> -> memref<128xi32, #tpu.memory_space<hbm>>
        %dma_wait3A_71 = tpu.memref_slice %arg4[%mul3A_52] : memref<320000xi32, #tpu.memory_space<hbm>> -> memref<128xi32, #tpu.memory_space<hbm>>
        tpu.wait_dma2 semaphore(%run_scoped3A_69 : memref<!tpu.dma_semaphore, #tpu.memory_space<semaphore_mem>>) src(%dma_wait3A_71 : memref<128xi32, #tpu.memory_space<hbm>>) dst(%arg10 : memref<128xi32, #tpu.memory_space<vmem>>)
        tpu.yield
      }) : () -> ()
      "tpu.region"() ({
        %run_scoped3A_69 = tpu.sem_alloc : memref<!tpu.dma_semaphore, #tpu.memory_space<semaphore_mem>>
        %dma_start3A = tpu.memref_slice %arg5[%mul3A_52] : memref<320000xi32, #tpu.memory_space<hbm>> -> memref<128xi32, #tpu.memory_space<hbm>>
        %dma_start3A_70 = tpu.memref_slice %arg5[%mul3A_52] : memref<320000xi32, #tpu.memory_space<hbm>> -> memref<128xi32, #tpu.memory_space<hbm>>
        tpu.enqueue_dma source(%dma_start3A_70 : memref<128xi32, #tpu.memory_space<hbm>>) target(%arg11 : memref<128xi32, #tpu.memory_space<vmem>>) target_semaphore(%run_scoped3A_69 : memref<!tpu.dma_semaphore, #tpu.memory_space<semaphore_mem>>)
        %dma_wait3A = tpu.memref_slice %arg5[%mul3A_52] : memref<320000xi32, #tpu.memory_space<hbm>> -> memref<128xi32, #tpu.memory_space<hbm>>
        %dma_wait3A_71 = tpu.memref_slice %arg5[%mul3A_52] : memref<320000xi32, #tpu.memory_space<hbm>> -> memref<128xi32, #tpu.memory_space<hbm>>
        tpu.wait_dma2 semaphore(%run_scoped3A_69 : memref<!tpu.dma_semaphore, #tpu.memory_space<semaphore_mem>>) src(%dma_wait3A_71 : memref<128xi32, #tpu.memory_space<hbm>>) dst(%arg11 : memref<128xi32, #tpu.memory_space<vmem>>)
        tpu.yield
      }) : () -> ()
      "tpu.region"() ({
        %run_scoped3A_69 = tpu.sem_alloc : memref<!tpu.dma_semaphore, #tpu.memory_space<semaphore_mem>>
        %dma_start3A = tpu.memref_slice %arg6[%mul3A_52] : memref<320000xf32, #tpu.memory_space<hbm>> -> memref<128xf32, #tpu.memory_space<hbm>>
        %dma_start3A_70 = tpu.memref_slice %arg6[%mul3A_52] : memref<320000xf32, #tpu.memory_space<hbm>> -> memref<128xf32, #tpu.memory_space<hbm>>
        tpu.enqueue_dma source(%dma_start3A_70 : memref<128xf32, #tpu.memory_space<hbm>>) target(%arg12 : memref<128xf32, #tpu.memory_space<vmem>>) target_semaphore(%run_scoped3A_69 : memref<!tpu.dma_semaphore, #tpu.memory_space<semaphore_mem>>)
        %dma_wait3A = tpu.memref_slice %arg6[%mul3A_52] : memref<320000xf32, #tpu.memory_space<hbm>> -> memref<128xf32, #tpu.memory_space<hbm>>
        %dma_wait3A_71 = tpu.memref_slice %arg6[%mul3A_52] : memref<320000xf32, #tpu.memory_space<hbm>> -> memref<128xf32, #tpu.memory_space<hbm>>
        tpu.wait_dma2 semaphore(%run_scoped3A_69 : memref<!tpu.dma_semaphore, #tpu.memory_space<semaphore_mem>>) src(%dma_wait3A_71 : memref<128xf32, #tpu.memory_space<hbm>>) dst(%arg12 : memref<128xf32, #tpu.memory_space<vmem>>)
        tpu.yield
      }) : () -> ()
      %scan3A_53 = arith.constant 0 : i32
      %scan3A_54 = arith.constant 0 : i32
      %scan3A_55 = arith.constant 8 : i32
      %scan3A_56 = arith.addi %scan3A_54, %scan3A_55 : i32
      %scan3A_57 = arith.constant 1 : i32
      %scan3A_58 = scf.for %scan3A_69 = %scan3A_54 to %scan3A_56 step %scan3A_57 iter_args(%scan3A_70 = %scan3A_53) -> (i32)  : i32 {
        %mul3A_71 = arith.constant 16 : i32
        %mul3A_72 = arith.muli %scan3A_69, %mul3A_71 : i32
        %get3A = arith.index_cast %mul3A_72 : i32 to index
        %get3A_73 = tpu.vector_load %arg9[%get3A] {strides = array<i32>} : memref<128xi32, #tpu.memory_space<vmem>>, vector<16xi32>,
        %mul3A_74 = arith.constant 16 : i32
        %mul3A_75 = arith.muli %scan3A_69, %mul3A_74 : i32
        %get3A_76 = arith.index_cast %mul3A_75 : i32 to index
        %get3A_77 = tpu.vector_load %arg11[%get3A_76] {strides = array<i32>} : memref<128xi32, #tpu.memory_space<vmem>>, vector<16xi32>,
        %mul3A_78 = arith.constant 10000 : i32
        %mul3A_79 = vector.broadcast %mul3A_78 : i32 to vector<16xi32>
        %mul3A_80 = arith.muli %get3A_77, %mul3A_79 : vector<16xi32>
        %add3A_81 = arith.addi %mul3A_80, %get3A_73 : vector<16xi32>
        %mul3A_82 = arith.constant 16 : i32
        %mul3A_83 = arith.muli %scan3A_69, %mul3A_82 : i32
        %swap3A = arith.constant 0 : i32
        %swap3A_84 = arith.index_cast %swap3A : i32 to index
        %swap3A_85 = arith.index_cast %mul3A_83 : i32 to index
        %swap3A_86 = tpu.vector_load %arg8[%swap3A_84, %swap3A_85] {strides = array<i32>} : memref<2x128xi32, #tpu.memory_space<vmem>>, vector<16xi32>,
        tpu.vector_store %arg8[%swap3A_84, %swap3A_85], %add3A_81 {strides = array<i32>} : memref<2x128xi32, #tpu.memory_space<vmem>>, vector<16xi32>,
        %mul3A_87 = arith.constant 16 : i32
        %mul3A_88 = arith.muli %scan3A_69, %mul3A_87 : i32
        %get3A_89 = arith.index_cast %mul3A_88 : i32 to index
        %get3A_90 = tpu.vector_load %arg10[%get3A_89] {strides = array<i32>} : memref<128xi32, #tpu.memory_space<vmem>>, vector<16xi32>,
        %mul3A_91 = arith.constant 16 : i32
        %mul3A_92 = arith.muli %scan3A_69, %mul3A_91 : i32
        %swap3A_93 = arith.constant 1 : i32
        %swap3A_94 = arith.index_cast %swap3A_93 : i32 to index
        %swap3A_95 = arith.index_cast %mul3A_92 : i32 to index
        %swap3A_96 = tpu.vector_load %arg8[%swap3A_94, %swap3A_95] {strides = array<i32>} : memref<2x128xi32, #tpu.memory_space<vmem>>, vector<16xi32>,
        tpu.vector_store %arg8[%swap3A_94, %swap3A_95], %get3A_90 {strides = array<i32>} : memref<2x128xi32, #tpu.memory_space<vmem>>, vector<16xi32>,
        %scan3A_97 = arith.constant 0 : i32
        scf.yield %scan3A_97 : i32
      }
      %scan3A_59 = arith.constant 8 : i32
      %run_scoped3A = arith.constant 0 : i32
      "tpu.region"() ({
        %run_scoped3A_69 = tpu.sem_alloc : memref<!tpu.dma_semaphore, #tpu.memory_space<semaphore_mem>>
        %dma_start3A = arith.constant 0 : i32
        %dma_start3A_70 = tpu.memref_slice %arg8[%run_scoped3A, %dma_start3A] : memref<2x128xi32, #tpu.memory_space<vmem>> -> memref<1x128xi32, #tpu.memory_space<vmem>>
        %dma_start3A_71 = tpu.memref_squeeze %dma_start3A_70 : memref<1x128xi32, #tpu.memory_space<vmem>> -> memref<128xi32, #tpu.memory_space<vmem>>
        %dma_start3A_72 = arith.constant 0 : i32
        %dma_start3A_73 = arith.constant 0 : i32
        %dma_start3A_74 = tpu.memref_slice %arg2[%dma_start3A_72, %dma_start3A_73] : memref<80000x128xf32, #tpu.memory_space<hbm>> -> memref<80000x128xf32, #tpu.memory_space<hbm>>
        tpu.enqueue_indirect_dma source(%dma_start3A_74 : memref<80000x128xf32, #tpu.memory_space<hbm>>) target(%arg13 : memref<128x128xf32, #tpu.memory_space<vmem>>) offsets(%dma_start3A_71 : memref<128xi32, #tpu.memory_space<vmem>>) semaphore(%run_scoped3A_69 : memref<!tpu.dma_semaphore, #tpu.memory_space<semaphore_mem>>)
        %dma_wait3A = arith.constant 0 : i32
        %dma_wait3A_75 = tpu.memref_slice %arg8[%run_scoped3A, %dma_wait3A] : memref<2x128xi32, #tpu.memory_space<vmem>> -> memref<1x128xi32, #tpu.memory_space<vmem>>
        %dma_wait3A_76 = tpu.memref_squeeze %dma_wait3A_75 : memref<1x128xi32, #tpu.memory_space<vmem>> -> memref<128xi32, #tpu.memory_space<vmem>>
        %dma_wait3A_77 = arith.constant 0 : i32
        %dma_wait3A_78 = arith.constant 0 : i32
        %dma_wait3A_79 = tpu.memref_slice %arg2[%dma_wait3A_77, %dma_wait3A_78] : memref<80000x128xf32, #tpu.memory_space<hbm>> -> memref<80000x128xf32, #tpu.memory_space<hbm>>
        tpu.wait_indirect_dma semaphore(%run_scoped3A_69 : memref<!tpu.dma_semaphore, #tpu.memory_space<semaphore_mem>>) src(%dma_wait3A_79 : memref<80000x128xf32, #tpu.memory_space<hbm>>) dst(%arg13 : memref<128x128xf32, #tpu.memory_space<vmem>>)
        tpu.yield
      }) : () -> ()
      %scan3A_60 = arith.constant 0 : i32
      %scan3A_61 = arith.constant 0 : i32
      %scan3A_62 = arith.constant 128 : i32
      %scan3A_63 = arith.addi %scan3A_61, %scan3A_62 : i32
      %scan3A_64 = arith.constant 1 : i32
      %scan3A_65 = scf.for %scan3A_69 = %scan3A_61 to %scan3A_63 step %scan3A_64 iter_args(%scan3A_70 = %scan3A_60) -> (i32)  : i32 {
        %broadcast_in_dim3A = arith.constant 1 : i32
        %broadcast_in_dim3A_71 = vector.broadcast %broadcast_in_dim3A : i32 to vector<16xi32>
        %mul3A_72 = vector.broadcast %scan3A_69 : i32 to vector<16xi32>
        %mul3A_73 = arith.muli %mul3A_72, %broadcast_in_dim3A_71 : vector<16xi32>
        %gather3A = tpu.vector_load_idx %arg12[%mul3A_73] : memref<128xf32, #tpu.memory_space<vmem>>[vector<16xi32>], vector<16xf32>,
        %get3A = arith.index_cast %scan3A_69 : i32 to index
        %get3A_74 = arith.constant 0 : index
        %get3A_75 = tpu.vector_load %arg13[%get3A, %get3A_74] {strides = array<i32>} : memref<128x128xf32, #tpu.memory_space<vmem>>, vector<16xf32>,
        %mul3A_76 = arith.mulf %get3A_75, %gather3A : vector<16xf32>
        %swap3A = arith.index_cast %scan3A_69 : i32 to index
        %swap3A_77 = arith.constant 0 : index
        %swap3A_78 = tpu.vector_load %arg13[%swap3A, %swap3A_77] {strides = array<i32>} : memref<128x128xf32, #tpu.memory_space<vmem>>, vector<16xf32>,
        tpu.vector_store %arg13[%swap3A, %swap3A_77], %mul3A_76 {strides = array<i32>} : memref<128x128xf32, #tpu.memory_space<vmem>>, vector<16xf32>,
        %get3A_79 = arith.index_cast %scan3A_69 : i32 to index
        %get3A_80 = arith.constant 16 : index
        %get3A_81 = tpu.vector_load %arg13[%get3A_79, %get3A_80] {strides = array<i32>} : memref<128x128xf32, #tpu.memory_space<vmem>>, vector<16xf32>,
        %mul3A_82 = arith.mulf %get3A_81, %gather3A : vector<16xf32>
        %swap3A_83 = arith.index_cast %scan3A_69 : i32 to index
        %swap3A_84 = arith.constant 16 : index
        %swap3A_85 = tpu.vector_load %arg13[%swap3A_83, %swap3A_84] {strides = array<i32>} : memref<128x128xf32, #tpu.memory_space<vmem>>, vector<16xf32>,
        tpu.vector_store %arg13[%swap3A_83, %swap3A_84], %mul3A_82 {strides = array<i32>} : memref<128x128xf32, #tpu.memory_space<vmem>>, vector<16xf32>,
        %get3A_86 = arith.index_cast %scan3A_69 : i32 to index
        %get3A_87 = arith.constant 32 : index
        %get3A_88 = tpu.vector_load %arg13[%get3A_86, %get3A_87] {strides = array<i32>} : memref<128x128xf32, #tpu.memory_space<vmem>>, vector<16xf32>,
        %mul3A_89 = arith.mulf %get3A_88, %gather3A : vector<16xf32>
        %swap3A_90 = arith.index_cast %scan3A_69 : i32 to index
        %swap3A_91 = arith.constant 32 : index
        %swap3A_92 = tpu.vector_load %arg13[%swap3A_90, %swap3A_91] {strides = array<i32>} : memref<128x128xf32, #tpu.memory_space<vmem>>, vector<16xf32>,
        tpu.vector_store %arg13[%swap3A_90, %swap3A_91], %mul3A_89 {strides = array<i32>} : memref<128x128xf32, #tpu.memory_space<vmem>>, vector<16xf32>,
        %get3A_93 = arith.index_cast %scan3A_69 : i32 to index
        %get3A_94 = arith.constant 48 : index
        %get3A_95 = tpu.vector_load %arg13[%get3A_93, %get3A_94] {strides = array<i32>} : memref<128x128xf32, #tpu.memory_space<vmem>>, vector<16xf32>,
        %mul3A_96 = arith.mulf %get3A_95, %gather3A : vector<16xf32>
        %swap3A_97 = arith.index_cast %scan3A_69 : i32 to index
        %swap3A_98 = arith.constant 48 : index
        %swap3A_99 = tpu.vector_load %arg13[%swap3A_97, %swap3A_98] {strides = array<i32>} : memref<128x128xf32, #tpu.memory_space<vmem>>, vector<16xf32>,
        tpu.vector_store %arg13[%swap3A_97, %swap3A_98], %mul3A_96 {strides = array<i32>} : memref<128x128xf32, #tpu.memory_space<vmem>>, vector<16xf32>,
        %get3A_100 = arith.index_cast %scan3A_69 : i32 to index
        %get3A_101 = arith.constant 64 : index
        %get3A_102 = tpu.vector_load %arg13[%get3A_100, %get3A_101] {strides = array<i32>} : memref<128x128xf32, #tpu.memory_space<vmem>>, vector<16xf32>,
        %mul3A_103 = arith.mulf %get3A_102, %gather3A : vector<16xf32>
        %swap3A_104 = arith.index_cast %scan3A_69 : i32 to index
        %swap3A_105 = arith.constant 64 : index
        %swap3A_106 = tpu.vector_load %arg13[%swap3A_104, %swap3A_105] {strides = array<i32>} : memref<128x128xf32, #tpu.memory_space<vmem>>, vector<16xf32>,
        tpu.vector_store %arg13[%swap3A_104, %swap3A_105], %mul3A_103 {strides = array<i32>} : memref<128x128xf32, #tpu.memory_space<vmem>>, vector<16xf32>,
        %get3A_107 = arith.index_cast %scan3A_69 : i32 to index
        %get3A_108 = arith.constant 80 : index
        %get3A_109 = tpu.vector_load %arg13[%get3A_107, %get3A_108] {strides = array<i32>} : memref<128x128xf32, #tpu.memory_space<vmem>>, vector<16xf32>,
        %mul3A_110 = arith.mulf %get3A_109, %gather3A : vector<16xf32>
        %swap3A_111 = arith.index_cast %scan3A_69 : i32 to index
        %swap3A_112 = arith.constant 80 : index
        %swap3A_113 = tpu.vector_load %arg13[%swap3A_111, %swap3A_112] {strides = array<i32>} : memref<128x128xf32, #tpu.memory_space<vmem>>, vector<16xf32>,
        tpu.vector_store %arg13[%swap3A_111, %swap3A_112], %mul3A_110 {strides = array<i32>} : memref<128x128xf32, #tpu.memory_space<vmem>>, vector<16xf32>,
        %get3A_114 = arith.index_cast %scan3A_69 : i32 to index
        %get3A_115 = arith.constant 96 : index
        %get3A_116 = tpu.vector_load %arg13[%get3A_114, %get3A_115] {strides = array<i32>} : memref<128x128xf32, #tpu.memory_space<vmem>>, vector<16xf32>,
        %mul3A_117 = arith.mulf %get3A_116, %gather3A : vector<16xf32>
        %swap3A_118 = arith.index_cast %scan3A_69 : i32 to index
        %swap3A_119 = arith.constant 96 : index
        %swap3A_120 = tpu.vector_load %arg13[%swap3A_118, %swap3A_119] {strides = array<i32>} : memref<128x128xf32, #tpu.memory_space<vmem>>, vector<16xf32>,
        tpu.vector_store %arg13[%swap3A_118, %swap3A_119], %mul3A_117 {strides = array<i32>} : memref<128x128xf32, #tpu.memory_space<vmem>>, vector<16xf32>,
        %get3A_121 = arith.index_cast %scan3A_69 : i32 to index
        %get3A_122 = arith.constant 112 : index
        %get3A_123 = tpu.vector_load %arg13[%get3A_121, %get3A_122] {strides = array<i32>} : memref<128x128xf32, #tpu.memory_space<vmem>>, vector<16xf32>,
        %mul3A_124 = arith.mulf %get3A_123, %gather3A : vector<16xf32>
        %swap3A_125 = arith.index_cast %scan3A_69 : i32 to index
        %swap3A_126 = arith.constant 112 : index
        %swap3A_127 = tpu.vector_load %arg13[%swap3A_125, %swap3A_126] {strides = array<i32>} : memref<128x128xf32, #tpu.memory_space<vmem>>, vector<16xf32>,
        tpu.vector_store %arg13[%swap3A_125, %swap3A_126], %mul3A_124 {strides = array<i32>} : memref<128x128xf32, #tpu.memory_space<vmem>>, vector<16xf32>,
        %scan3A_128 = arith.constant 0 : i32
        scf.yield %scan3A_128 : i32
      }
      %scan3A_66 = arith.constant 128 : i32
      %run_scoped3A_67 = arith.constant 1 : i32
      "tpu.region"() ({
        %run_scoped3A_69 = tpu.sem_alloc : memref<!tpu.dma_semaphore, #tpu.memory_space<semaphore_mem>>
        %dma_start3A = arith.constant 0 : i32
        %dma_start3A_70 = tpu.memref_slice %arg8[%run_scoped3A_67, %dma_start3A] : memref<2x128xi32, #tpu.memory_space<vmem>> -> memref<1x128xi32, #tpu.memory_space<vmem>>
        %dma_start3A_71 = tpu.memref_squeeze %dma_start3A_70 : memref<1x128xi32, #tpu.memory_space<vmem>> -> memref<128xi32, #tpu.memory_space<vmem>>
        %dma_start3A_72 = arith.constant 0 : i32
        %dma_start3A_73 = arith.constant 0 : i32
        %dma_start3A_74 = tpu.memref_slice %arg14[%dma_start3A_72, %dma_start3A_73] : memref<10000x128xf32, #tpu.memory_space<vmem_shared>> -> memref<10000x128xf32, #tpu.memory_space<vmem_shared>>
        tpu.enqueue_indirect_dma source(%arg13 : memref<128x128xf32, #tpu.memory_space<vmem>>) target(%dma_start3A_74 : memref<10000x128xf32, #tpu.memory_space<vmem_shared>>) offsets(%dma_start3A_71 : memref<128xi32, #tpu.memory_space<vmem>>) semaphore(%run_scoped3A_69 : memref<!tpu.dma_semaphore, #tpu.memory_space<semaphore_mem>>) {add = true}
        %dma_wait3A = arith.constant 0 : i32
        %dma_wait3A_75 = tpu.memref_slice %arg8[%run_scoped3A_67, %dma_wait3A] : memref<2x128xi32, #tpu.memory_space<vmem>> -> memref<1x128xi32, #tpu.memory_space<vmem>>
        %dma_wait3A_76 = tpu.memref_squeeze %dma_wait3A_75 : memref<1x128xi32, #tpu.memory_space<vmem>> -> memref<128xi32, #tpu.memory_space<vmem>>
        %dma_wait3A_77 = arith.constant 0 : i32
        %dma_wait3A_78 = arith.constant 0 : i32
        %dma_wait3A_79 = tpu.memref_slice %arg14[%dma_wait3A_77, %dma_wait3A_78] : memref<10000x128xf32, #tpu.memory_space<vmem_shared>> -> memref<10000x128xf32, #tpu.memory_space<vmem_shared>>
        tpu.wait_indirect_dma semaphore(%run_scoped3A_69 : memref<!tpu.dma_semaphore, #tpu.memory_space<semaphore_mem>>) src(%arg13 : memref<128x128xf32, #tpu.memory_space<vmem>>) dst(%dma_wait3A_79 : memref<10000x128xf32, #tpu.memory_space<vmem_shared>>)
        tpu.yield
      }) : () -> ()
      %while3A_68 = arith.constant 0 : i32
      scf.yield %while3A_68 : i32
    }
    %while3A_36 = arith.constant 1 : i32
    %while3A_37 = scf.for %while3A_48 = %while3A_33 to %while3A_29 step %while3A_36 iter_args(%while3A_49 = %while3A_35) -> (i32)  : i32 {
      %add3A_50 = arith.addi %add3A_26, %while3A_48 : i32
      %mul3A_51 = arith.constant 128 : i32
      %mul3A_52 = arith.muli %add3A_50, %mul3A_51 : i32
      "tpu.region"() ({
        %run_scoped3A_69 = tpu.sem_alloc : memref<!tpu.dma_semaphore, #tpu.memory_space<semaphore_mem>>
        %dma_start3A = tpu.memref_slice %arg3[%mul3A_52] : memref<320000xi32, #tpu.memory_space<hbm>> -> memref<128xi32, #tpu.memory_space<hbm>>
        %dma_start3A_70 = tpu.memref_slice %arg3[%mul3A_52] : memref<320000xi32, #tpu.memory_space<hbm>> -> memref<128xi32, #tpu.memory_space<hbm>>
        tpu.enqueue_dma source(%dma_start3A_70 : memref<128xi32, #tpu.memory_space<hbm>>) target(%arg9 : memref<128xi32, #tpu.memory_space<vmem>>) target_semaphore(%run_scoped3A_69 : memref<!tpu.dma_semaphore, #tpu.memory_space<semaphore_mem>>)
        %dma_wait3A = tpu.memref_slice %arg3[%mul3A_52] : memref<320000xi32, #tpu.memory_space<hbm>> -> memref<128xi32, #tpu.memory_space<hbm>>
        %dma_wait3A_71 = tpu.memref_slice %arg3[%mul3A_52] : memref<320000xi32, #tpu.memory_space<hbm>> -> memref<128xi32, #tpu.memory_space<hbm>>
        tpu.wait_dma2 semaphore(%run_scoped3A_69 : memref<!tpu.dma_semaphore, #tpu.memory_space<semaphore_mem>>) src(%dma_wait3A_71 : memref<128xi32, #tpu.memory_space<hbm>>) dst(%arg9 : memref<128xi32, #tpu.memory_space<vmem>>)
        tpu.yield
      }) : () -> ()
      "tpu.region"() ({
        %run_scoped3A_69 = tpu.sem_alloc : memref<!tpu.dma_semaphore, #tpu.memory_space<semaphore_mem>>
        %dma_start3A = tpu.memref_slice %arg4[%mul3A_52] : memref<320000xi32, #tpu.memory_space<hbm>> -> memref<128xi32, #tpu.memory_space<hbm>>
        %dma_start3A_70 = tpu.memref_slice %arg4[%mul3A_52] : memref<320000xi32, #tpu.memory_space<hbm>> -> memref<128xi32, #tpu.memory_space<hbm>>
        tpu.enqueue_dma source(%dma_start3A_70 : memref<128xi32, #tpu.memory_space<hbm>>) target(%arg10 : memref<128xi32, #tpu.memory_space<vmem>>) target_semaphore(%run_scoped3A_69 : memref<!tpu.dma_semaphore, #tpu.memory_space<semaphore_mem>>)
        %dma_wait3A = tpu.memref_slice %arg4[%mul3A_52] : memref<320000xi32, #tpu.memory_space<hbm>> -> memref<128xi32, #tpu.memory_space<hbm>>
        %dma_wait3A_71 = tpu.memref_slice %arg4[%mul3A_52] : memref<320000xi32, #tpu.memory_space<hbm>> -> memref<128xi32, #tpu.memory_space<hbm>>
        tpu.wait_dma2 semaphore(%run_scoped3A_69 : memref<!tpu.dma_semaphore, #tpu.memory_space<semaphore_mem>>) src(%dma_wait3A_71 : memref<128xi32, #tpu.memory_space<hbm>>) dst(%arg10 : memref<128xi32, #tpu.memory_space<vmem>>)
        tpu.yield
      }) : () -> ()
      "tpu.region"() ({
        %run_scoped3A_69 = tpu.sem_alloc : memref<!tpu.dma_semaphore, #tpu.memory_space<semaphore_mem>>
        %dma_start3A = tpu.memref_slice %arg5[%mul3A_52] : memref<320000xi32, #tpu.memory_space<hbm>> -> memref<128xi32, #tpu.memory_space<hbm>>
        %dma_start3A_70 = tpu.memref_slice %arg5[%mul3A_52] : memref<320000xi32, #tpu.memory_space<hbm>> -> memref<128xi32, #tpu.memory_space<hbm>>
        tpu.enqueue_dma source(%dma_start3A_70 : memref<128xi32, #tpu.memory_space<hbm>>) target(%arg11 : memref<128xi32, #tpu.memory_space<vmem>>) target_semaphore(%run_scoped3A_69 : memref<!tpu.dma_semaphore, #tpu.memory_space<semaphore_mem>>)
        %dma_wait3A = tpu.memref_slice %arg5[%mul3A_52] : memref<320000xi32, #tpu.memory_space<hbm>> -> memref<128xi32, #tpu.memory_space<hbm>>
        %dma_wait3A_71 = tpu.memref_slice %arg5[%mul3A_52] : memref<320000xi32, #tpu.memory_space<hbm>> -> memref<128xi32, #tpu.memory_space<hbm>>
        tpu.wait_dma2 semaphore(%run_scoped3A_69 : memref<!tpu.dma_semaphore, #tpu.memory_space<semaphore_mem>>) src(%dma_wait3A_71 : memref<128xi32, #tpu.memory_space<hbm>>) dst(%arg11 : memref<128xi32, #tpu.memory_space<vmem>>)
        tpu.yield
      }) : () -> ()
      "tpu.region"() ({
        %run_scoped3A_69 = tpu.sem_alloc : memref<!tpu.dma_semaphore, #tpu.memory_space<semaphore_mem>>
        %dma_start3A = tpu.memref_slice %arg6[%mul3A_52] : memref<320000xf32, #tpu.memory_space<hbm>> -> memref<128xf32, #tpu.memory_space<hbm>>
        %dma_start3A_70 = tpu.memref_slice %arg6[%mul3A_52] : memref<320000xf32, #tpu.memory_space<hbm>> -> memref<128xf32, #tpu.memory_space<hbm>>
        tpu.enqueue_dma source(%dma_start3A_70 : memref<128xf32, #tpu.memory_space<hbm>>) target(%arg12 : memref<128xf32, #tpu.memory_space<vmem>>) target_semaphore(%run_scoped3A_69 : memref<!tpu.dma_semaphore, #tpu.memory_space<semaphore_mem>>)
        %dma_wait3A = tpu.memref_slice %arg6[%mul3A_52] : memref<320000xf32, #tpu.memory_space<hbm>> -> memref<128xf32, #tpu.memory_space<hbm>>
        %dma_wait3A_71 = tpu.memref_slice %arg6[%mul3A_52] : memref<320000xf32, #tpu.memory_space<hbm>> -> memref<128xf32, #tpu.memory_space<hbm>>
        tpu.wait_dma2 semaphore(%run_scoped3A_69 : memref<!tpu.dma_semaphore, #tpu.memory_space<semaphore_mem>>) src(%dma_wait3A_71 : memref<128xf32, #tpu.memory_space<hbm>>) dst(%arg12 : memref<128xf32, #tpu.memory_space<vmem>>)
        tpu.yield
      }) : () -> ()
      %scan3A_53 = arith.constant 0 : i32
      %scan3A_54 = arith.constant 0 : i32
      %scan3A_55 = arith.constant 8 : i32
      %scan3A_56 = arith.addi %scan3A_54, %scan3A_55 : i32
      %scan3A_57 = arith.constant 1 : i32
      %scan3A_58 = scf.for %scan3A_69 = %scan3A_54 to %scan3A_56 step %scan3A_57 iter_args(%scan3A_70 = %scan3A_53) -> (i32)  : i32 {
        %mul3A_71 = arith.constant 16 : i32
        %mul3A_72 = arith.muli %scan3A_69, %mul3A_71 : i32
        %get3A = arith.index_cast %mul3A_72 : i32 to index
        %get3A_73 = tpu.vector_load %arg9[%get3A] {strides = array<i32>} : memref<128xi32, #tpu.memory_space<vmem>>, vector<16xi32>,
        %mul3A_74 = arith.constant 16 : i32
        %mul3A_75 = arith.muli %scan3A_69, %mul3A_74 : i32
        %get3A_76 = arith.index_cast %mul3A_75 : i32 to index
        %get3A_77 = tpu.vector_load %arg11[%get3A_76] {strides = array<i32>} : memref<128xi32, #tpu.memory_space<vmem>>, vector<16xi32>,
        %mul3A_78 = arith.constant 10000 : i32
        %mul3A_79 = vector.broadcast %mul3A_78 : i32 to vector<16xi32>
        %mul3A_80 = arith.muli %get3A_77, %mul3A_79 : vector<16xi32>
        %add3A_81 = arith.addi %mul3A_80, %get3A_73 : vector<16xi32>
        %mul3A_82 = arith.constant 16 : i32
        %mul3A_83 = arith.muli %scan3A_69, %mul3A_82 : i32
        %swap3A = arith.constant 0 : i32
        %swap3A_84 = arith.index_cast %swap3A : i32 to index
        %swap3A_85 = arith.index_cast %mul3A_83 : i32 to index
        %swap3A_86 = tpu.vector_load %arg8[%swap3A_84, %swap3A_85] {strides = array<i32>} : memref<2x128xi32, #tpu.memory_space<vmem>>, vector<16xi32>,
        tpu.vector_store %arg8[%swap3A_84, %swap3A_85], %add3A_81 {strides = array<i32>} : memref<2x128xi32, #tpu.memory_space<vmem>>, vector<16xi32>,
        %mul3A_87 = arith.constant 16 : i32
        %mul3A_88 = arith.muli %scan3A_69, %mul3A_87 : i32
        %get3A_89 = arith.index_cast %mul3A_88 : i32 to index
        %get3A_90 = tpu.vector_load %arg10[%get3A_89] {strides = array<i32>} : memref<128xi32, #tpu.memory_space<vmem>>, vector<16xi32>,
        %mul3A_91 = arith.constant 16 : i32
        %mul3A_92 = arith.muli %scan3A_69, %mul3A_91 : i32
        %swap3A_93 = arith.constant 1 : i32
        %swap3A_94 = arith.index_cast %swap3A_93 : i32 to index
        %swap3A_95 = arith.index_cast %mul3A_92 : i32 to index
        %swap3A_96 = tpu.vector_load %arg8[%swap3A_94, %swap3A_95] {strides = array<i32>} : memref<2x128xi32, #tpu.memory_space<vmem>>, vector<16xi32>,
        tpu.vector_store %arg8[%swap3A_94, %swap3A_95], %get3A_90 {strides = array<i32>} : memref<2x128xi32, #tpu.memory_space<vmem>>, vector<16xi32>,
        %scan3A_97 = arith.constant 0 : i32
        scf.yield %scan3A_97 : i32
      }
      %scan3A_59 = arith.constant 8 : i32
      %run_scoped3A = arith.constant 0 : i32
      "tpu.region"() ({
        %run_scoped3A_69 = tpu.sem_alloc : memref<!tpu.dma_semaphore, #tpu.memory_space<semaphore_mem>>
        %dma_start3A = arith.constant 0 : i32
        %dma_start3A_70 = tpu.memref_slice %arg8[%run_scoped3A, %dma_start3A] : memref<2x128xi32, #tpu.memory_space<vmem>> -> memref<1x128xi32, #tpu.memory_space<vmem>>
        %dma_start3A_71 = tpu.memref_squeeze %dma_start3A_70 : memref<1x128xi32, #tpu.memory_space<vmem>> -> memref<128xi32, #tpu.memory_space<vmem>>
        %dma_start3A_72 = arith.constant 0 : i32
        %dma_start3A_73 = arith.constant 0 : i32
        %dma_start3A_74 = tpu.memref_slice %arg2[%dma_start3A_72, %dma_start3A_73] : memref<80000x128xf32, #tpu.memory_space<hbm>> -> memref<80000x128xf32, #tpu.memory_space<hbm>>
        tpu.enqueue_indirect_dma source(%dma_start3A_74 : memref<80000x128xf32, #tpu.memory_space<hbm>>) target(%arg13 : memref<128x128xf32, #tpu.memory_space<vmem>>) offsets(%dma_start3A_71 : memref<128xi32, #tpu.memory_space<vmem>>) semaphore(%run_scoped3A_69 : memref<!tpu.dma_semaphore, #tpu.memory_space<semaphore_mem>>)
        %dma_wait3A = arith.constant 0 : i32
        %dma_wait3A_75 = tpu.memref_slice %arg8[%run_scoped3A, %dma_wait3A] : memref<2x128xi32, #tpu.memory_space<vmem>> -> memref<1x128xi32, #tpu.memory_space<vmem>>
        %dma_wait3A_76 = tpu.memref_squeeze %dma_wait3A_75 : memref<1x128xi32, #tpu.memory_space<vmem>> -> memref<128xi32, #tpu.memory_space<vmem>>
        %dma_wait3A_77 = arith.constant 0 : i32
        %dma_wait3A_78 = arith.constant 0 : i32
        %dma_wait3A_79 = tpu.memref_slice %arg2[%dma_wait3A_77, %dma_wait3A_78] : memref<80000x128xf32, #tpu.memory_space<hbm>> -> memref<80000x128xf32, #tpu.memory_space<hbm>>
        tpu.wait_indirect_dma semaphore(%run_scoped3A_69 : memref<!tpu.dma_semaphore, #tpu.memory_space<semaphore_mem>>) src(%dma_wait3A_79 : memref<80000x128xf32, #tpu.memory_space<hbm>>) dst(%arg13 : memref<128x128xf32, #tpu.memory_space<vmem>>)
        tpu.yield
      }) : () -> ()
      %scan3A_60 = arith.constant 0 : i32
      %scan3A_61 = arith.constant 0 : i32
      %scan3A_62 = arith.constant 128 : i32
      %scan3A_63 = arith.addi %scan3A_61, %scan3A_62 : i32
      %scan3A_64 = arith.constant 1 : i32
      %scan3A_65 = scf.for %scan3A_69 = %scan3A_61 to %scan3A_63 step %scan3A_64 iter_args(%scan3A_70 = %scan3A_60) -> (i32)  : i32 {
        %broadcast_in_dim3A = arith.constant 1 : i32
        %broadcast_in_dim3A_71 = vector.broadcast %broadcast_in_dim3A : i32 to vector<16xi32>
        %mul3A_72 = vector.broadcast %scan3A_69 : i32 to vector<16xi32>
        %mul3A_73 = arith.muli %mul3A_72, %broadcast_in_dim3A_71 : vector<16xi32>
        %gather3A = tpu.vector_load_idx %arg12[%mul3A_73] : memref<128xf32, #tpu.memory_space<vmem>>[vector<16xi32>], vector<16xf32>,
        %get3A = arith.index_cast %scan3A_69 : i32 to index
        %get3A_74 = arith.constant 0 : index
        %get3A_75 = tpu.vector_load %arg13[%get3A, %get3A_74] {strides = array<i32>} : memref<128x128xf32, #tpu.memory_space<vmem>>, vector<16xf32>,
        %mul3A_76 = arith.mulf %get3A_75, %gather3A : vector<16xf32>
        %swap3A = arith.index_cast %scan3A_69 : i32 to index
        %swap3A_77 = arith.constant 0 : index
        %swap3A_78 = tpu.vector_load %arg13[%swap3A, %swap3A_77] {strides = array<i32>} : memref<128x128xf32, #tpu.memory_space<vmem>>, vector<16xf32>,
        tpu.vector_store %arg13[%swap3A, %swap3A_77], %mul3A_76 {strides = array<i32>} : memref<128x128xf32, #tpu.memory_space<vmem>>, vector<16xf32>,
        %get3A_79 = arith.index_cast %scan3A_69 : i32 to index
        %get3A_80 = arith.constant 16 : index
        %get3A_81 = tpu.vector_load %arg13[%get3A_79, %get3A_80] {strides = array<i32>} : memref<128x128xf32, #tpu.memory_space<vmem>>, vector<16xf32>,
        %mul3A_82 = arith.mulf %get3A_81, %gather3A : vector<16xf32>
        %swap3A_83 = arith.index_cast %scan3A_69 : i32 to index
        %swap3A_84 = arith.constant 16 : index
        %swap3A_85 = tpu.vector_load %arg13[%swap3A_83, %swap3A_84] {strides = array<i32>} : memref<128x128xf32, #tpu.memory_space<vmem>>, vector<16xf32>,
        tpu.vector_store %arg13[%swap3A_83, %swap3A_84], %mul3A_82 {strides = array<i32>} : memref<128x128xf32, #tpu.memory_space<vmem>>, vector<16xf32>,
        %get3A_86 = arith.index_cast %scan3A_69 : i32 to index
        %get3A_87 = arith.constant 32 : index
        %get3A_88 = tpu.vector_load %arg13[%get3A_86, %get3A_87] {strides = array<i32>} : memref<128x128xf32, #tpu.memory_space<vmem>>, vector<16xf32>,
        %mul3A_89 = arith.mulf %get3A_88, %gather3A : vector<16xf32>
        %swap3A_90 = arith.index_cast %scan3A_69 : i32 to index
        %swap3A_91 = arith.constant 32 : index
        %swap3A_92 = tpu.vector_load %arg13[%swap3A_90, %swap3A_91] {strides = array<i32>} : memref<128x128xf32, #tpu.memory_space<vmem>>, vector<16xf32>,
        tpu.vector_store %arg13[%swap3A_90, %swap3A_91], %mul3A_89 {strides = array<i32>} : memref<128x128xf32, #tpu.memory_space<vmem>>, vector<16xf32>,
        %get3A_93 = arith.index_cast %scan3A_69 : i32 to index
        %get3A_94 = arith.constant 48 : index
        %get3A_95 = tpu.vector_load %arg13[%get3A_93, %get3A_94] {strides = array<i32>} : memref<128x128xf32, #tpu.memory_space<vmem>>, vector<16xf32>,
        %mul3A_96 = arith.mulf %get3A_95, %gather3A : vector<16xf32>
        %swap3A_97 = arith.index_cast %scan3A_69 : i32 to index
        %swap3A_98 = arith.constant 48 : index
        %swap3A_99 = tpu.vector_load %arg13[%swap3A_97, %swap3A_98] {strides = array<i32>} : memref<128x128xf32, #tpu.memory_space<vmem>>, vector<16xf32>,
        tpu.vector_store %arg13[%swap3A_97, %swap3A_98], %mul3A_96 {strides = array<i32>} : memref<128x128xf32, #tpu.memory_space<vmem>>, vector<16xf32>,
        %get3A_100 = arith.index_cast %scan3A_69 : i32 to index
        %get3A_101 = arith.constant 64 : index
        %get3A_102 = tpu.vector_load %arg13[%get3A_100, %get3A_101] {strides = array<i32>} : memref<128x128xf32, #tpu.memory_space<vmem>>, vector<16xf32>,
        %mul3A_103 = arith.mulf %get3A_102, %gather3A : vector<16xf32>
        %swap3A_104 = arith.index_cast %scan3A_69 : i32 to index
        %swap3A_105 = arith.constant 64 : index
        %swap3A_106 = tpu.vector_load %arg13[%swap3A_104, %swap3A_105] {strides = array<i32>} : memref<128x128xf32, #tpu.memory_space<vmem>>, vector<16xf32>,
        tpu.vector_store %arg13[%swap3A_104, %swap3A_105], %mul3A_103 {strides = array<i32>} : memref<128x128xf32, #tpu.memory_space<vmem>>, vector<16xf32>,
        %get3A_107 = arith.index_cast %scan3A_69 : i32 to index
        %get3A_108 = arith.constant 80 : index
        %get3A_109 = tpu.vector_load %arg13[%get3A_107, %get3A_108] {strides = array<i32>} : memref<128x128xf32, #tpu.memory_space<vmem>>, vector<16xf32>,
        %mul3A_110 = arith.mulf %get3A_109, %gather3A : vector<16xf32>
        %swap3A_111 = arith.index_cast %scan3A_69 : i32 to index
        %swap3A_112 = arith.constant 80 : index
        %swap3A_113 = tpu.vector_load %arg13[%swap3A_111, %swap3A_112] {strides = array<i32>} : memref<128x128xf32, #tpu.memory_space<vmem>>, vector<16xf32>,
        tpu.vector_store %arg13[%swap3A_111, %swap3A_112], %mul3A_110 {strides = array<i32>} : memref<128x128xf32, #tpu.memory_space<vmem>>, vector<16xf32>,
        %get3A_114 = arith.index_cast %scan3A_69 : i32 to index
        %get3A_115 = arith.constant 96 : index
        %get3A_116 = tpu.vector_load %arg13[%get3A_114, %get3A_115] {strides = array<i32>} : memref<128x128xf32, #tpu.memory_space<vmem>>, vector<16xf32>,
        %mul3A_117 = arith.mulf %get3A_116, %gather3A : vector<16xf32>
        %swap3A_118 = arith.index_cast %scan3A_69 : i32 to index
        %swap3A_119 = arith.constant 96 : index
        %swap3A_120 = tpu.vector_load %arg13[%swap3A_118, %swap3A_119] {strides = array<i32>} : memref<128x128xf32, #tpu.memory_space<vmem>>, vector<16xf32>,
        tpu.vector_store %arg13[%swap3A_118, %swap3A_119], %mul3A_117 {strides = array<i32>} : memref<128x128xf32, #tpu.memory_space<vmem>>, vector<16xf32>,
        %get3A_121 = arith.index_cast %scan3A_69 : i32 to index
        %get3A_122 = arith.constant 112 : index
        %get3A_123 = tpu.vector_load %arg13[%get3A_121, %get3A_122] {strides = array<i32>} : memref<128x128xf32, #tpu.memory_space<vmem>>, vector<16xf32>,
        %mul3A_124 = arith.mulf %get3A_123, %gather3A : vector<16xf32>
        %swap3A_125 = arith.index_cast %scan3A_69 : i32 to index
        %swap3A_126 = arith.constant 112 : index
        %swap3A_127 = tpu.vector_load %arg13[%swap3A_125, %swap3A_126] {strides = array<i32>} : memref<128x128xf32, #tpu.memory_space<vmem>>, vector<16xf32>,
        tpu.vector_store %arg13[%swap3A_125, %swap3A_126], %mul3A_124 {strides = array<i32>} : memref<128x128xf32, #tpu.memory_space<vmem>>, vector<16xf32>,
        %scan3A_128 = arith.constant 0 : i32
        scf.yield %scan3A_128 : i32
      }
      %scan3A_66 = arith.constant 128 : i32
      %run_scoped3A_67 = arith.constant 1 : i32
      "tpu.region"() ({
        %run_scoped3A_69 = tpu.sem_alloc : memref<!tpu.dma_semaphore, #tpu.memory_space<semaphore_mem>>
        %dma_start3A = arith.constant 0 : i32
        %dma_start3A_70 = tpu.memref_slice %arg8[%run_scoped3A_67, %dma_start3A] : memref<2x128xi32, #tpu.memory_space<vmem>> -> memref<1x128xi32, #tpu.memory_space<vmem>>
        %dma_start3A_71 = tpu.memref_squeeze %dma_start3A_70 : memref<1x128xi32, #tpu.memory_space<vmem>> -> memref<128xi32, #tpu.memory_space<vmem>>
        %dma_start3A_72 = arith.constant 0 : i32
        %dma_start3A_73 = arith.constant 0 : i32
        %dma_start3A_74 = tpu.memref_slice %arg14[%dma_start3A_72, %dma_start3A_73] : memref<10000x128xf32, #tpu.memory_space<vmem_shared>> -> memref<10000x128xf32, #tpu.memory_space<vmem_shared>>
        tpu.enqueue_indirect_dma source(%arg13 : memref<128x128xf32, #tpu.memory_space<vmem>>) target(%dma_start3A_74 : memref<10000x128xf32, #tpu.memory_space<vmem_shared>>) offsets(%dma_start3A_71 : memref<128xi32, #tpu.memory_space<vmem>>) semaphore(%run_scoped3A_69 : memref<!tpu.dma_semaphore, #tpu.memory_space<semaphore_mem>>) {add = true}
        %dma_wait3A = arith.constant 0 : i32
        %dma_wait3A_75 = tpu.memref_slice %arg8[%run_scoped3A_67, %dma_wait3A] : memref<2x128xi32, #tpu.memory_space<vmem>> -> memref<1x128xi32, #tpu.memory_space<vmem>>
        %dma_wait3A_76 = tpu.memref_squeeze %dma_wait3A_75 : memref<1x128xi32, #tpu.memory_space<vmem>> -> memref<128xi32, #tpu.memory_space<vmem>>
        %dma_wait3A_77 = arith.constant 0 : i32
        %dma_wait3A_78 = arith.constant 0 : i32
        %dma_wait3A_79 = tpu.memref_slice %arg14[%dma_wait3A_77, %dma_wait3A_78] : memref<10000x128xf32, #tpu.memory_space<vmem_shared>> -> memref<10000x128xf32, #tpu.memory_space<vmem_shared>>
        tpu.wait_indirect_dma semaphore(%run_scoped3A_69 : memref<!tpu.dma_semaphore, #tpu.memory_space<semaphore_mem>>) src(%arg13 : memref<128x128xf32, #tpu.memory_space<vmem>>) dst(%dma_wait3A_79 : memref<10000x128xf32, #tpu.memory_space<vmem_shared>>)
        tpu.yield
      }) : () -> ()
      %while3A_68 = arith.constant 0 : i32
      scf.yield %while3A_68 : i32
    }
    %barrier3A_38 = arith.constant 0 : index
    tpu.barrier barrier_id(%barrier3A_38)
    %mul3A_39 = arith.constant 632 : i32
    %mul3A_40 = arith.muli %arg1, %mul3A_39 : i32
    %lt3A_41 = arith.constant 15 : i32
    %lt3A_42 = arith.cmpi slt, %arg1, %lt3A_41 : i32
    %convert_element_type3A = arith.extui %lt3A_42 : i1 to i32
    %cond3A = arith.constant 0 : i32
    %cond3A_43 = arith.cmpi ne, %convert_element_type3A, %cond3A : i32
    scf.if %cond3A_43 {
      "tpu.region"() ({
        %run_scoped3A = tpu.sem_alloc : memref<!tpu.dma_semaphore, #tpu.memory_space<semaphore_mem>>
        %dma_start3A = arith.constant 0 : i32
        %dma_start3A_48 = tpu.memref_slice %arg7[%arg0, %mul3A_40, %dma_start3A] : memref<2x10000x128xf32, #tpu.memory_space<hbm>> -> memref<1x632x128xf32, #tpu.memory_space<hbm>>
        %dma_start3A_49 = tpu.memref_squeeze %dma_start3A_48 : memref<1x632x128xf32, #tpu.memory_space<hbm>> -> memref<632x128xf32, #tpu.memory_space<hbm>>
        %dma_start3A_50 = arith.constant 0 : i32
        %dma_start3A_51 = tpu.memref_slice %arg14[%mul3A_40, %dma_start3A_50] : memref<10000x128xf32, #tpu.memory_space<vmem_shared>> -> memref<632x128xf32, #tpu.memory_space<vmem_shared>>
        tpu.enqueue_dma source(%dma_start3A_51 : memref<632x128xf32, #tpu.memory_space<vmem_shared>>) target(%dma_start3A_49 : memref<632x128xf32, #tpu.memory_space<hbm>>) target_semaphore(%run_scoped3A : memref<!tpu.dma_semaphore, #tpu.memory_space<semaphore_mem>>)
        %dma_wait3A = arith.constant 0 : i32
        %dma_wait3A_52 = tpu.memref_slice %arg7[%arg0, %mul3A_40, %dma_wait3A] : memref<2x10000x128xf32, #tpu.memory_space<hbm>> -> memref<1x632x128xf32, #tpu.memory_space<hbm>>
        %dma_wait3A_53 = tpu.memref_squeeze %dma_wait3A_52 : memref<1x632x128xf32, #tpu.memory_space<hbm>> -> memref<632x128xf32, #tpu.memory_space<hbm>>
        %dma_wait3A_54 = arith.constant 0 : i32
        %dma_wait3A_55 = tpu.memref_slice %arg14[%mul3A_40, %dma_wait3A_54] : memref<10000x128xf32, #tpu.memory_space<vmem_shared>> -> memref<632x128xf32, #tpu.memory_space<vmem_shared>>
        tpu.wait_dma2 semaphore(%run_scoped3A : memref<!tpu.dma_semaphore, #tpu.memory_space<semaphore_mem>>) src(%dma_wait3A_55 : memref<632x128xf32, #tpu.memory_space<vmem_shared>>) dst(%dma_wait3A_53 : memref<632x128xf32, #tpu.memory_space<hbm>>)
        tpu.yield
      }) : () -> ()
    } else {
    }
    %eq3A = arith.constant 15 : i32
    %eq3A_44 = arith.cmpi eq, %arg1, %eq3A : i32
    %convert_element_type3A_45 = arith.extui %eq3A_44 : i1 to i32
    %cond3A_46 = arith.constant 0 : i32
    %cond3A_47 = arith.cmpi ne, %convert_element_type3A_45, %cond3A_46 : i32
    scf.if %cond3A_47 {
      "tpu.region"() ({
        %run_scoped3A = tpu.sem_alloc : memref<!tpu.dma_semaphore, #tpu.memory_space<semaphore_mem>>
        %dma_start3A = arith.constant 9480 : i32
        %dma_start3A_48 = arith.constant 0 : i32
        %dma_start3A_49 = tpu.memref_slice %arg7[%arg0, %dma_start3A, %dma_start3A_48] : memref<2x10000x128xf32, #tpu.memory_space<hbm>> -> memref<1x520x128xf32, #tpu.memory_space<hbm>>
        %dma_start3A_50 = tpu.memref_squeeze %dma_start3A_49 : memref<1x520x128xf32, #tpu.memory_space<hbm>> -> memref<520x128xf32, #tpu.memory_space<hbm>>
        %dma_start3A_51 = arith.constant 9480 : i32
        %dma_start3A_52 = arith.constant 0 : i32
        %dma_start3A_53 = tpu.memref_slice %arg14[%dma_start3A_51, %dma_start3A_52] : memref<10000x128xf32, #tpu.memory_space<vmem_shared>> -> memref<520x128xf32, #tpu.memory_space<vmem_shared>>
        tpu.enqueue_dma source(%dma_start3A_53 : memref<520x128xf32, #tpu.memory_space<vmem_shared>>) target(%dma_start3A_50 : memref<520x128xf32, #tpu.memory_space<hbm>>) target_semaphore(%run_scoped3A : memref<!tpu.dma_semaphore, #tpu.memory_space<semaphore_mem>>)
        %dma_wait3A = arith.constant 9480 : i32
        %dma_wait3A_54 = arith.constant 0 : i32
        %dma_wait3A_55 = tpu.memref_slice %arg7[%arg0, %dma_wait3A, %dma_wait3A_54] : memref<2x10000x128xf32, #tpu.memory_space<hbm>> -> memref<1x520x128xf32, #tpu.memory_space<hbm>>
        %dma_wait3A_56 = tpu.memref_squeeze %dma_wait3A_55 : memref<1x520x128xf32, #tpu.memory_space<hbm>> -> memref<520x128xf32, #tpu.memory_space<hbm>>
        %dma_wait3A_57 = arith.constant 9480 : i32
        %dma_wait3A_58 = arith.constant 0 : i32
        %dma_wait3A_59 = tpu.memref_slice %arg14[%dma_wait3A_57, %dma_wait3A_58] : memref<10000x128xf32, #tpu.memory_space<vmem_shared>> -> memref<520x128xf32, #tpu.memory_space<vmem_shared>>
        tpu.wait_dma2 semaphore(%run_scoped3A : memref<!tpu.dma_semaphore, #tpu.memory_space<semaphore_mem>>) src(%dma_wait3A_59 : memref<520x128xf32, #tpu.memory_space<vmem_shared>>) dst(%dma_wait3A_56 : memref<520x128xf32, #tpu.memory_space<hbm>>)
        tpu.yield
      }) : () -> ()
    } else {
    }
    return
  }
}

#map = affine_map<(d0, d1) -> (0)>
module attributes {stable_mosaic.version = 14 : i64} {
  func.func @_k0_scales(%arg0: i32, %arg1: i32, %arg2: memref<320000xi32, #tpu.memory_space<hbm>>, %arg3: memref<320000xi32, #tpu.memory_space<hbm>>, %arg4: memref<320000xf32, #tpu.memory_space<hbm>>, %arg5: memref<640x128xf32, #tpu.memory_space<vmem>>, %arg6: memref<2000xi32, #tpu.memory_space<vmem>>, %arg7: memref<2000xi32, #tpu.memory_space<vmem>>, %arg8: memref<2000xf32, #tpu.memory_space<vmem>>, %arg9: memref<40x128xf32, #tpu.memory_space<vmem>>, %arg10: memref<5x128xi32, #tpu.memory_space<vmem>>, %arg11: memref<640x128xf32, #tpu.memory_space<vmem_shared>>) attributes {dimension_semantics = [#tpu.dimension_semantics<core_parallel>, #tpu.dimension_semantics<subcore_parallel>], iteration_bounds = array<i64: 2, 16>, scalar_prefetch = 0 : i64, scratch_operands = 7 : i64, tpu.core_type = #tpu.core_type<sc_vector_subcore>, window_params = [{transform_indices = #map}, {transform_indices = #map}, {transform_indices = #map}]} {
    %mul3A = arith.constant 2 : i32
    %mul3A_0 = arith.muli %arg1, %mul3A : i32
    %add3A = arith.addi %mul3A_0, %arg0 : i32
    %scan3A = arith.constant 0 : i32
    %scan3A_1 = arith.constant 0 : i32
    %scan3A_2 = arith.constant 320 : i32
    %scan3A_3 = arith.addi %scan3A_1, %scan3A_2 : i32
    %scan3A_4 = arith.constant 1 : i32
    %scan3A_5 = scf.for %scan3A_200 = %scan3A_1 to %scan3A_3 step %scan3A_4 iter_args(%scan3A_201 = %scan3A) -> (i32)  : i32 {
      %broadcast_in_dim3A = arith.constant 1.000000e+00 : f32
      %broadcast_in_dim3A_202 = vector.broadcast %broadcast_in_dim3A : f32 to vector<16xf32>
      %mul3A_203 = arith.constant 0.000000e+00 : f32
      %mul3A_204 = vector.broadcast %mul3A_203 : f32 to vector<16xf32>
      %mul3A_205 = arith.mulf %mul3A_204, %broadcast_in_dim3A_202 : vector<16xf32>
      %shift_right_arithmetic3A = arith.constant 3 : i32
      %shift_right_arithmetic3A_206 = arith.shrsi %scan3A_200, %shift_right_arithmetic3A : i32
      %and3A = arith.constant 7 : i32
      %and3A_207 = arith.andi %scan3A_200, %and3A : i32
      %mul3A_208 = arith.constant 16 : i32
      %mul3A_209 = arith.muli %and3A_207, %mul3A_208 : i32
      %swap3A = arith.index_cast %shift_right_arithmetic3A_206 : i32 to index
      %swap3A_210 = arith.index_cast %mul3A_209 : i32 to index
      %swap3A_211 = tpu.vector_load %arg9[%swap3A, %swap3A_210] {strides = array<i32>} : memref<40x128xf32, #tpu.memory_space<vmem>>, vector<16xf32>,
      tpu.vector_store %arg9[%swap3A, %swap3A_210], %mul3A_205 {strides = array<i32>} : memref<40x128xf32, #tpu.memory_space<vmem>>, vector<16xf32>,
      %scan3A_212 = arith.constant 0 : i32
      scf.yield %scan3A_212 : i32
    }
    %scan3A_6 = arith.constant 320 : i32
    %scan3A_7 = arith.constant 0 : i32
    %scan3A_8 = arith.constant 0 : i32
    %scan3A_9 = arith.constant 5120 : i32
    %scan3A_10 = arith.addi %scan3A_8, %scan3A_9 : i32
    %scan3A_11 = arith.constant 1 : i32
    %scan3A_12 = scf.for %scan3A_200 = %scan3A_8 to %scan3A_10 step %scan3A_11 iter_args(%scan3A_201 = %scan3A_7) -> (i32)  : i32 {
      %broadcast_in_dim3A = arith.constant 1.000000e+00 : f32
      %broadcast_in_dim3A_202 = vector.broadcast %broadcast_in_dim3A : f32 to vector<16xf32>
      %mul3A_203 = arith.constant 0.000000e+00 : f32
      %mul3A_204 = vector.broadcast %mul3A_203 : f32 to vector<16xf32>
      %mul3A_205 = arith.mulf %mul3A_204, %broadcast_in_dim3A_202 : vector<16xf32>
      %shift_right_arithmetic3A = arith.constant 3 : i32
      %shift_right_arithmetic3A_206 = arith.shrsi %scan3A_200, %shift_right_arithmetic3A : i32
      %and3A = arith.constant 7 : i32
      %and3A_207 = arith.andi %scan3A_200, %and3A : i32
      %mul3A_208 = arith.constant 16 : i32
      %mul3A_209 = arith.muli %and3A_207, %mul3A_208 : i32
      %swap3A = arith.index_cast %shift_right_arithmetic3A_206 : i32 to index
      %swap3A_210 = arith.index_cast %mul3A_209 : i32 to index
      %swap3A_211 = tpu.vector_load %arg5[%swap3A, %swap3A_210] {strides = array<i32>} : memref<640x128xf32, #tpu.memory_space<vmem>>, vector<16xf32>,
      tpu.vector_store %arg5[%swap3A, %swap3A_210], %mul3A_205 {strides = array<i32>} : memref<640x128xf32, #tpu.memory_space<vmem>>, vector<16xf32>,
      %scan3A_212 = arith.constant 0 : i32
      scf.yield %scan3A_212 : i32
    }
    %scan3A_13 = arith.constant 5120 : i32
    %iota3A = tpu.iota {dimensions = array<i32: 0>} : vector<16xi32>
    %scan3A_14 = arith.constant 0 : i32
    %scan3A_15 = arith.constant 0 : i32
    %scan3A_16 = arith.constant 40 : i32
    %scan3A_17 = arith.addi %scan3A_15, %scan3A_16 : i32
    %scan3A_18 = arith.constant 1 : i32
    %scan3A_19 = scf.for %scan3A_200 = %scan3A_15 to %scan3A_17 step %scan3A_18 iter_args(%scan3A_201 = %scan3A_14) -> (i32)  : i32 {
      %mul3A_202 = arith.constant 16 : i32
      %mul3A_203 = arith.muli %scan3A_200, %mul3A_202 : i32
      %add3A_204 = vector.broadcast %mul3A_203 : i32 to vector<16xi32>
      %add3A_205 = arith.addi %iota3A, %add3A_204 : vector<16xi32>
      %shift_right_arithmetic3A = arith.constant 3 : i32
      %shift_right_arithmetic3A_206 = arith.shrsi %scan3A_200, %shift_right_arithmetic3A : i32
      %and3A = arith.constant 7 : i32
      %and3A_207 = arith.andi %scan3A_200, %and3A : i32
      %mul3A_208 = arith.constant 16 : i32
      %mul3A_209 = arith.muli %and3A_207, %mul3A_208 : i32
      %swap3A = arith.index_cast %shift_right_arithmetic3A_206 : i32 to index
      %swap3A_210 = arith.index_cast %mul3A_209 : i32 to index
      %swap3A_211 = tpu.vector_load %arg10[%swap3A, %swap3A_210] {strides = array<i32>} : memref<5x128xi32, #tpu.memory_space<vmem>>, vector<16xi32>,
      tpu.vector_store %arg10[%swap3A, %swap3A_210], %add3A_205 {strides = array<i32>} : memref<5x128xi32, #tpu.memory_space<vmem>>, vector<16xi32>,
      %scan3A_212 = arith.constant 0 : i32
      scf.yield %scan3A_212 : i32
    }
    %scan3A_20 = arith.constant 40 : i32
    %mul3A_21 = arith.constant 40 : i32
    %mul3A_22 = arith.muli %arg1, %mul3A_21 : i32
    "tpu.region"() ({
      %run_scoped3A_200 = tpu.sem_alloc : memref<!tpu.dma_semaphore, #tpu.memory_space<semaphore_mem>>
      %dma_start3A = arith.constant 0 : i32
      %dma_start3A_201 = tpu.memref_slice %arg11[%mul3A_22, %dma_start3A] : memref<640x128xf32, #tpu.memory_space<vmem_shared>> -> memref<40x128xf32, #tpu.memory_space<vmem_shared>>
      %dma_start3A_202 = arith.constant 0 : i32
      %dma_start3A_203 = tpu.memref_slice %arg11[%mul3A_22, %dma_start3A_202] : memref<640x128xf32, #tpu.memory_space<vmem_shared>> -> memref<40x128xf32, #tpu.memory_space<vmem_shared>>
      tpu.enqueue_dma source(%arg9 : memref<40x128xf32, #tpu.memory_space<vmem>>) target(%dma_start3A_203 : memref<40x128xf32, #tpu.memory_space<vmem_shared>>) target_semaphore(%run_scoped3A_200 : memref<!tpu.dma_semaphore, #tpu.memory_space<semaphore_mem>>)
      %dma_wait3A = arith.constant 0 : i32
      %dma_wait3A_204 = tpu.memref_slice %arg11[%mul3A_22, %dma_wait3A] : memref<640x128xf32, #tpu.memory_space<vmem_shared>> -> memref<40x128xf32, #tpu.memory_space<vmem_shared>>
      %dma_wait3A_205 = arith.constant 0 : i32
      %dma_wait3A_206 = tpu.memref_slice %arg11[%mul3A_22, %dma_wait3A_205] : memref<640x128xf32, #tpu.memory_space<vmem_shared>> -> memref<40x128xf32, #tpu.memory_space<vmem_shared>>
      tpu.wait_dma2 semaphore(%run_scoped3A_200 : memref<!tpu.dma_semaphore, #tpu.memory_space<semaphore_mem>>) src(%arg9 : memref<40x128xf32, #tpu.memory_space<vmem>>) dst(%dma_wait3A_206 : memref<40x128xf32, #tpu.memory_space<vmem_shared>>)
      tpu.yield
    }) : () -> ()
    %barrier3A = arith.constant 0 : index
    tpu.barrier barrier_id(%barrier3A)
    %mul3A_23 = arith.constant 20000 : i32
    %mul3A_24 = arith.muli %arg1, %mul3A_23 : i32
    %add3A_25 = arith.constant 0 : i32
    %add3A_26 = arith.addi %mul3A_24, %add3A_25 : i32
    "tpu.region"() ({
      %run_scoped3A_200 = tpu.sem_alloc : memref<!tpu.dma_semaphore, #tpu.memory_space<semaphore_mem>>
      %dma_start3A = tpu.memref_slice %arg2[%add3A_26] : memref<320000xi32, #tpu.memory_space<hbm>> -> memref<2000xi32, #tpu.memory_space<hbm>>
      %dma_start3A_201 = tpu.memref_slice %arg2[%add3A_26] : memref<320000xi32, #tpu.memory_space<hbm>> -> memref<2000xi32, #tpu.memory_space<hbm>>
      tpu.enqueue_dma source(%dma_start3A_201 : memref<2000xi32, #tpu.memory_space<hbm>>) target(%arg6 : memref<2000xi32, #tpu.memory_space<vmem>>) target_semaphore(%run_scoped3A_200 : memref<!tpu.dma_semaphore, #tpu.memory_space<semaphore_mem>>)
      %dma_wait3A = tpu.memref_slice %arg2[%add3A_26] : memref<320000xi32, #tpu.memory_space<hbm>> -> memref<2000xi32, #tpu.memory_space<hbm>>
      %dma_wait3A_202 = tpu.memref_slice %arg2[%add3A_26] : memref<320000xi32, #tpu.memory_space<hbm>> -> memref<2000xi32, #tpu.memory_space<hbm>>
      tpu.wait_dma2 semaphore(%run_scoped3A_200 : memref<!tpu.dma_semaphore, #tpu.memory_space<semaphore_mem>>) src(%dma_wait3A_202 : memref<2000xi32, #tpu.memory_space<hbm>>) dst(%arg6 : memref<2000xi32, #tpu.memory_space<vmem>>)
      tpu.yield
    }) : () -> ()
    "tpu.region"() ({
      %run_scoped3A_200 = tpu.sem_alloc : memref<!tpu.dma_semaphore, #tpu.memory_space<semaphore_mem>>
      %dma_start3A = tpu.memref_slice %arg3[%add3A_26] : memref<320000xi32, #tpu.memory_space<hbm>> -> memref<2000xi32, #tpu.memory_space<hbm>>
      %dma_start3A_201 = tpu.memref_slice %arg3[%add3A_26] : memref<320000xi32, #tpu.memory_space<hbm>> -> memref<2000xi32, #tpu.memory_space<hbm>>
      tpu.enqueue_dma source(%dma_start3A_201 : memref<2000xi32, #tpu.memory_space<hbm>>) target(%arg7 : memref<2000xi32, #tpu.memory_space<vmem>>) target_semaphore(%run_scoped3A_200 : memref<!tpu.dma_semaphore, #tpu.memory_space<semaphore_mem>>)
      %dma_wait3A = tpu.memref_slice %arg3[%add3A_26] : memref<320000xi32, #tpu.memory_space<hbm>> -> memref<2000xi32, #tpu.memory_space<hbm>>
      %dma_wait3A_202 = tpu.memref_slice %arg3[%add3A_26] : memref<320000xi32, #tpu.memory_space<hbm>> -> memref<2000xi32, #tpu.memory_space<hbm>>
      tpu.wait_dma2 semaphore(%run_scoped3A_200 : memref<!tpu.dma_semaphore, #tpu.memory_space<semaphore_mem>>) src(%dma_wait3A_202 : memref<2000xi32, #tpu.memory_space<hbm>>) dst(%arg7 : memref<2000xi32, #tpu.memory_space<vmem>>)
      tpu.yield
    }) : () -> ()
    %scan3A_27 = arith.constant 0 : i32
    %scan3A_28 = arith.constant 0 : i32
    %scan3A_29 = arith.constant 125 : i32
    %scan3A_30 = arith.addi %scan3A_28, %scan3A_29 : i32
    %scan3A_31 = arith.constant 1 : i32
    %scan3A_32 = scf.for %scan3A_200 = %scan3A_28 to %scan3A_30 step %scan3A_31 iter_args(%scan3A_201 = %scan3A_27) -> (i32)  : i32 {
      %mul3A_202 = arith.constant 16 : i32
      %mul3A_203 = arith.muli %scan3A_200, %mul3A_202 : i32
      %get3A = arith.index_cast %mul3A_203 : i32 to index
      %get3A_204 = tpu.vector_load %arg6[%get3A] {strides = array<i32>} : memref<2000xi32, #tpu.memory_space<vmem>>, vector<16xi32>,
      %mul3A_205 = arith.constant 16 : i32
      %mul3A_206 = arith.muli %scan3A_200, %mul3A_205 : i32
      %get3A_207 = arith.index_cast %mul3A_206 : i32 to index
      %get3A_208 = tpu.vector_load %arg7[%get3A_207] {strides = array<i32>} : memref<2000xi32, #tpu.memory_space<vmem>>, vector<16xi32>,
      %mul3A_209 = arith.constant 10000 : i32
      %mul3A_210 = vector.broadcast %mul3A_209 : i32 to vector<16xi32>
      %mul3A_211 = arith.muli %get3A_208, %mul3A_210 : vector<16xi32>
      %add3A_212 = arith.addi %mul3A_211, %get3A_204 : vector<16xi32>
      %shift_right_arithmetic3A = arith.constant 7 : i32
      %shift_right_arithmetic3A_213 = vector.broadcast %shift_right_arithmetic3A : i32 to vector<16xi32>
      %shift_right_arithmetic3A_214 = arith.shrsi %add3A_212, %shift_right_arithmetic3A_213 : vector<16xi32>
      %and3A = arith.constant 127 : i32
      %and3A_215 = vector.broadcast %and3A : i32 to vector<16xi32>
      %and3A_216 = arith.andi %add3A_212, %and3A_215 : vector<16xi32>
      %broadcast_in_dim3A = arith.constant 1.000000e+00 : f32
      %broadcast_in_dim3A_217 = vector.broadcast %broadcast_in_dim3A : f32 to vector<16xf32>
      tpu.vector_store_idx %arg5[%shift_right_arithmetic3A_214, %and3A_216], %broadcast_in_dim3A_217 {add = true} : memref<640x128xf32, #tpu.memory_space<vmem>>[vector<16xi32>, vector<16xi32>], vector<16xf32>,
      %scan3A_218 = arith.constant 0 : i32
      scf.yield %scan3A_218 : i32
    }
    %scan3A_33 = arith.constant 125 : i32
    %mul3A_34 = arith.constant 20000 : i32
    %mul3A_35 = arith.muli %arg1, %mul3A_34 : i32
    %add3A_36 = arith.constant 2000 : i32
    %add3A_37 = arith.addi %mul3A_35, %add3A_36 : i32
    "tpu.region"() ({
      %run_scoped3A_200 = tpu.sem_alloc : memref<!tpu.dma_semaphore, #tpu.memory_space<semaphore_mem>>
      %dma_start3A = tpu.memref_slice %arg2[%add3A_37] : memref<320000xi32, #tpu.memory_space<hbm>> -> memref<2000xi32, #tpu.memory_space<hbm>>
      %dma_start3A_201 = tpu.memref_slice %arg2[%add3A_37] : memref<320000xi32, #tpu.memory_space<hbm>> -> memref<2000xi32, #tpu.memory_space<hbm>>
      tpu.enqueue_dma source(%dma_start3A_201 : memref<2000xi32, #tpu.memory_space<hbm>>) target(%arg6 : memref<2000xi32, #tpu.memory_space<vmem>>) target_semaphore(%run_scoped3A_200 : memref<!tpu.dma_semaphore, #tpu.memory_space<semaphore_mem>>)
      %dma_wait3A = tpu.memref_slice %arg2[%add3A_37] : memref<320000xi32, #tpu.memory_space<hbm>> -> memref<2000xi32, #tpu.memory_space<hbm>>
      %dma_wait3A_202 = tpu.memref_slice %arg2[%add3A_37] : memref<320000xi32, #tpu.memory_space<hbm>> -> memref<2000xi32, #tpu.memory_space<hbm>>
      tpu.wait_dma2 semaphore(%run_scoped3A_200 : memref<!tpu.dma_semaphore, #tpu.memory_space<semaphore_mem>>) src(%dma_wait3A_202 : memref<2000xi32, #tpu.memory_space<hbm>>) dst(%arg6 : memref<2000xi32, #tpu.memory_space<vmem>>)
      tpu.yield
    }) : () -> ()
    "tpu.region"() ({
      %run_scoped3A_200 = tpu.sem_alloc : memref<!tpu.dma_semaphore, #tpu.memory_space<semaphore_mem>>
      %dma_start3A = tpu.memref_slice %arg3[%add3A_37] : memref<320000xi32, #tpu.memory_space<hbm>> -> memref<2000xi32, #tpu.memory_space<hbm>>
      %dma_start3A_201 = tpu.memref_slice %arg3[%add3A_37] : memref<320000xi32, #tpu.memory_space<hbm>> -> memref<2000xi32, #tpu.memory_space<hbm>>
      tpu.enqueue_dma source(%dma_start3A_201 : memref<2000xi32, #tpu.memory_space<hbm>>) target(%arg7 : memref<2000xi32, #tpu.memory_space<vmem>>) target_semaphore(%run_scoped3A_200 : memref<!tpu.dma_semaphore, #tpu.memory_space<semaphore_mem>>)
      %dma_wait3A = tpu.memref_slice %arg3[%add3A_37] : memref<320000xi32, #tpu.memory_space<hbm>> -> memref<2000xi32, #tpu.memory_space<hbm>>
      %dma_wait3A_202 = tpu.memref_slice %arg3[%add3A_37] : memref<320000xi32, #tpu.memory_space<hbm>> -> memref<2000xi32, #tpu.memory_space<hbm>>
      tpu.wait_dma2 semaphore(%run_scoped3A_200 : memref<!tpu.dma_semaphore, #tpu.memory_space<semaphore_mem>>) src(%dma_wait3A_202 : memref<2000xi32, #tpu.memory_space<hbm>>) dst(%arg7 : memref<2000xi32, #tpu.memory_space<vmem>>)
      tpu.yield
    }) : () -> ()
    %scan3A_38 = arith.constant 0 : i32
    %scan3A_39 = arith.constant 0 : i32
    %scan3A_40 = arith.constant 125 : i32
    %scan3A_41 = arith.addi %scan3A_39, %scan3A_40 : i32
    %scan3A_42 = arith.constant 1 : i32
    %scan3A_43 = scf.for %scan3A_200 = %scan3A_39 to %scan3A_41 step %scan3A_42 iter_args(%scan3A_201 = %scan3A_38) -> (i32)  : i32 {
      %mul3A_202 = arith.constant 16 : i32
      %mul3A_203 = arith.muli %scan3A_200, %mul3A_202 : i32
      %get3A = arith.index_cast %mul3A_203 : i32 to index
      %get3A_204 = tpu.vector_load %arg6[%get3A] {strides = array<i32>} : memref<2000xi32, #tpu.memory_space<vmem>>, vector<16xi32>,
      %mul3A_205 = arith.constant 16 : i32
      %mul3A_206 = arith.muli %scan3A_200, %mul3A_205 : i32
      %get3A_207 = arith.index_cast %mul3A_206 : i32 to index
      %get3A_208 = tpu.vector_load %arg7[%get3A_207] {strides = array<i32>} : memref<2000xi32, #tpu.memory_space<vmem>>, vector<16xi32>,
      %mul3A_209 = arith.constant 10000 : i32
      %mul3A_210 = vector.broadcast %mul3A_209 : i32 to vector<16xi32>
      %mul3A_211 = arith.muli %get3A_208, %mul3A_210 : vector<16xi32>
      %add3A_212 = arith.addi %mul3A_211, %get3A_204 : vector<16xi32>
      %shift_right_arithmetic3A = arith.constant 7 : i32
      %shift_right_arithmetic3A_213 = vector.broadcast %shift_right_arithmetic3A : i32 to vector<16xi32>
      %shift_right_arithmetic3A_214 = arith.shrsi %add3A_212, %shift_right_arithmetic3A_213 : vector<16xi32>
      %and3A = arith.constant 127 : i32
      %and3A_215 = vector.broadcast %and3A : i32 to vector<16xi32>
      %and3A_216 = arith.andi %add3A_212, %and3A_215 : vector<16xi32>
      %broadcast_in_dim3A = arith.constant 1.000000e+00 : f32
      %broadcast_in_dim3A_217 = vector.broadcast %broadcast_in_dim3A : f32 to vector<16xf32>
      tpu.vector_store_idx %arg5[%shift_right_arithmetic3A_214, %and3A_216], %broadcast_in_dim3A_217 {add = true} : memref<640x128xf32, #tpu.memory_space<vmem>>[vector<16xi32>, vector<16xi32>], vector<16xf32>,
      %scan3A_218 = arith.constant 0 : i32
      scf.yield %scan3A_218 : i32
    }
    %scan3A_44 = arith.constant 125 : i32
    %mul3A_45 = arith.constant 20000 : i32
    %mul3A_46 = arith.muli %arg1, %mul3A_45 : i32
    %add3A_47 = arith.constant 4000 : i32
    %add3A_48 = arith.addi %mul3A_46, %add3A_47 : i32
    "tpu.region"() ({
      %run_scoped3A_200 = tpu.sem_alloc : memref<!tpu.dma_semaphore, #tpu.memory_space<semaphore_mem>>
      %dma_start3A = tpu.memref_slice %arg2[%add3A_48] : memref<320000xi32, #tpu.memory_space<hbm>> -> memref<2000xi32, #tpu.memory_space<hbm>>
      %dma_start3A_201 = tpu.memref_slice %arg2[%add3A_48] : memref<320000xi32, #tpu.memory_space<hbm>> -> memref<2000xi32, #tpu.memory_space<hbm>>
      tpu.enqueue_dma source(%dma_start3A_201 : memref<2000xi32, #tpu.memory_space<hbm>>) target(%arg6 : memref<2000xi32, #tpu.memory_space<vmem>>) target_semaphore(%run_scoped3A_200 : memref<!tpu.dma_semaphore, #tpu.memory_space<semaphore_mem>>)
      %dma_wait3A = tpu.memref_slice %arg2[%add3A_48] : memref<320000xi32, #tpu.memory_space<hbm>> -> memref<2000xi32, #tpu.memory_space<hbm>>
      %dma_wait3A_202 = tpu.memref_slice %arg2[%add3A_48] : memref<320000xi32, #tpu.memory_space<hbm>> -> memref<2000xi32, #tpu.memory_space<hbm>>
      tpu.wait_dma2 semaphore(%run_scoped3A_200 : memref<!tpu.dma_semaphore, #tpu.memory_space<semaphore_mem>>) src(%dma_wait3A_202 : memref<2000xi32, #tpu.memory_space<hbm>>) dst(%arg6 : memref<2000xi32, #tpu.memory_space<vmem>>)
      tpu.yield
    }) : () -> ()
    "tpu.region"() ({
      %run_scoped3A_200 = tpu.sem_alloc : memref<!tpu.dma_semaphore, #tpu.memory_space<semaphore_mem>>
      %dma_start3A = tpu.memref_slice %arg3[%add3A_48] : memref<320000xi32, #tpu.memory_space<hbm>> -> memref<2000xi32, #tpu.memory_space<hbm>>
      %dma_start3A_201 = tpu.memref_slice %arg3[%add3A_48] : memref<320000xi32, #tpu.memory_space<hbm>> -> memref<2000xi32, #tpu.memory_space<hbm>>
      tpu.enqueue_dma source(%dma_start3A_201 : memref<2000xi32, #tpu.memory_space<hbm>>) target(%arg7 : memref<2000xi32, #tpu.memory_space<vmem>>) target_semaphore(%run_scoped3A_200 : memref<!tpu.dma_semaphore, #tpu.memory_space<semaphore_mem>>)
      %dma_wait3A = tpu.memref_slice %arg3[%add3A_48] : memref<320000xi32, #tpu.memory_space<hbm>> -> memref<2000xi32, #tpu.memory_space<hbm>>
      %dma_wait3A_202 = tpu.memref_slice %arg3[%add3A_48] : memref<320000xi32, #tpu.memory_space<hbm>> -> memref<2000xi32, #tpu.memory_space<hbm>>
      tpu.wait_dma2 semaphore(%run_scoped3A_200 : memref<!tpu.dma_semaphore, #tpu.memory_space<semaphore_mem>>) src(%dma_wait3A_202 : memref<2000xi32, #tpu.memory_space<hbm>>) dst(%arg7 : memref<2000xi32, #tpu.memory_space<vmem>>)
      tpu.yield
    }) : () -> ()
    %scan3A_49 = arith.constant 0 : i32
    %scan3A_50 = arith.constant 0 : i32
    %scan3A_51 = arith.constant 125 : i32
    %scan3A_52 = arith.addi %scan3A_50, %scan3A_51 : i32
    %scan3A_53 = arith.constant 1 : i32
    %scan3A_54 = scf.for %scan3A_200 = %scan3A_50 to %scan3A_52 step %scan3A_53 iter_args(%scan3A_201 = %scan3A_49) -> (i32)  : i32 {
      %mul3A_202 = arith.constant 16 : i32
      %mul3A_203 = arith.muli %scan3A_200, %mul3A_202 : i32
      %get3A = arith.index_cast %mul3A_203 : i32 to index
      %get3A_204 = tpu.vector_load %arg6[%get3A] {strides = array<i32>} : memref<2000xi32, #tpu.memory_space<vmem>>, vector<16xi32>,
      %mul3A_205 = arith.constant 16 : i32
      %mul3A_206 = arith.muli %scan3A_200, %mul3A_205 : i32
      %get3A_207 = arith.index_cast %mul3A_206 : i32 to index
      %get3A_208 = tpu.vector_load %arg7[%get3A_207] {strides = array<i32>} : memref<2000xi32, #tpu.memory_space<vmem>>, vector<16xi32>,
      %mul3A_209 = arith.constant 10000 : i32
      %mul3A_210 = vector.broadcast %mul3A_209 : i32 to vector<16xi32>
      %mul3A_211 = arith.muli %get3A_208, %mul3A_210 : vector<16xi32>
      %add3A_212 = arith.addi %mul3A_211, %get3A_204 : vector<16xi32>
      %shift_right_arithmetic3A = arith.constant 7 : i32
      %shift_right_arithmetic3A_213 = vector.broadcast %shift_right_arithmetic3A : i32 to vector<16xi32>
      %shift_right_arithmetic3A_214 = arith.shrsi %add3A_212, %shift_right_arithmetic3A_213 : vector<16xi32>
      %and3A = arith.constant 127 : i32
      %and3A_215 = vector.broadcast %and3A : i32 to vector<16xi32>
      %and3A_216 = arith.andi %add3A_212, %and3A_215 : vector<16xi32>
      %broadcast_in_dim3A = arith.constant 1.000000e+00 : f32
      %broadcast_in_dim3A_217 = vector.broadcast %broadcast_in_dim3A : f32 to vector<16xf32>
      tpu.vector_store_idx %arg5[%shift_right_arithmetic3A_214, %and3A_216], %broadcast_in_dim3A_217 {add = true} : memref<640x128xf32, #tpu.memory_space<vmem>>[vector<16xi32>, vector<16xi32>], vector<16xf32>,
      %scan3A_218 = arith.constant 0 : i32
      scf.yield %scan3A_218 : i32
    }
    %scan3A_55 = arith.constant 125 : i32
    %mul3A_56 = arith.constant 20000 : i32
    %mul3A_57 = arith.muli %arg1, %mul3A_56 : i32
    %add3A_58 = arith.constant 6000 : i32
    %add3A_59 = arith.addi %mul3A_57, %add3A_58 : i32
    "tpu.region"() ({
      %run_scoped3A_200 = tpu.sem_alloc : memref<!tpu.dma_semaphore, #tpu.memory_space<semaphore_mem>>
      %dma_start3A = tpu.memref_slice %arg2[%add3A_59] : memref<320000xi32, #tpu.memory_space<hbm>> -> memref<2000xi32, #tpu.memory_space<hbm>>
      %dma_start3A_201 = tpu.memref_slice %arg2[%add3A_59] : memref<320000xi32, #tpu.memory_space<hbm>> -> memref<2000xi32, #tpu.memory_space<hbm>>
      tpu.enqueue_dma source(%dma_start3A_201 : memref<2000xi32, #tpu.memory_space<hbm>>) target(%arg6 : memref<2000xi32, #tpu.memory_space<vmem>>) target_semaphore(%run_scoped3A_200 : memref<!tpu.dma_semaphore, #tpu.memory_space<semaphore_mem>>)
      %dma_wait3A = tpu.memref_slice %arg2[%add3A_59] : memref<320000xi32, #tpu.memory_space<hbm>> -> memref<2000xi32, #tpu.memory_space<hbm>>
      %dma_wait3A_202 = tpu.memref_slice %arg2[%add3A_59] : memref<320000xi32, #tpu.memory_space<hbm>> -> memref<2000xi32, #tpu.memory_space<hbm>>
      tpu.wait_dma2 semaphore(%run_scoped3A_200 : memref<!tpu.dma_semaphore, #tpu.memory_space<semaphore_mem>>) src(%dma_wait3A_202 : memref<2000xi32, #tpu.memory_space<hbm>>) dst(%arg6 : memref<2000xi32, #tpu.memory_space<vmem>>)
      tpu.yield
    }) : () -> ()
    "tpu.region"() ({
      %run_scoped3A_200 = tpu.sem_alloc : memref<!tpu.dma_semaphore, #tpu.memory_space<semaphore_mem>>
      %dma_start3A = tpu.memref_slice %arg3[%add3A_59] : memref<320000xi32, #tpu.memory_space<hbm>> -> memref<2000xi32, #tpu.memory_space<hbm>>
      %dma_start3A_201 = tpu.memref_slice %arg3[%add3A_59] : memref<320000xi32, #tpu.memory_space<hbm>> -> memref<2000xi32, #tpu.memory_space<hbm>>
      tpu.enqueue_dma source(%dma_start3A_201 : memref<2000xi32, #tpu.memory_space<hbm>>) target(%arg7 : memref<2000xi32, #tpu.memory_space<vmem>>) target_semaphore(%run_scoped3A_200 : memref<!tpu.dma_semaphore, #tpu.memory_space<semaphore_mem>>)
      %dma_wait3A = tpu.memref_slice %arg3[%add3A_59] : memref<320000xi32, #tpu.memory_space<hbm>> -> memref<2000xi32, #tpu.memory_space<hbm>>
      %dma_wait3A_202 = tpu.memref_slice %arg3[%add3A_59] : memref<320000xi32, #tpu.memory_space<hbm>> -> memref<2000xi32, #tpu.memory_space<hbm>>
      tpu.wait_dma2 semaphore(%run_scoped3A_200 : memref<!tpu.dma_semaphore, #tpu.memory_space<semaphore_mem>>) src(%dma_wait3A_202 : memref<2000xi32, #tpu.memory_space<hbm>>) dst(%arg7 : memref<2000xi32, #tpu.memory_space<vmem>>)
      tpu.yield
    }) : () -> ()
    %scan3A_60 = arith.constant 0 : i32
    %scan3A_61 = arith.constant 0 : i32
    %scan3A_62 = arith.constant 125 : i32
    %scan3A_63 = arith.addi %scan3A_61, %scan3A_62 : i32
    %scan3A_64 = arith.constant 1 : i32
    %scan3A_65 = scf.for %scan3A_200 = %scan3A_61 to %scan3A_63 step %scan3A_64 iter_args(%scan3A_201 = %scan3A_60) -> (i32)  : i32 {
      %mul3A_202 = arith.constant 16 : i32
      %mul3A_203 = arith.muli %scan3A_200, %mul3A_202 : i32
      %get3A = arith.index_cast %mul3A_203 : i32 to index
      %get3A_204 = tpu.vector_load %arg6[%get3A] {strides = array<i32>} : memref<2000xi32, #tpu.memory_space<vmem>>, vector<16xi32>,
      %mul3A_205 = arith.constant 16 : i32
      %mul3A_206 = arith.muli %scan3A_200, %mul3A_205 : i32
      %get3A_207 = arith.index_cast %mul3A_206 : i32 to index
      %get3A_208 = tpu.vector_load %arg7[%get3A_207] {strides = array<i32>} : memref<2000xi32, #tpu.memory_space<vmem>>, vector<16xi32>,
      %mul3A_209 = arith.constant 10000 : i32
      %mul3A_210 = vector.broadcast %mul3A_209 : i32 to vector<16xi32>
      %mul3A_211 = arith.muli %get3A_208, %mul3A_210 : vector<16xi32>
      %add3A_212 = arith.addi %mul3A_211, %get3A_204 : vector<16xi32>
      %shift_right_arithmetic3A = arith.constant 7 : i32
      %shift_right_arithmetic3A_213 = vector.broadcast %shift_right_arithmetic3A : i32 to vector<16xi32>
      %shift_right_arithmetic3A_214 = arith.shrsi %add3A_212, %shift_right_arithmetic3A_213 : vector<16xi32>
      %and3A = arith.constant 127 : i32
      %and3A_215 = vector.broadcast %and3A : i32 to vector<16xi32>
      %and3A_216 = arith.andi %add3A_212, %and3A_215 : vector<16xi32>
      %broadcast_in_dim3A = arith.constant 1.000000e+00 : f32
      %broadcast_in_dim3A_217 = vector.broadcast %broadcast_in_dim3A : f32 to vector<16xf32>
      tpu.vector_store_idx %arg5[%shift_right_arithmetic3A_214, %and3A_216], %broadcast_in_dim3A_217 {add = true} : memref<640x128xf32, #tpu.memory_space<vmem>>[vector<16xi32>, vector<16xi32>], vector<16xf32>,
      %scan3A_218 = arith.constant 0 : i32
      scf.yield %scan3A_218 : i32
    }
    %scan3A_66 = arith.constant 125 : i32
    %mul3A_67 = arith.constant 20000 : i32
    %mul3A_68 = arith.muli %arg1, %mul3A_67 : i32
    %add3A_69 = arith.constant 8000 : i32
    %add3A_70 = arith.addi %mul3A_68, %add3A_69 : i32
    "tpu.region"() ({
      %run_scoped3A_200 = tpu.sem_alloc : memref<!tpu.dma_semaphore, #tpu.memory_space<semaphore_mem>>
      %dma_start3A = tpu.memref_slice %arg2[%add3A_70] : memref<320000xi32, #tpu.memory_space<hbm>> -> memref<2000xi32, #tpu.memory_space<hbm>>
      %dma_start3A_201 = tpu.memref_slice %arg2[%add3A_70] : memref<320000xi32, #tpu.memory_space<hbm>> -> memref<2000xi32, #tpu.memory_space<hbm>>
      tpu.enqueue_dma source(%dma_start3A_201 : memref<2000xi32, #tpu.memory_space<hbm>>) target(%arg6 : memref<2000xi32, #tpu.memory_space<vmem>>) target_semaphore(%run_scoped3A_200 : memref<!tpu.dma_semaphore, #tpu.memory_space<semaphore_mem>>)
      %dma_wait3A = tpu.memref_slice %arg2[%add3A_70] : memref<320000xi32, #tpu.memory_space<hbm>> -> memref<2000xi32, #tpu.memory_space<hbm>>
      %dma_wait3A_202 = tpu.memref_slice %arg2[%add3A_70] : memref<320000xi32, #tpu.memory_space<hbm>> -> memref<2000xi32, #tpu.memory_space<hbm>>
      tpu.wait_dma2 semaphore(%run_scoped3A_200 : memref<!tpu.dma_semaphore, #tpu.memory_space<semaphore_mem>>) src(%dma_wait3A_202 : memref<2000xi32, #tpu.memory_space<hbm>>) dst(%arg6 : memref<2000xi32, #tpu.memory_space<vmem>>)
      tpu.yield
    }) : () -> ()
    "tpu.region"() ({
      %run_scoped3A_200 = tpu.sem_alloc : memref<!tpu.dma_semaphore, #tpu.memory_space<semaphore_mem>>
      %dma_start3A = tpu.memref_slice %arg3[%add3A_70] : memref<320000xi32, #tpu.memory_space<hbm>> -> memref<2000xi32, #tpu.memory_space<hbm>>
      %dma_start3A_201 = tpu.memref_slice %arg3[%add3A_70] : memref<320000xi32, #tpu.memory_space<hbm>> -> memref<2000xi32, #tpu.memory_space<hbm>>
      tpu.enqueue_dma source(%dma_start3A_201 : memref<2000xi32, #tpu.memory_space<hbm>>) target(%arg7 : memref<2000xi32, #tpu.memory_space<vmem>>) target_semaphore(%run_scoped3A_200 : memref<!tpu.dma_semaphore, #tpu.memory_space<semaphore_mem>>)
      %dma_wait3A = tpu.memref_slice %arg3[%add3A_70] : memref<320000xi32, #tpu.memory_space<hbm>> -> memref<2000xi32, #tpu.memory_space<hbm>>
      %dma_wait3A_202 = tpu.memref_slice %arg3[%add3A_70] : memref<320000xi32, #tpu.memory_space<hbm>> -> memref<2000xi32, #tpu.memory_space<hbm>>
      tpu.wait_dma2 semaphore(%run_scoped3A_200 : memref<!tpu.dma_semaphore, #tpu.memory_space<semaphore_mem>>) src(%dma_wait3A_202 : memref<2000xi32, #tpu.memory_space<hbm>>) dst(%arg7 : memref<2000xi32, #tpu.memory_space<vmem>>)
      tpu.yield
    }) : () -> ()
    %scan3A_71 = arith.constant 0 : i32
    %scan3A_72 = arith.constant 0 : i32
    %scan3A_73 = arith.constant 125 : i32
    %scan3A_74 = arith.addi %scan3A_72, %scan3A_73 : i32
    %scan3A_75 = arith.constant 1 : i32
    %scan3A_76 = scf.for %scan3A_200 = %scan3A_72 to %scan3A_74 step %scan3A_75 iter_args(%scan3A_201 = %scan3A_71) -> (i32)  : i32 {
      %mul3A_202 = arith.constant 16 : i32
      %mul3A_203 = arith.muli %scan3A_200, %mul3A_202 : i32
      %get3A = arith.index_cast %mul3A_203 : i32 to index
      %get3A_204 = tpu.vector_load %arg6[%get3A] {strides = array<i32>} : memref<2000xi32, #tpu.memory_space<vmem>>, vector<16xi32>,
      %mul3A_205 = arith.constant 16 : i32
      %mul3A_206 = arith.muli %scan3A_200, %mul3A_205 : i32
      %get3A_207 = arith.index_cast %mul3A_206 : i32 to index
      %get3A_208 = tpu.vector_load %arg7[%get3A_207] {strides = array<i32>} : memref<2000xi32, #tpu.memory_space<vmem>>, vector<16xi32>,
      %mul3A_209 = arith.constant 10000 : i32
      %mul3A_210 = vector.broadcast %mul3A_209 : i32 to vector<16xi32>
      %mul3A_211 = arith.muli %get3A_208, %mul3A_210 : vector<16xi32>
      %add3A_212 = arith.addi %mul3A_211, %get3A_204 : vector<16xi32>
      %shift_right_arithmetic3A = arith.constant 7 : i32
      %shift_right_arithmetic3A_213 = vector.broadcast %shift_right_arithmetic3A : i32 to vector<16xi32>
      %shift_right_arithmetic3A_214 = arith.shrsi %add3A_212, %shift_right_arithmetic3A_213 : vector<16xi32>
      %and3A = arith.constant 127 : i32
      %and3A_215 = vector.broadcast %and3A : i32 to vector<16xi32>
      %and3A_216 = arith.andi %add3A_212, %and3A_215 : vector<16xi32>
      %broadcast_in_dim3A = arith.constant 1.000000e+00 : f32
      %broadcast_in_dim3A_217 = vector.broadcast %broadcast_in_dim3A : f32 to vector<16xf32>
      tpu.vector_store_idx %arg5[%shift_right_arithmetic3A_214, %and3A_216], %broadcast_in_dim3A_217 {add = true} : memref<640x128xf32, #tpu.memory_space<vmem>>[vector<16xi32>, vector<16xi32>], vector<16xf32>,
      %scan3A_218 = arith.constant 0 : i32
      scf.yield %scan3A_218 : i32
    }
    %scan3A_77 = arith.constant 125 : i32
    %mul3A_78 = arith.constant 20000 : i32
    %mul3A_79 = arith.muli %arg1, %mul3A_78 : i32
    %add3A_80 = arith.constant 10000 : i32
    %add3A_81 = arith.addi %mul3A_79, %add3A_80 : i32
    "tpu.region"() ({
      %run_scoped3A_200 = tpu.sem_alloc : memref<!tpu.dma_semaphore, #tpu.memory_space<semaphore_mem>>
      %dma_start3A = tpu.memref_slice %arg2[%add3A_81] : memref<320000xi32, #tpu.memory_space<hbm>> -> memref<2000xi32, #tpu.memory_space<hbm>>
      %dma_start3A_201 = tpu.memref_slice %arg2[%add3A_81] : memref<320000xi32, #tpu.memory_space<hbm>> -> memref<2000xi32, #tpu.memory_space<hbm>>
      tpu.enqueue_dma source(%dma_start3A_201 : memref<2000xi32, #tpu.memory_space<hbm>>) target(%arg6 : memref<2000xi32, #tpu.memory_space<vmem>>) target_semaphore(%run_scoped3A_200 : memref<!tpu.dma_semaphore, #tpu.memory_space<semaphore_mem>>)
      %dma_wait3A = tpu.memref_slice %arg2[%add3A_81] : memref<320000xi32, #tpu.memory_space<hbm>> -> memref<2000xi32, #tpu.memory_space<hbm>>
      %dma_wait3A_202 = tpu.memref_slice %arg2[%add3A_81] : memref<320000xi32, #tpu.memory_space<hbm>> -> memref<2000xi32, #tpu.memory_space<hbm>>
      tpu.wait_dma2 semaphore(%run_scoped3A_200 : memref<!tpu.dma_semaphore, #tpu.memory_space<semaphore_mem>>) src(%dma_wait3A_202 : memref<2000xi32, #tpu.memory_space<hbm>>) dst(%arg6 : memref<2000xi32, #tpu.memory_space<vmem>>)
      tpu.yield
    }) : () -> ()
    "tpu.region"() ({
      %run_scoped3A_200 = tpu.sem_alloc : memref<!tpu.dma_semaphore, #tpu.memory_space<semaphore_mem>>
      %dma_start3A = tpu.memref_slice %arg3[%add3A_81] : memref<320000xi32, #tpu.memory_space<hbm>> -> memref<2000xi32, #tpu.memory_space<hbm>>
      %dma_start3A_201 = tpu.memref_slice %arg3[%add3A_81] : memref<320000xi32, #tpu.memory_space<hbm>> -> memref<2000xi32, #tpu.memory_space<hbm>>
      tpu.enqueue_dma source(%dma_start3A_201 : memref<2000xi32, #tpu.memory_space<hbm>>) target(%arg7 : memref<2000xi32, #tpu.memory_space<vmem>>) target_semaphore(%run_scoped3A_200 : memref<!tpu.dma_semaphore, #tpu.memory_space<semaphore_mem>>)
      %dma_wait3A = tpu.memref_slice %arg3[%add3A_81] : memref<320000xi32, #tpu.memory_space<hbm>> -> memref<2000xi32, #tpu.memory_space<hbm>>
      %dma_wait3A_202 = tpu.memref_slice %arg3[%add3A_81] : memref<320000xi32, #tpu.memory_space<hbm>> -> memref<2000xi32, #tpu.memory_space<hbm>>
      tpu.wait_dma2 semaphore(%run_scoped3A_200 : memref<!tpu.dma_semaphore, #tpu.memory_space<semaphore_mem>>) src(%dma_wait3A_202 : memref<2000xi32, #tpu.memory_space<hbm>>) dst(%arg7 : memref<2000xi32, #tpu.memory_space<vmem>>)
      tpu.yield
    }) : () -> ()
    %scan3A_82 = arith.constant 0 : i32
    %scan3A_83 = arith.constant 0 : i32
    %scan3A_84 = arith.constant 125 : i32
    %scan3A_85 = arith.addi %scan3A_83, %scan3A_84 : i32
    %scan3A_86 = arith.constant 1 : i32
    %scan3A_87 = scf.for %scan3A_200 = %scan3A_83 to %scan3A_85 step %scan3A_86 iter_args(%scan3A_201 = %scan3A_82) -> (i32)  : i32 {
      %mul3A_202 = arith.constant 16 : i32
      %mul3A_203 = arith.muli %scan3A_200, %mul3A_202 : i32
      %get3A = arith.index_cast %mul3A_203 : i32 to index
      %get3A_204 = tpu.vector_load %arg6[%get3A] {strides = array<i32>} : memref<2000xi32, #tpu.memory_space<vmem>>, vector<16xi32>,
      %mul3A_205 = arith.constant 16 : i32
      %mul3A_206 = arith.muli %scan3A_200, %mul3A_205 : i32
      %get3A_207 = arith.index_cast %mul3A_206 : i32 to index
      %get3A_208 = tpu.vector_load %arg7[%get3A_207] {strides = array<i32>} : memref<2000xi32, #tpu.memory_space<vmem>>, vector<16xi32>,
      %mul3A_209 = arith.constant 10000 : i32
      %mul3A_210 = vector.broadcast %mul3A_209 : i32 to vector<16xi32>
      %mul3A_211 = arith.muli %get3A_208, %mul3A_210 : vector<16xi32>
      %add3A_212 = arith.addi %mul3A_211, %get3A_204 : vector<16xi32>
      %shift_right_arithmetic3A = arith.constant 7 : i32
      %shift_right_arithmetic3A_213 = vector.broadcast %shift_right_arithmetic3A : i32 to vector<16xi32>
      %shift_right_arithmetic3A_214 = arith.shrsi %add3A_212, %shift_right_arithmetic3A_213 : vector<16xi32>
      %and3A = arith.constant 127 : i32
      %and3A_215 = vector.broadcast %and3A : i32 to vector<16xi32>
      %and3A_216 = arith.andi %add3A_212, %and3A_215 : vector<16xi32>
      %broadcast_in_dim3A = arith.constant 1.000000e+00 : f32
      %broadcast_in_dim3A_217 = vector.broadcast %broadcast_in_dim3A : f32 to vector<16xf32>
      tpu.vector_store_idx %arg5[%shift_right_arithmetic3A_214, %and3A_216], %broadcast_in_dim3A_217 {add = true} : memref<640x128xf32, #tpu.memory_space<vmem>>[vector<16xi32>, vector<16xi32>], vector<16xf32>,
      %scan3A_218 = arith.constant 0 : i32
      scf.yield %scan3A_218 : i32
    }
    %scan3A_88 = arith.constant 125 : i32
    %mul3A_89 = arith.constant 20000 : i32
    %mul3A_90 = arith.muli %arg1, %mul3A_89 : i32
    %add3A_91 = arith.constant 12000 : i32
    %add3A_92 = arith.addi %mul3A_90, %add3A_91 : i32
    "tpu.region"() ({
      %run_scoped3A_200 = tpu.sem_alloc : memref<!tpu.dma_semaphore, #tpu.memory_space<semaphore_mem>>
      %dma_start3A = tpu.memref_slice %arg2[%add3A_92] : memref<320000xi32, #tpu.memory_space<hbm>> -> memref<2000xi32, #tpu.memory_space<hbm>>
      %dma_start3A_201 = tpu.memref_slice %arg2[%add3A_92] : memref<320000xi32, #tpu.memory_space<hbm>> -> memref<2000xi32, #tpu.memory_space<hbm>>
      tpu.enqueue_dma source(%dma_start3A_201 : memref<2000xi32, #tpu.memory_space<hbm>>) target(%arg6 : memref<2000xi32, #tpu.memory_space<vmem>>) target_semaphore(%run_scoped3A_200 : memref<!tpu.dma_semaphore, #tpu.memory_space<semaphore_mem>>)
      %dma_wait3A = tpu.memref_slice %arg2[%add3A_92] : memref<320000xi32, #tpu.memory_space<hbm>> -> memref<2000xi32, #tpu.memory_space<hbm>>
      %dma_wait3A_202 = tpu.memref_slice %arg2[%add3A_92] : memref<320000xi32, #tpu.memory_space<hbm>> -> memref<2000xi32, #tpu.memory_space<hbm>>
      tpu.wait_dma2 semaphore(%run_scoped3A_200 : memref<!tpu.dma_semaphore, #tpu.memory_space<semaphore_mem>>) src(%dma_wait3A_202 : memref<2000xi32, #tpu.memory_space<hbm>>) dst(%arg6 : memref<2000xi32, #tpu.memory_space<vmem>>)
      tpu.yield
    }) : () -> ()
    "tpu.region"() ({
      %run_scoped3A_200 = tpu.sem_alloc : memref<!tpu.dma_semaphore, #tpu.memory_space<semaphore_mem>>
      %dma_start3A = tpu.memref_slice %arg3[%add3A_92] : memref<320000xi32, #tpu.memory_space<hbm>> -> memref<2000xi32, #tpu.memory_space<hbm>>
      %dma_start3A_201 = tpu.memref_slice %arg3[%add3A_92] : memref<320000xi32, #tpu.memory_space<hbm>> -> memref<2000xi32, #tpu.memory_space<hbm>>
      tpu.enqueue_dma source(%dma_start3A_201 : memref<2000xi32, #tpu.memory_space<hbm>>) target(%arg7 : memref<2000xi32, #tpu.memory_space<vmem>>) target_semaphore(%run_scoped3A_200 : memref<!tpu.dma_semaphore, #tpu.memory_space<semaphore_mem>>)
      %dma_wait3A = tpu.memref_slice %arg3[%add3A_92] : memref<320000xi32, #tpu.memory_space<hbm>> -> memref<2000xi32, #tpu.memory_space<hbm>>
      %dma_wait3A_202 = tpu.memref_slice %arg3[%add3A_92] : memref<320000xi32, #tpu.memory_space<hbm>> -> memref<2000xi32, #tpu.memory_space<hbm>>
      tpu.wait_dma2 semaphore(%run_scoped3A_200 : memref<!tpu.dma_semaphore, #tpu.memory_space<semaphore_mem>>) src(%dma_wait3A_202 : memref<2000xi32, #tpu.memory_space<hbm>>) dst(%arg7 : memref<2000xi32, #tpu.memory_space<vmem>>)
      tpu.yield
    }) : () -> ()
    %scan3A_93 = arith.constant 0 : i32
    %scan3A_94 = arith.constant 0 : i32
    %scan3A_95 = arith.constant 125 : i32
    %scan3A_96 = arith.addi %scan3A_94, %scan3A_95 : i32
    %scan3A_97 = arith.constant 1 : i32
    %scan3A_98 = scf.for %scan3A_200 = %scan3A_94 to %scan3A_96 step %scan3A_97 iter_args(%scan3A_201 = %scan3A_93) -> (i32)  : i32 {
      %mul3A_202 = arith.constant 16 : i32
      %mul3A_203 = arith.muli %scan3A_200, %mul3A_202 : i32
      %get3A = arith.index_cast %mul3A_203 : i32 to index
      %get3A_204 = tpu.vector_load %arg6[%get3A] {strides = array<i32>} : memref<2000xi32, #tpu.memory_space<vmem>>, vector<16xi32>,
      %mul3A_205 = arith.constant 16 : i32
      %mul3A_206 = arith.muli %scan3A_200, %mul3A_205 : i32
      %get3A_207 = arith.index_cast %mul3A_206 : i32 to index
      %get3A_208 = tpu.vector_load %arg7[%get3A_207] {strides = array<i32>} : memref<2000xi32, #tpu.memory_space<vmem>>, vector<16xi32>,
      %mul3A_209 = arith.constant 10000 : i32
      %mul3A_210 = vector.broadcast %mul3A_209 : i32 to vector<16xi32>
      %mul3A_211 = arith.muli %get3A_208, %mul3A_210 : vector<16xi32>
      %add3A_212 = arith.addi %mul3A_211, %get3A_204 : vector<16xi32>
      %shift_right_arithmetic3A = arith.constant 7 : i32
      %shift_right_arithmetic3A_213 = vector.broadcast %shift_right_arithmetic3A : i32 to vector<16xi32>
      %shift_right_arithmetic3A_214 = arith.shrsi %add3A_212, %shift_right_arithmetic3A_213 : vector<16xi32>
      %and3A = arith.constant 127 : i32
      %and3A_215 = vector.broadcast %and3A : i32 to vector<16xi32>
      %and3A_216 = arith.andi %add3A_212, %and3A_215 : vector<16xi32>
      %broadcast_in_dim3A = arith.constant 1.000000e+00 : f32
      %broadcast_in_dim3A_217 = vector.broadcast %broadcast_in_dim3A : f32 to vector<16xf32>
      tpu.vector_store_idx %arg5[%shift_right_arithmetic3A_214, %and3A_216], %broadcast_in_dim3A_217 {add = true} : memref<640x128xf32, #tpu.memory_space<vmem>>[vector<16xi32>, vector<16xi32>], vector<16xf32>,
      %scan3A_218 = arith.constant 0 : i32
      scf.yield %scan3A_218 : i32
    }
    %scan3A_99 = arith.constant 125 : i32
    %mul3A_100 = arith.constant 20000 : i32
    %mul3A_101 = arith.muli %arg1, %mul3A_100 : i32
    %add3A_102 = arith.constant 14000 : i32
    %add3A_103 = arith.addi %mul3A_101, %add3A_102 : i32
    "tpu.region"() ({
      %run_scoped3A_200 = tpu.sem_alloc : memref<!tpu.dma_semaphore, #tpu.memory_space<semaphore_mem>>
      %dma_start3A = tpu.memref_slice %arg2[%add3A_103] : memref<320000xi32, #tpu.memory_space<hbm>> -> memref<2000xi32, #tpu.memory_space<hbm>>
      %dma_start3A_201 = tpu.memref_slice %arg2[%add3A_103] : memref<320000xi32, #tpu.memory_space<hbm>> -> memref<2000xi32, #tpu.memory_space<hbm>>
      tpu.enqueue_dma source(%dma_start3A_201 : memref<2000xi32, #tpu.memory_space<hbm>>) target(%arg6 : memref<2000xi32, #tpu.memory_space<vmem>>) target_semaphore(%run_scoped3A_200 : memref<!tpu.dma_semaphore, #tpu.memory_space<semaphore_mem>>)
      %dma_wait3A = tpu.memref_slice %arg2[%add3A_103] : memref<320000xi32, #tpu.memory_space<hbm>> -> memref<2000xi32, #tpu.memory_space<hbm>>
      %dma_wait3A_202 = tpu.memref_slice %arg2[%add3A_103] : memref<320000xi32, #tpu.memory_space<hbm>> -> memref<2000xi32, #tpu.memory_space<hbm>>
      tpu.wait_dma2 semaphore(%run_scoped3A_200 : memref<!tpu.dma_semaphore, #tpu.memory_space<semaphore_mem>>) src(%dma_wait3A_202 : memref<2000xi32, #tpu.memory_space<hbm>>) dst(%arg6 : memref<2000xi32, #tpu.memory_space<vmem>>)
      tpu.yield
    }) : () -> ()
    "tpu.region"() ({
      %run_scoped3A_200 = tpu.sem_alloc : memref<!tpu.dma_semaphore, #tpu.memory_space<semaphore_mem>>
      %dma_start3A = tpu.memref_slice %arg3[%add3A_103] : memref<320000xi32, #tpu.memory_space<hbm>> -> memref<2000xi32, #tpu.memory_space<hbm>>
      %dma_start3A_201 = tpu.memref_slice %arg3[%add3A_103] : memref<320000xi32, #tpu.memory_space<hbm>> -> memref<2000xi32, #tpu.memory_space<hbm>>
      tpu.enqueue_dma source(%dma_start3A_201 : memref<2000xi32, #tpu.memory_space<hbm>>) target(%arg7 : memref<2000xi32, #tpu.memory_space<vmem>>) target_semaphore(%run_scoped3A_200 : memref<!tpu.dma_semaphore, #tpu.memory_space<semaphore_mem>>)
      %dma_wait3A = tpu.memref_slice %arg3[%add3A_103] : memref<320000xi32, #tpu.memory_space<hbm>> -> memref<2000xi32, #tpu.memory_space<hbm>>
      %dma_wait3A_202 = tpu.memref_slice %arg3[%add3A_103] : memref<320000xi32, #tpu.memory_space<hbm>> -> memref<2000xi32, #tpu.memory_space<hbm>>
      tpu.wait_dma2 semaphore(%run_scoped3A_200 : memref<!tpu.dma_semaphore, #tpu.memory_space<semaphore_mem>>) src(%dma_wait3A_202 : memref<2000xi32, #tpu.memory_space<hbm>>) dst(%arg7 : memref<2000xi32, #tpu.memory_space<vmem>>)
      tpu.yield
    }) : () -> ()
    %scan3A_104 = arith.constant 0 : i32
    %scan3A_105 = arith.constant 0 : i32
    %scan3A_106 = arith.constant 125 : i32
    %scan3A_107 = arith.addi %scan3A_105, %scan3A_106 : i32
    %scan3A_108 = arith.constant 1 : i32
    %scan3A_109 = scf.for %scan3A_200 = %scan3A_105 to %scan3A_107 step %scan3A_108 iter_args(%scan3A_201 = %scan3A_104) -> (i32)  : i32 {
      %mul3A_202 = arith.constant 16 : i32
      %mul3A_203 = arith.muli %scan3A_200, %mul3A_202 : i32
      %get3A = arith.index_cast %mul3A_203 : i32 to index
      %get3A_204 = tpu.vector_load %arg6[%get3A] {strides = array<i32>} : memref<2000xi32, #tpu.memory_space<vmem>>, vector<16xi32>,
      %mul3A_205 = arith.constant 16 : i32
      %mul3A_206 = arith.muli %scan3A_200, %mul3A_205 : i32
      %get3A_207 = arith.index_cast %mul3A_206 : i32 to index
      %get3A_208 = tpu.vector_load %arg7[%get3A_207] {strides = array<i32>} : memref<2000xi32, #tpu.memory_space<vmem>>, vector<16xi32>,
      %mul3A_209 = arith.constant 10000 : i32
      %mul3A_210 = vector.broadcast %mul3A_209 : i32 to vector<16xi32>
      %mul3A_211 = arith.muli %get3A_208, %mul3A_210 : vector<16xi32>
      %add3A_212 = arith.addi %mul3A_211, %get3A_204 : vector<16xi32>
      %shift_right_arithmetic3A = arith.constant 7 : i32
      %shift_right_arithmetic3A_213 = vector.broadcast %shift_right_arithmetic3A : i32 to vector<16xi32>
      %shift_right_arithmetic3A_214 = arith.shrsi %add3A_212, %shift_right_arithmetic3A_213 : vector<16xi32>
      %and3A = arith.constant 127 : i32
      %and3A_215 = vector.broadcast %and3A : i32 to vector<16xi32>
      %and3A_216 = arith.andi %add3A_212, %and3A_215 : vector<16xi32>
      %broadcast_in_dim3A = arith.constant 1.000000e+00 : f32
      %broadcast_in_dim3A_217 = vector.broadcast %broadcast_in_dim3A : f32 to vector<16xf32>
      tpu.vector_store_idx %arg5[%shift_right_arithmetic3A_214, %and3A_216], %broadcast_in_dim3A_217 {add = true} : memref<640x128xf32, #tpu.memory_space<vmem>>[vector<16xi32>, vector<16xi32>], vector<16xf32>,
      %scan3A_218 = arith.constant 0 : i32
      scf.yield %scan3A_218 : i32
    }
    %scan3A_110 = arith.constant 125 : i32
    %mul3A_111 = arith.constant 20000 : i32
    %mul3A_112 = arith.muli %arg1, %mul3A_111 : i32
    %add3A_113 = arith.constant 16000 : i32
    %add3A_114 = arith.addi %mul3A_112, %add3A_113 : i32
    "tpu.region"() ({
      %run_scoped3A_200 = tpu.sem_alloc : memref<!tpu.dma_semaphore, #tpu.memory_space<semaphore_mem>>
      %dma_start3A = tpu.memref_slice %arg2[%add3A_114] : memref<320000xi32, #tpu.memory_space<hbm>> -> memref<2000xi32, #tpu.memory_space<hbm>>
      %dma_start3A_201 = tpu.memref_slice %arg2[%add3A_114] : memref<320000xi32, #tpu.memory_space<hbm>> -> memref<2000xi32, #tpu.memory_space<hbm>>
      tpu.enqueue_dma source(%dma_start3A_201 : memref<2000xi32, #tpu.memory_space<hbm>>) target(%arg6 : memref<2000xi32, #tpu.memory_space<vmem>>) target_semaphore(%run_scoped3A_200 : memref<!tpu.dma_semaphore, #tpu.memory_space<semaphore_mem>>)
      %dma_wait3A = tpu.memref_slice %arg2[%add3A_114] : memref<320000xi32, #tpu.memory_space<hbm>> -> memref<2000xi32, #tpu.memory_space<hbm>>
      %dma_wait3A_202 = tpu.memref_slice %arg2[%add3A_114] : memref<320000xi32, #tpu.memory_space<hbm>> -> memref<2000xi32, #tpu.memory_space<hbm>>
      tpu.wait_dma2 semaphore(%run_scoped3A_200 : memref<!tpu.dma_semaphore, #tpu.memory_space<semaphore_mem>>) src(%dma_wait3A_202 : memref<2000xi32, #tpu.memory_space<hbm>>) dst(%arg6 : memref<2000xi32, #tpu.memory_space<vmem>>)
      tpu.yield
    }) : () -> ()
    "tpu.region"() ({
      %run_scoped3A_200 = tpu.sem_alloc : memref<!tpu.dma_semaphore, #tpu.memory_space<semaphore_mem>>
      %dma_start3A = tpu.memref_slice %arg3[%add3A_114] : memref<320000xi32, #tpu.memory_space<hbm>> -> memref<2000xi32, #tpu.memory_space<hbm>>
      %dma_start3A_201 = tpu.memref_slice %arg3[%add3A_114] : memref<320000xi32, #tpu.memory_space<hbm>> -> memref<2000xi32, #tpu.memory_space<hbm>>
      tpu.enqueue_dma source(%dma_start3A_201 : memref<2000xi32, #tpu.memory_space<hbm>>) target(%arg7 : memref<2000xi32, #tpu.memory_space<vmem>>) target_semaphore(%run_scoped3A_200 : memref<!tpu.dma_semaphore, #tpu.memory_space<semaphore_mem>>)
      %dma_wait3A = tpu.memref_slice %arg3[%add3A_114] : memref<320000xi32, #tpu.memory_space<hbm>> -> memref<2000xi32, #tpu.memory_space<hbm>>
      %dma_wait3A_202 = tpu.memref_slice %arg3[%add3A_114] : memref<320000xi32, #tpu.memory_space<hbm>> -> memref<2000xi32, #tpu.memory_space<hbm>>
      tpu.wait_dma2 semaphore(%run_scoped3A_200 : memref<!tpu.dma_semaphore, #tpu.memory_space<semaphore_mem>>) src(%dma_wait3A_202 : memref<2000xi32, #tpu.memory_space<hbm>>) dst(%arg7 : memref<2000xi32, #tpu.memory_space<vmem>>)
      tpu.yield
    }) : () -> ()
    %scan3A_115 = arith.constant 0 : i32
    %scan3A_116 = arith.constant 0 : i32
    %scan3A_117 = arith.constant 125 : i32
    %scan3A_118 = arith.addi %scan3A_116, %scan3A_117 : i32
    %scan3A_119 = arith.constant 1 : i32
    %scan3A_120 = scf.for %scan3A_200 = %scan3A_116 to %scan3A_118 step %scan3A_119 iter_args(%scan3A_201 = %scan3A_115) -> (i32)  : i32 {
      %mul3A_202 = arith.constant 16 : i32
      %mul3A_203 = arith.muli %scan3A_200, %mul3A_202 : i32
      %get3A = arith.index_cast %mul3A_203 : i32 to index
      %get3A_204 = tpu.vector_load %arg6[%get3A] {strides = array<i32>} : memref<2000xi32, #tpu.memory_space<vmem>>, vector<16xi32>,
      %mul3A_205 = arith.constant 16 : i32
      %mul3A_206 = arith.muli %scan3A_200, %mul3A_205 : i32
      %get3A_207 = arith.index_cast %mul3A_206 : i32 to index
      %get3A_208 = tpu.vector_load %arg7[%get3A_207] {strides = array<i32>} : memref<2000xi32, #tpu.memory_space<vmem>>, vector<16xi32>,
      %mul3A_209 = arith.constant 10000 : i32
      %mul3A_210 = vector.broadcast %mul3A_209 : i32 to vector<16xi32>
      %mul3A_211 = arith.muli %get3A_208, %mul3A_210 : vector<16xi32>
      %add3A_212 = arith.addi %mul3A_211, %get3A_204 : vector<16xi32>
      %shift_right_arithmetic3A = arith.constant 7 : i32
      %shift_right_arithmetic3A_213 = vector.broadcast %shift_right_arithmetic3A : i32 to vector<16xi32>
      %shift_right_arithmetic3A_214 = arith.shrsi %add3A_212, %shift_right_arithmetic3A_213 : vector<16xi32>
      %and3A = arith.constant 127 : i32
      %and3A_215 = vector.broadcast %and3A : i32 to vector<16xi32>
      %and3A_216 = arith.andi %add3A_212, %and3A_215 : vector<16xi32>
      %broadcast_in_dim3A = arith.constant 1.000000e+00 : f32
      %broadcast_in_dim3A_217 = vector.broadcast %broadcast_in_dim3A : f32 to vector<16xf32>
      tpu.vector_store_idx %arg5[%shift_right_arithmetic3A_214, %and3A_216], %broadcast_in_dim3A_217 {add = true} : memref<640x128xf32, #tpu.memory_space<vmem>>[vector<16xi32>, vector<16xi32>], vector<16xf32>,
      %scan3A_218 = arith.constant 0 : i32
      scf.yield %scan3A_218 : i32
    }
    %scan3A_121 = arith.constant 125 : i32
    %mul3A_122 = arith.constant 20000 : i32
    %mul3A_123 = arith.muli %arg1, %mul3A_122 : i32
    %add3A_124 = arith.constant 18000 : i32
    %add3A_125 = arith.addi %mul3A_123, %add3A_124 : i32
    "tpu.region"() ({
      %run_scoped3A_200 = tpu.sem_alloc : memref<!tpu.dma_semaphore, #tpu.memory_space<semaphore_mem>>
      %dma_start3A = tpu.memref_slice %arg2[%add3A_125] : memref<320000xi32, #tpu.memory_space<hbm>> -> memref<2000xi32, #tpu.memory_space<hbm>>
      %dma_start3A_201 = tpu.memref_slice %arg2[%add3A_125] : memref<320000xi32, #tpu.memory_space<hbm>> -> memref<2000xi32, #tpu.memory_space<hbm>>
      tpu.enqueue_dma source(%dma_start3A_201 : memref<2000xi32, #tpu.memory_space<hbm>>) target(%arg6 : memref<2000xi32, #tpu.memory_space<vmem>>) target_semaphore(%run_scoped3A_200 : memref<!tpu.dma_semaphore, #tpu.memory_space<semaphore_mem>>)
      %dma_wait3A = tpu.memref_slice %arg2[%add3A_125] : memref<320000xi32, #tpu.memory_space<hbm>> -> memref<2000xi32, #tpu.memory_space<hbm>>
      %dma_wait3A_202 = tpu.memref_slice %arg2[%add3A_125] : memref<320000xi32, #tpu.memory_space<hbm>> -> memref<2000xi32, #tpu.memory_space<hbm>>
      tpu.wait_dma2 semaphore(%run_scoped3A_200 : memref<!tpu.dma_semaphore, #tpu.memory_space<semaphore_mem>>) src(%dma_wait3A_202 : memref<2000xi32, #tpu.memory_space<hbm>>) dst(%arg6 : memref<2000xi32, #tpu.memory_space<vmem>>)
      tpu.yield
    }) : () -> ()
    "tpu.region"() ({
      %run_scoped3A_200 = tpu.sem_alloc : memref<!tpu.dma_semaphore, #tpu.memory_space<semaphore_mem>>
      %dma_start3A = tpu.memref_slice %arg3[%add3A_125] : memref<320000xi32, #tpu.memory_space<hbm>> -> memref<2000xi32, #tpu.memory_space<hbm>>
      %dma_start3A_201 = tpu.memref_slice %arg3[%add3A_125] : memref<320000xi32, #tpu.memory_space<hbm>> -> memref<2000xi32, #tpu.memory_space<hbm>>
      tpu.enqueue_dma source(%dma_start3A_201 : memref<2000xi32, #tpu.memory_space<hbm>>) target(%arg7 : memref<2000xi32, #tpu.memory_space<vmem>>) target_semaphore(%run_scoped3A_200 : memref<!tpu.dma_semaphore, #tpu.memory_space<semaphore_mem>>)
      %dma_wait3A = tpu.memref_slice %arg3[%add3A_125] : memref<320000xi32, #tpu.memory_space<hbm>> -> memref<2000xi32, #tpu.memory_space<hbm>>
      %dma_wait3A_202 = tpu.memref_slice %arg3[%add3A_125] : memref<320000xi32, #tpu.memory_space<hbm>> -> memref<2000xi32, #tpu.memory_space<hbm>>
      tpu.wait_dma2 semaphore(%run_scoped3A_200 : memref<!tpu.dma_semaphore, #tpu.memory_space<semaphore_mem>>) src(%dma_wait3A_202 : memref<2000xi32, #tpu.memory_space<hbm>>) dst(%arg7 : memref<2000xi32, #tpu.memory_space<vmem>>)
      tpu.yield
    }) : () -> ()
    %scan3A_126 = arith.constant 0 : i32
    %scan3A_127 = arith.constant 0 : i32
    %scan3A_128 = arith.constant 125 : i32
    %scan3A_129 = arith.addi %scan3A_127, %scan3A_128 : i32
    %scan3A_130 = arith.constant 1 : i32
    %scan3A_131 = scf.for %scan3A_200 = %scan3A_127 to %scan3A_129 step %scan3A_130 iter_args(%scan3A_201 = %scan3A_126) -> (i32)  : i32 {
      %mul3A_202 = arith.constant 16 : i32
      %mul3A_203 = arith.muli %scan3A_200, %mul3A_202 : i32
      %get3A = arith.index_cast %mul3A_203 : i32 to index
      %get3A_204 = tpu.vector_load %arg6[%get3A] {strides = array<i32>} : memref<2000xi32, #tpu.memory_space<vmem>>, vector<16xi32>,
      %mul3A_205 = arith.constant 16 : i32
      %mul3A_206 = arith.muli %scan3A_200, %mul3A_205 : i32
      %get3A_207 = arith.index_cast %mul3A_206 : i32 to index
      %get3A_208 = tpu.vector_load %arg7[%get3A_207] {strides = array<i32>} : memref<2000xi32, #tpu.memory_space<vmem>>, vector<16xi32>,
      %mul3A_209 = arith.constant 10000 : i32
      %mul3A_210 = vector.broadcast %mul3A_209 : i32 to vector<16xi32>
      %mul3A_211 = arith.muli %get3A_208, %mul3A_210 : vector<16xi32>
      %add3A_212 = arith.addi %mul3A_211, %get3A_204 : vector<16xi32>
      %shift_right_arithmetic3A = arith.constant 7 : i32
      %shift_right_arithmetic3A_213 = vector.broadcast %shift_right_arithmetic3A : i32 to vector<16xi32>
      %shift_right_arithmetic3A_214 = arith.shrsi %add3A_212, %shift_right_arithmetic3A_213 : vector<16xi32>
      %and3A = arith.constant 127 : i32
      %and3A_215 = vector.broadcast %and3A : i32 to vector<16xi32>
      %and3A_216 = arith.andi %add3A_212, %and3A_215 : vector<16xi32>
      %broadcast_in_dim3A = arith.constant 1.000000e+00 : f32
      %broadcast_in_dim3A_217 = vector.broadcast %broadcast_in_dim3A : f32 to vector<16xf32>
      tpu.vector_store_idx %arg5[%shift_right_arithmetic3A_214, %and3A_216], %broadcast_in_dim3A_217 {add = true} : memref<640x128xf32, #tpu.memory_space<vmem>>[vector<16xi32>, vector<16xi32>], vector<16xf32>,
      %scan3A_218 = arith.constant 0 : i32
      scf.yield %scan3A_218 : i32
    }
    %scan3A_132 = arith.constant 125 : i32
    %run_scoped3A = arith.constant 0 : i32
    "tpu.region"() ({
      %run_scoped3A_200 = tpu.sem_alloc : memref<!tpu.dma_semaphore, #tpu.memory_space<semaphore_mem>>
      %dma_start3A = arith.constant 0 : i32
      %dma_start3A_201 = arith.constant 0 : i32
      %dma_start3A_202 = tpu.memref_slice %arg5[%dma_start3A, %dma_start3A_201] : memref<640x128xf32, #tpu.memory_space<vmem>> -> memref<128x128xf32, #tpu.memory_space<vmem>>
      %dma_start3A_203 = arith.constant 0 : i32
      %dma_start3A_204 = tpu.memref_slice %arg10[%run_scoped3A, %dma_start3A_203] : memref<5x128xi32, #tpu.memory_space<vmem>> -> memref<1x128xi32, #tpu.memory_space<vmem>>
      %dma_start3A_205 = tpu.memref_squeeze %dma_start3A_204 : memref<1x128xi32, #tpu.memory_space<vmem>> -> memref<128xi32, #tpu.memory_space<vmem>>
      %dma_start3A_206 = arith.constant 0 : i32
      %dma_start3A_207 = arith.constant 0 : i32
      %dma_start3A_208 = tpu.memref_slice %arg11[%dma_start3A_206, %dma_start3A_207] : memref<640x128xf32, #tpu.memory_space<vmem_shared>> -> memref<640x128xf32, #tpu.memory_space<vmem_shared>>
      tpu.enqueue_indirect_dma source(%dma_start3A_202 : memref<128x128xf32, #tpu.memory_space<vmem>>) target(%dma_start3A_208 : memref<640x128xf32, #tpu.memory_space<vmem_shared>>) offsets(%dma_start3A_205 : memref<128xi32, #tpu.memory_space<vmem>>) semaphore(%run_scoped3A_200 : memref<!tpu.dma_semaphore, #tpu.memory_space<semaphore_mem>>) {add = true}
      %dma_wait3A = arith.constant 0 : i32
      %dma_wait3A_209 = arith.constant 0 : i32
      %dma_wait3A_210 = tpu.memref_slice %arg5[%dma_wait3A, %dma_wait3A_209] : memref<640x128xf32, #tpu.memory_space<vmem>> -> memref<128x128xf32, #tpu.memory_space<vmem>>
      %dma_wait3A_211 = arith.constant 0 : i32
      %dma_wait3A_212 = tpu.memref_slice %arg10[%run_scoped3A, %dma_wait3A_211] : memref<5x128xi32, #tpu.memory_space<vmem>> -> memref<1x128xi32, #tpu.memory_space<vmem>>
      %dma_wait3A_213 = tpu.memref_squeeze %dma_wait3A_212 : memref<1x128xi32, #tpu.memory_space<vmem>> -> memref<128xi32, #tpu.memory_space<vmem>>
      %dma_wait3A_214 = arith.constant 0 : i32
      %dma_wait3A_215 = arith.constant 0 : i32
      %dma_wait3A_216 = tpu.memref_slice %arg11[%dma_wait3A_214, %dma_wait3A_215] : memref<640x128xf32, #tpu.memory_space<vmem_shared>> -> memref<640x128xf32, #tpu.memory_space<vmem_shared>>
      tpu.wait_indirect_dma semaphore(%run_scoped3A_200 : memref<!tpu.dma_semaphore, #tpu.memory_space<semaphore_mem>>) src(%dma_wait3A_210 : memref<128x128xf32, #tpu.memory_space<vmem>>) dst(%dma_wait3A_216 : memref<640x128xf32, #tpu.memory_space<vmem_shared>>)
      tpu.yield
    }) : () -> ()
    %run_scoped3A_133 = arith.constant 1 : i32
    "tpu.region"() ({
      %run_scoped3A_200 = tpu.sem_alloc : memref<!tpu.dma_semaphore, #tpu.memory_space<semaphore_mem>>
      %dma_start3A = arith.constant 128 : i32
      %dma_start3A_201 = arith.constant 0 : i32
      %dma_start3A_202 = tpu.memref_slice %arg5[%dma_start3A, %dma_start3A_201] : memref<640x128xf32, #tpu.memory_space<vmem>> -> memref<128x128xf32, #tpu.memory_space<vmem>>
      %dma_start3A_203 = arith.constant 0 : i32
      %dma_start3A_204 = tpu.memref_slice %arg10[%run_scoped3A_133, %dma_start3A_203] : memref<5x128xi32, #tpu.memory_space<vmem>> -> memref<1x128xi32, #tpu.memory_space<vmem>>
      %dma_start3A_205 = tpu.memref_squeeze %dma_start3A_204 : memref<1x128xi32, #tpu.memory_space<vmem>> -> memref<128xi32, #tpu.memory_space<vmem>>
      %dma_start3A_206 = arith.constant 0 : i32
      %dma_start3A_207 = arith.constant 0 : i32
      %dma_start3A_208 = tpu.memref_slice %arg11[%dma_start3A_206, %dma_start3A_207] : memref<640x128xf32, #tpu.memory_space<vmem_shared>> -> memref<640x128xf32, #tpu.memory_space<vmem_shared>>
      tpu.enqueue_indirect_dma source(%dma_start3A_202 : memref<128x128xf32, #tpu.memory_space<vmem>>) target(%dma_start3A_208 : memref<640x128xf32, #tpu.memory_space<vmem_shared>>) offsets(%dma_start3A_205 : memref<128xi32, #tpu.memory_space<vmem>>) semaphore(%run_scoped3A_200 : memref<!tpu.dma_semaphore, #tpu.memory_space<semaphore_mem>>) {add = true}
      %dma_wait3A = arith.constant 128 : i32
      %dma_wait3A_209 = arith.constant 0 : i32
      %dma_wait3A_210 = tpu.memref_slice %arg5[%dma_wait3A, %dma_wait3A_209] : memref<640x128xf32, #tpu.memory_space<vmem>> -> memref<128x128xf32, #tpu.memory_space<vmem>>
      %dma_wait3A_211 = arith.constant 0 : i32
      %dma_wait3A_212 = tpu.memref_slice %arg10[%run_scoped3A_133, %dma_wait3A_211] : memref<5x128xi32, #tpu.memory_space<vmem>> -> memref<1x128xi32, #tpu.memory_space<vmem>>
      %dma_wait3A_213 = tpu.memref_squeeze %dma_wait3A_212 : memref<1x128xi32, #tpu.memory_space<vmem>> -> memref<128xi32, #tpu.memory_space<vmem>>
      %dma_wait3A_214 = arith.constant 0 : i32
      %dma_wait3A_215 = arith.constant 0 : i32
      %dma_wait3A_216 = tpu.memref_slice %arg11[%dma_wait3A_214, %dma_wait3A_215] : memref<640x128xf32, #tpu.memory_space<vmem_shared>> -> memref<640x128xf32, #tpu.memory_space<vmem_shared>>
      tpu.wait_indirect_dma semaphore(%run_scoped3A_200 : memref<!tpu.dma_semaphore, #tpu.memory_space<semaphore_mem>>) src(%dma_wait3A_210 : memref<128x128xf32, #tpu.memory_space<vmem>>) dst(%dma_wait3A_216 : memref<640x128xf32, #tpu.memory_space<vmem_shared>>)
      tpu.yield
    }) : () -> ()
    %run_scoped3A_134 = arith.constant 2 : i32
    "tpu.region"() ({
      %run_scoped3A_200 = tpu.sem_alloc : memref<!tpu.dma_semaphore, #tpu.memory_space<semaphore_mem>>
      %dma_start3A = arith.constant 256 : i32
      %dma_start3A_201 = arith.constant 0 : i32
      %dma_start3A_202 = tpu.memref_slice %arg5[%dma_start3A, %dma_start3A_201] : memref<640x128xf32, #tpu.memory_space<vmem>> -> memref<128x128xf32, #tpu.memory_space<vmem>>
      %dma_start3A_203 = arith.constant 0 : i32
      %dma_start3A_204 = tpu.memref_slice %arg10[%run_scoped3A_134, %dma_start3A_203] : memref<5x128xi32, #tpu.memory_space<vmem>> -> memref<1x128xi32, #tpu.memory_space<vmem>>
      %dma_start3A_205 = tpu.memref_squeeze %dma_start3A_204 : memref<1x128xi32, #tpu.memory_space<vmem>> -> memref<128xi32, #tpu.memory_space<vmem>>
      %dma_start3A_206 = arith.constant 0 : i32
      %dma_start3A_207 = arith.constant 0 : i32
      %dma_start3A_208 = tpu.memref_slice %arg11[%dma_start3A_206, %dma_start3A_207] : memref<640x128xf32, #tpu.memory_space<vmem_shared>> -> memref<640x128xf32, #tpu.memory_space<vmem_shared>>
      tpu.enqueue_indirect_dma source(%dma_start3A_202 : memref<128x128xf32, #tpu.memory_space<vmem>>) target(%dma_start3A_208 : memref<640x128xf32, #tpu.memory_space<vmem_shared>>) offsets(%dma_start3A_205 : memref<128xi32, #tpu.memory_space<vmem>>) semaphore(%run_scoped3A_200 : memref<!tpu.dma_semaphore, #tpu.memory_space<semaphore_mem>>) {add = true}
      %dma_wait3A = arith.constant 256 : i32
      %dma_wait3A_209 = arith.constant 0 : i32
      %dma_wait3A_210 = tpu.memref_slice %arg5[%dma_wait3A, %dma_wait3A_209] : memref<640x128xf32, #tpu.memory_space<vmem>> -> memref<128x128xf32, #tpu.memory_space<vmem>>
      %dma_wait3A_211 = arith.constant 0 : i32
      %dma_wait3A_212 = tpu.memref_slice %arg10[%run_scoped3A_134, %dma_wait3A_211] : memref<5x128xi32, #tpu.memory_space<vmem>> -> memref<1x128xi32, #tpu.memory_space<vmem>>
      %dma_wait3A_213 = tpu.memref_squeeze %dma_wait3A_212 : memref<1x128xi32, #tpu.memory_space<vmem>> -> memref<128xi32, #tpu.memory_space<vmem>>
      %dma_wait3A_214 = arith.constant 0 : i32
      %dma_wait3A_215 = arith.constant 0 : i32
      %dma_wait3A_216 = tpu.memref_slice %arg11[%dma_wait3A_214, %dma_wait3A_215] : memref<640x128xf32, #tpu.memory_space<vmem_shared>> -> memref<640x128xf32, #tpu.memory_space<vmem_shared>>
      tpu.wait_indirect_dma semaphore(%run_scoped3A_200 : memref<!tpu.dma_semaphore, #tpu.memory_space<semaphore_mem>>) src(%dma_wait3A_210 : memref<128x128xf32, #tpu.memory_space<vmem>>) dst(%dma_wait3A_216 : memref<640x128xf32, #tpu.memory_space<vmem_shared>>)
      tpu.yield
    }) : () -> ()
    %run_scoped3A_135 = arith.constant 3 : i32
    "tpu.region"() ({
      %run_scoped3A_200 = tpu.sem_alloc : memref<!tpu.dma_semaphore, #tpu.memory_space<semaphore_mem>>
      %dma_start3A = arith.constant 384 : i32
      %dma_start3A_201 = arith.constant 0 : i32
      %dma_start3A_202 = tpu.memref_slice %arg5[%dma_start3A, %dma_start3A_201] : memref<640x128xf32, #tpu.memory_space<vmem>> -> memref<128x128xf32, #tpu.memory_space<vmem>>
      %dma_start3A_203 = arith.constant 0 : i32
      %dma_start3A_204 = tpu.memref_slice %arg10[%run_scoped3A_135, %dma_start3A_203] : memref<5x128xi32, #tpu.memory_space<vmem>> -> memref<1x128xi32, #tpu.memory_space<vmem>>
      %dma_start3A_205 = tpu.memref_squeeze %dma_start3A_204 : memref<1x128xi32, #tpu.memory_space<vmem>> -> memref<128xi32, #tpu.memory_space<vmem>>
      %dma_start3A_206 = arith.constant 0 : i32
      %dma_start3A_207 = arith.constant 0 : i32
      %dma_start3A_208 = tpu.memref_slice %arg11[%dma_start3A_206, %dma_start3A_207] : memref<640x128xf32, #tpu.memory_space<vmem_shared>> -> memref<640x128xf32, #tpu.memory_space<vmem_shared>>
      tpu.enqueue_indirect_dma source(%dma_start3A_202 : memref<128x128xf32, #tpu.memory_space<vmem>>) target(%dma_start3A_208 : memref<640x128xf32, #tpu.memory_space<vmem_shared>>) offsets(%dma_start3A_205 : memref<128xi32, #tpu.memory_space<vmem>>) semaphore(%run_scoped3A_200 : memref<!tpu.dma_semaphore, #tpu.memory_space<semaphore_mem>>) {add = true}
      %dma_wait3A = arith.constant 384 : i32
      %dma_wait3A_209 = arith.constant 0 : i32
      %dma_wait3A_210 = tpu.memref_slice %arg5[%dma_wait3A, %dma_wait3A_209] : memref<640x128xf32, #tpu.memory_space<vmem>> -> memref<128x128xf32, #tpu.memory_space<vmem>>
      %dma_wait3A_211 = arith.constant 0 : i32
      %dma_wait3A_212 = tpu.memref_slice %arg10[%run_scoped3A_135, %dma_wait3A_211] : memref<5x128xi32, #tpu.memory_space<vmem>> -> memref<1x128xi32, #tpu.memory_space<vmem>>
      %dma_wait3A_213 = tpu.memref_squeeze %dma_wait3A_212 : memref<1x128xi32, #tpu.memory_space<vmem>> -> memref<128xi32, #tpu.memory_space<vmem>>
      %dma_wait3A_214 = arith.constant 0 : i32
      %dma_wait3A_215 = arith.constant 0 : i32
      %dma_wait3A_216 = tpu.memref_slice %arg11[%dma_wait3A_214, %dma_wait3A_215] : memref<640x128xf32, #tpu.memory_space<vmem_shared>> -> memref<640x128xf32, #tpu.memory_space<vmem_shared>>
      tpu.wait_indirect_dma semaphore(%run_scoped3A_200 : memref<!tpu.dma_semaphore, #tpu.memory_space<semaphore_mem>>) src(%dma_wait3A_210 : memref<128x128xf32, #tpu.memory_space<vmem>>) dst(%dma_wait3A_216 : memref<640x128xf32, #tpu.memory_space<vmem_shared>>)
      tpu.yield
    }) : () -> ()
    %run_scoped3A_136 = arith.constant 4 : i32
    "tpu.region"() ({
      %run_scoped3A_200 = tpu.sem_alloc : memref<!tpu.dma_semaphore, #tpu.memory_space<semaphore_mem>>
      %dma_start3A = arith.constant 512 : i32
      %dma_start3A_201 = arith.constant 0 : i32
      %dma_start3A_202 = tpu.memref_slice %arg5[%dma_start3A, %dma_start3A_201] : memref<640x128xf32, #tpu.memory_space<vmem>> -> memref<128x128xf32, #tpu.memory_space<vmem>>
      %dma_start3A_203 = arith.constant 0 : i32
      %dma_start3A_204 = tpu.memref_slice %arg10[%run_scoped3A_136, %dma_start3A_203] : memref<5x128xi32, #tpu.memory_space<vmem>> -> memref<1x128xi32, #tpu.memory_space<vmem>>
      %dma_start3A_205 = tpu.memref_squeeze %dma_start3A_204 : memref<1x128xi32, #tpu.memory_space<vmem>> -> memref<128xi32, #tpu.memory_space<vmem>>
      %dma_start3A_206 = arith.constant 0 : i32
      %dma_start3A_207 = arith.constant 0 : i32
      %dma_start3A_208 = tpu.memref_slice %arg11[%dma_start3A_206, %dma_start3A_207] : memref<640x128xf32, #tpu.memory_space<vmem_shared>> -> memref<640x128xf32, #tpu.memory_space<vmem_shared>>
      tpu.enqueue_indirect_dma source(%dma_start3A_202 : memref<128x128xf32, #tpu.memory_space<vmem>>) target(%dma_start3A_208 : memref<640x128xf32, #tpu.memory_space<vmem_shared>>) offsets(%dma_start3A_205 : memref<128xi32, #tpu.memory_space<vmem>>) semaphore(%run_scoped3A_200 : memref<!tpu.dma_semaphore, #tpu.memory_space<semaphore_mem>>) {add = true}
      %dma_wait3A = arith.constant 512 : i32
      %dma_wait3A_209 = arith.constant 0 : i32
      %dma_wait3A_210 = tpu.memref_slice %arg5[%dma_wait3A, %dma_wait3A_209] : memref<640x128xf32, #tpu.memory_space<vmem>> -> memref<128x128xf32, #tpu.memory_space<vmem>>
      %dma_wait3A_211 = arith.constant 0 : i32
      %dma_wait3A_212 = tpu.memref_slice %arg10[%run_scoped3A_136, %dma_wait3A_211] : memref<5x128xi32, #tpu.memory_space<vmem>> -> memref<1x128xi32, #tpu.memory_space<vmem>>
      %dma_wait3A_213 = tpu.memref_squeeze %dma_wait3A_212 : memref<1x128xi32, #tpu.memory_space<vmem>> -> memref<128xi32, #tpu.memory_space<vmem>>
      %dma_wait3A_214 = arith.constant 0 : i32
      %dma_wait3A_215 = arith.constant 0 : i32
      %dma_wait3A_216 = tpu.memref_slice %arg11[%dma_wait3A_214, %dma_wait3A_215] : memref<640x128xf32, #tpu.memory_space<vmem_shared>> -> memref<640x128xf32, #tpu.memory_space<vmem_shared>>
      tpu.wait_indirect_dma semaphore(%run_scoped3A_200 : memref<!tpu.dma_semaphore, #tpu.memory_space<semaphore_mem>>) src(%dma_wait3A_210 : memref<128x128xf32, #tpu.memory_space<vmem>>) dst(%dma_wait3A_216 : memref<640x128xf32, #tpu.memory_space<vmem_shared>>)
      tpu.yield
    }) : () -> ()
    %barrier3A_137 = arith.constant 0 : index
    tpu.barrier barrier_id(%barrier3A_137)
    "tpu.region"() ({
      %run_scoped3A_200 = tpu.sem_alloc : memref<!tpu.dma_semaphore, #tpu.memory_space<semaphore_mem>>
      tpu.enqueue_dma source(%arg11 : memref<640x128xf32, #tpu.memory_space<vmem_shared>>) target(%arg5 : memref<640x128xf32, #tpu.memory_space<vmem>>) target_semaphore(%run_scoped3A_200 : memref<!tpu.dma_semaphore, #tpu.memory_space<semaphore_mem>>)
      tpu.wait_dma2 semaphore(%run_scoped3A_200 : memref<!tpu.dma_semaphore, #tpu.memory_space<semaphore_mem>>) src(%arg11 : memref<640x128xf32, #tpu.memory_space<vmem_shared>>) dst(%arg5 : memref<640x128xf32, #tpu.memory_space<vmem>>)
      tpu.yield
    }) : () -> ()
    %scan3A_138 = arith.constant 0 : i32
    %scan3A_139 = arith.constant 0 : i32
    %scan3A_140 = arith.constant 5120 : i32
    %scan3A_141 = arith.addi %scan3A_139, %scan3A_140 : i32
    %scan3A_142 = arith.constant 1 : i32
    %scan3A_143 = scf.for %scan3A_200 = %scan3A_139 to %scan3A_141 step %scan3A_142 iter_args(%scan3A_201 = %scan3A_138) -> (i32)  : i32 {
      %shift_right_arithmetic3A = arith.constant 3 : i32
      %shift_right_arithmetic3A_202 = arith.shrsi %scan3A_200, %shift_right_arithmetic3A : i32
      %and3A = arith.constant 7 : i32
      %and3A_203 = arith.andi %scan3A_200, %and3A : i32
      %mul3A_204 = arith.constant 16 : i32
      %mul3A_205 = arith.muli %and3A_203, %mul3A_204 : i32
      %get3A = arith.index_cast %shift_right_arithmetic3A_202 : i32 to index
      %get3A_206 = arith.index_cast %mul3A_205 : i32 to index
      %get3A_207 = tpu.vector_load %arg5[%get3A, %get3A_206] {strides = array<i32>} : memref<640x128xf32, #tpu.memory_space<vmem>>, vector<16xf32>,
      %broadcast_in_dim3A = arith.constant 1.000000e+00 : f32
      %broadcast_in_dim3A_208 = vector.broadcast %broadcast_in_dim3A : f32 to vector<16xf32>
      %broadcast_in_dim3A_209 = arith.constant 1.000000e+00 : f32
      %broadcast_in_dim3A_210 = vector.broadcast %broadcast_in_dim3A_209 : f32 to vector<16xf32>
      %max3A = arith.maximumf %get3A_207, %broadcast_in_dim3A_210 : vector<16xf32>
      %div3A = arith.divf %broadcast_in_dim3A_208, %max3A : vector<16xf32>
      %shift_right_arithmetic3A_211 = arith.constant 3 : i32
      %shift_right_arithmetic3A_212 = arith.shrsi %scan3A_200, %shift_right_arithmetic3A_211 : i32
      %and3A_213 = arith.constant 7 : i32
      %and3A_214 = arith.andi %scan3A_200, %and3A_213 : i32
      %mul3A_215 = arith.constant 16 : i32
      %mul3A_216 = arith.muli %and3A_214, %mul3A_215 : i32
      %swap3A = arith.index_cast %shift_right_arithmetic3A_212 : i32 to index
      %swap3A_217 = arith.index_cast %mul3A_216 : i32 to index
      %swap3A_218 = tpu.vector_load %arg5[%swap3A, %swap3A_217] {strides = array<i32>} : memref<640x128xf32, #tpu.memory_space<vmem>>, vector<16xf32>,
      tpu.vector_store %arg5[%swap3A, %swap3A_217], %div3A {strides = array<i32>} : memref<640x128xf32, #tpu.memory_space<vmem>>, vector<16xf32>,
      %scan3A_219 = arith.constant 0 : i32
      scf.yield %scan3A_219 : i32
    }
    %scan3A_144 = arith.constant 5120 : i32
    %mul3A_145 = arith.constant 10000 : i32
    %mul3A_146 = arith.muli %add3A, %mul3A_145 : i32
    %add3A_147 = arith.constant 0 : i32
    %add3A_148 = arith.addi %mul3A_146, %add3A_147 : i32
    "tpu.region"() ({
      %run_scoped3A_200 = tpu.sem_alloc : memref<!tpu.dma_semaphore, #tpu.memory_space<semaphore_mem>>
      %dma_start3A = tpu.memref_slice %arg2[%add3A_148] : memref<320000xi32, #tpu.memory_space<hbm>> -> memref<2000xi32, #tpu.memory_space<hbm>>
      %dma_start3A_201 = tpu.memref_slice %arg2[%add3A_148] : memref<320000xi32, #tpu.memory_space<hbm>> -> memref<2000xi32, #tpu.memory_space<hbm>>
      tpu.enqueue_dma source(%dma_start3A_201 : memref<2000xi32, #tpu.memory_space<hbm>>) target(%arg6 : memref<2000xi32, #tpu.memory_space<vmem>>) target_semaphore(%run_scoped3A_200 : memref<!tpu.dma_semaphore, #tpu.memory_space<semaphore_mem>>)
      %dma_wait3A = tpu.memref_slice %arg2[%add3A_148] : memref<320000xi32, #tpu.memory_space<hbm>> -> memref<2000xi32, #tpu.memory_space<hbm>>
      %dma_wait3A_202 = tpu.memref_slice %arg2[%add3A_148] : memref<320000xi32, #tpu.memory_space<hbm>> -> memref<2000xi32, #tpu.memory_space<hbm>>
      tpu.wait_dma2 semaphore(%run_scoped3A_200 : memref<!tpu.dma_semaphore, #tpu.memory_space<semaphore_mem>>) src(%dma_wait3A_202 : memref<2000xi32, #tpu.memory_space<hbm>>) dst(%arg6 : memref<2000xi32, #tpu.memory_space<vmem>>)
      tpu.yield
    }) : () -> ()
    "tpu.region"() ({
      %run_scoped3A_200 = tpu.sem_alloc : memref<!tpu.dma_semaphore, #tpu.memory_space<semaphore_mem>>
      %dma_start3A = tpu.memref_slice %arg3[%add3A_148] : memref<320000xi32, #tpu.memory_space<hbm>> -> memref<2000xi32, #tpu.memory_space<hbm>>
      %dma_start3A_201 = tpu.memref_slice %arg3[%add3A_148] : memref<320000xi32, #tpu.memory_space<hbm>> -> memref<2000xi32, #tpu.memory_space<hbm>>
      tpu.enqueue_dma source(%dma_start3A_201 : memref<2000xi32, #tpu.memory_space<hbm>>) target(%arg7 : memref<2000xi32, #tpu.memory_space<vmem>>) target_semaphore(%run_scoped3A_200 : memref<!tpu.dma_semaphore, #tpu.memory_space<semaphore_mem>>)
      %dma_wait3A = tpu.memref_slice %arg3[%add3A_148] : memref<320000xi32, #tpu.memory_space<hbm>> -> memref<2000xi32, #tpu.memory_space<hbm>>
      %dma_wait3A_202 = tpu.memref_slice %arg3[%add3A_148] : memref<320000xi32, #tpu.memory_space<hbm>> -> memref<2000xi32, #tpu.memory_space<hbm>>
      tpu.wait_dma2 semaphore(%run_scoped3A_200 : memref<!tpu.dma_semaphore, #tpu.memory_space<semaphore_mem>>) src(%dma_wait3A_202 : memref<2000xi32, #tpu.memory_space<hbm>>) dst(%arg7 : memref<2000xi32, #tpu.memory_space<vmem>>)
      tpu.yield
    }) : () -> ()
    %scan3A_149 = arith.constant 0 : i32
    %scan3A_150 = arith.constant 0 : i32
    %scan3A_151 = arith.constant 125 : i32
    %scan3A_152 = arith.addi %scan3A_150, %scan3A_151 : i32
    %scan3A_153 = arith.constant 1 : i32
    %scan3A_154 = scf.for %scan3A_200 = %scan3A_150 to %scan3A_152 step %scan3A_153 iter_args(%scan3A_201 = %scan3A_149) -> (i32)  : i32 {
      %mul3A_202 = arith.constant 16 : i32
      %mul3A_203 = arith.muli %scan3A_200, %mul3A_202 : i32
      %get3A = arith.index_cast %mul3A_203 : i32 to index
      %get3A_204 = tpu.vector_load %arg6[%get3A] {strides = array<i32>} : memref<2000xi32, #tpu.memory_space<vmem>>, vector<16xi32>,
      %mul3A_205 = arith.constant 16 : i32
      %mul3A_206 = arith.muli %scan3A_200, %mul3A_205 : i32
      %get3A_207 = arith.index_cast %mul3A_206 : i32 to index
      %get3A_208 = tpu.vector_load %arg7[%get3A_207] {strides = array<i32>} : memref<2000xi32, #tpu.memory_space<vmem>>, vector<16xi32>,
      %mul3A_209 = arith.constant 10000 : i32
      %mul3A_210 = vector.broadcast %mul3A_209 : i32 to vector<16xi32>
      %mul3A_211 = arith.muli %get3A_208, %mul3A_210 : vector<16xi32>
      %add3A_212 = arith.addi %mul3A_211, %get3A_204 : vector<16xi32>
      %shift_right_arithmetic3A = arith.constant 7 : i32
      %shift_right_arithmetic3A_213 = vector.broadcast %shift_right_arithmetic3A : i32 to vector<16xi32>
      %shift_right_arithmetic3A_214 = arith.shrsi %add3A_212, %shift_right_arithmetic3A_213 : vector<16xi32>
      %and3A = arith.constant 127 : i32
      %and3A_215 = vector.broadcast %and3A : i32 to vector<16xi32>
      %and3A_216 = arith.andi %add3A_212, %and3A_215 : vector<16xi32>
      %gather3A = tpu.vector_load_idx %arg5[%shift_right_arithmetic3A_214, %and3A_216] : memref<640x128xf32, #tpu.memory_space<vmem>>[vector<16xi32>, vector<16xi32>], vector<16xf32>,
      %mul3A_217 = arith.constant 16 : i32
      %mul3A_218 = arith.muli %scan3A_200, %mul3A_217 : i32
      %swap3A = arith.index_cast %mul3A_218 : i32 to index
      %swap3A_219 = tpu.vector_load %arg8[%swap3A] {strides = array<i32>} : memref<2000xf32, #tpu.memory_space<vmem>>, vector<16xf32>,
      tpu.vector_store %arg8[%swap3A], %gather3A {strides = array<i32>} : memref<2000xf32, #tpu.memory_space<vmem>>, vector<16xf32>,
      %scan3A_220 = arith.constant 0 : i32
      scf.yield %scan3A_220 : i32
    }
    %scan3A_155 = arith.constant 125 : i32
    "tpu.region"() ({
      %run_scoped3A_200 = tpu.sem_alloc : memref<!tpu.dma_semaphore, #tpu.memory_space<semaphore_mem>>
      %dma_start3A = tpu.memref_slice %arg4[%add3A_148] : memref<320000xf32, #tpu.memory_space<hbm>> -> memref<2000xf32, #tpu.memory_space<hbm>>
      %dma_start3A_201 = tpu.memref_slice %arg4[%add3A_148] : memref<320000xf32, #tpu.memory_space<hbm>> -> memref<2000xf32, #tpu.memory_space<hbm>>
      tpu.enqueue_dma source(%arg8 : memref<2000xf32, #tpu.memory_space<vmem>>) target(%dma_start3A_201 : memref<2000xf32, #tpu.memory_space<hbm>>) target_semaphore(%run_scoped3A_200 : memref<!tpu.dma_semaphore, #tpu.memory_space<semaphore_mem>>)
      %dma_wait3A = tpu.memref_slice %arg4[%add3A_148] : memref<320000xf32, #tpu.memory_space<hbm>> -> memref<2000xf32, #tpu.memory_space<hbm>>
      %dma_wait3A_202 = tpu.memref_slice %arg4[%add3A_148] : memref<320000xf32, #tpu.memory_space<hbm>> -> memref<2000xf32, #tpu.memory_space<hbm>>
      tpu.wait_dma2 semaphore(%run_scoped3A_200 : memref<!tpu.dma_semaphore, #tpu.memory_space<semaphore_mem>>) src(%arg8 : memref<2000xf32, #tpu.memory_space<vmem>>) dst(%dma_wait3A_202 : memref<2000xf32, #tpu.memory_space<hbm>>)
      tpu.yield
    }) : () -> ()
    %mul3A_156 = arith.constant 10000 : i32
    %mul3A_157 = arith.muli %add3A, %mul3A_156 : i32
    %add3A_158 = arith.constant 2000 : i32
    %add3A_159 = arith.addi %mul3A_157, %add3A_158 : i32
    "tpu.region"() ({
      %run_scoped3A_200 = tpu.sem_alloc : memref<!tpu.dma_semaphore, #tpu.memory_space<semaphore_mem>>
      %dma_start3A = tpu.memref_slice %arg2[%add3A_159] : memref<320000xi32, #tpu.memory_space<hbm>> -> memref<2000xi32, #tpu.memory_space<hbm>>
      %dma_start3A_201 = tpu.memref_slice %arg2[%add3A_159] : memref<320000xi32, #tpu.memory_space<hbm>> -> memref<2000xi32, #tpu.memory_space<hbm>>
      tpu.enqueue_dma source(%dma_start3A_201 : memref<2000xi32, #tpu.memory_space<hbm>>) target(%arg6 : memref<2000xi32, #tpu.memory_space<vmem>>) target_semaphore(%run_scoped3A_200 : memref<!tpu.dma_semaphore, #tpu.memory_space<semaphore_mem>>)
      %dma_wait3A = tpu.memref_slice %arg2[%add3A_159] : memref<320000xi32, #tpu.memory_space<hbm>> -> memref<2000xi32, #tpu.memory_space<hbm>>
      %dma_wait3A_202 = tpu.memref_slice %arg2[%add3A_159] : memref<320000xi32, #tpu.memory_space<hbm>> -> memref<2000xi32, #tpu.memory_space<hbm>>
      tpu.wait_dma2 semaphore(%run_scoped3A_200 : memref<!tpu.dma_semaphore, #tpu.memory_space<semaphore_mem>>) src(%dma_wait3A_202 : memref<2000xi32, #tpu.memory_space<hbm>>) dst(%arg6 : memref<2000xi32, #tpu.memory_space<vmem>>)
      tpu.yield
    }) : () -> ()
    "tpu.region"() ({
      %run_scoped3A_200 = tpu.sem_alloc : memref<!tpu.dma_semaphore, #tpu.memory_space<semaphore_mem>>
      %dma_start3A = tpu.memref_slice %arg3[%add3A_159] : memref<320000xi32, #tpu.memory_space<hbm>> -> memref<2000xi32, #tpu.memory_space<hbm>>
      %dma_start3A_201 = tpu.memref_slice %arg3[%add3A_159] : memref<320000xi32, #tpu.memory_space<hbm>> -> memref<2000xi32, #tpu.memory_space<hbm>>
      tpu.enqueue_dma source(%dma_start3A_201 : memref<2000xi32, #tpu.memory_space<hbm>>) target(%arg7 : memref<2000xi32, #tpu.memory_space<vmem>>) target_semaphore(%run_scoped3A_200 : memref<!tpu.dma_semaphore, #tpu.memory_space<semaphore_mem>>)
      %dma_wait3A = tpu.memref_slice %arg3[%add3A_159] : memref<320000xi32, #tpu.memory_space<hbm>> -> memref<2000xi32, #tpu.memory_space<hbm>>
      %dma_wait3A_202 = tpu.memref_slice %arg3[%add3A_159] : memref<320000xi32, #tpu.memory_space<hbm>> -> memref<2000xi32, #tpu.memory_space<hbm>>
      tpu.wait_dma2 semaphore(%run_scoped3A_200 : memref<!tpu.dma_semaphore, #tpu.memory_space<semaphore_mem>>) src(%dma_wait3A_202 : memref<2000xi32, #tpu.memory_space<hbm>>) dst(%arg7 : memref<2000xi32, #tpu.memory_space<vmem>>)
      tpu.yield
    }) : () -> ()
    %scan3A_160 = arith.constant 0 : i32
    %scan3A_161 = arith.constant 0 : i32
    %scan3A_162 = arith.constant 125 : i32
    %scan3A_163 = arith.addi %scan3A_161, %scan3A_162 : i32
    %scan3A_164 = arith.constant 1 : i32
    %scan3A_165 = scf.for %scan3A_200 = %scan3A_161 to %scan3A_163 step %scan3A_164 iter_args(%scan3A_201 = %scan3A_160) -> (i32)  : i32 {
      %mul3A_202 = arith.constant 16 : i32
      %mul3A_203 = arith.muli %scan3A_200, %mul3A_202 : i32
      %get3A = arith.index_cast %mul3A_203 : i32 to index
      %get3A_204 = tpu.vector_load %arg6[%get3A] {strides = array<i32>} : memref<2000xi32, #tpu.memory_space<vmem>>, vector<16xi32>,
      %mul3A_205 = arith.constant 16 : i32
      %mul3A_206 = arith.muli %scan3A_200, %mul3A_205 : i32
      %get3A_207 = arith.index_cast %mul3A_206 : i32 to index
      %get3A_208 = tpu.vector_load %arg7[%get3A_207] {strides = array<i32>} : memref<2000xi32, #tpu.memory_space<vmem>>, vector<16xi32>,
      %mul3A_209 = arith.constant 10000 : i32
      %mul3A_210 = vector.broadcast %mul3A_209 : i32 to vector<16xi32>
      %mul3A_211 = arith.muli %get3A_208, %mul3A_210 : vector<16xi32>
      %add3A_212 = arith.addi %mul3A_211, %get3A_204 : vector<16xi32>
      %shift_right_arithmetic3A = arith.constant 7 : i32
      %shift_right_arithmetic3A_213 = vector.broadcast %shift_right_arithmetic3A : i32 to vector<16xi32>
      %shift_right_arithmetic3A_214 = arith.shrsi %add3A_212, %shift_right_arithmetic3A_213 : vector<16xi32>
      %and3A = arith.constant 127 : i32
      %and3A_215 = vector.broadcast %and3A : i32 to vector<16xi32>
      %and3A_216 = arith.andi %add3A_212, %and3A_215 : vector<16xi32>
      %gather3A = tpu.vector_load_idx %arg5[%shift_right_arithmetic3A_214, %and3A_216] : memref<640x128xf32, #tpu.memory_space<vmem>>[vector<16xi32>, vector<16xi32>], vector<16xf32>,
      %mul3A_217 = arith.constant 16 : i32
      %mul3A_218 = arith.muli %scan3A_200, %mul3A_217 : i32
      %swap3A = arith.index_cast %mul3A_218 : i32 to index
      %swap3A_219 = tpu.vector_load %arg8[%swap3A] {strides = array<i32>} : memref<2000xf32, #tpu.memory_space<vmem>>, vector<16xf32>,
      tpu.vector_store %arg8[%swap3A], %gather3A {strides = array<i32>} : memref<2000xf32, #tpu.memory_space<vmem>>, vector<16xf32>,
      %scan3A_220 = arith.constant 0 : i32
      scf.yield %scan3A_220 : i32
    }
    %scan3A_166 = arith.constant 125 : i32
    "tpu.region"() ({
      %run_scoped3A_200 = tpu.sem_alloc : memref<!tpu.dma_semaphore, #tpu.memory_space<semaphore_mem>>
      %dma_start3A = tpu.memref_slice %arg4[%add3A_159] : memref<320000xf32, #tpu.memory_space<hbm>> -> memref<2000xf32, #tpu.memory_space<hbm>>
      %dma_start3A_201 = tpu.memref_slice %arg4[%add3A_159] : memref<320000xf32, #tpu.memory_space<hbm>> -> memref<2000xf32, #tpu.memory_space<hbm>>
      tpu.enqueue_dma source(%arg8 : memref<2000xf32, #tpu.memory_space<vmem>>) target(%dma_start3A_201 : memref<2000xf32, #tpu.memory_space<hbm>>) target_semaphore(%run_scoped3A_200 : memref<!tpu.dma_semaphore, #tpu.memory_space<semaphore_mem>>)
      %dma_wait3A = tpu.memref_slice %arg4[%add3A_159] : memref<320000xf32, #tpu.memory_space<hbm>> -> memref<2000xf32, #tpu.memory_space<hbm>>
      %dma_wait3A_202 = tpu.memref_slice %arg4[%add3A_159] : memref<320000xf32, #tpu.memory_space<hbm>> -> memref<2000xf32, #tpu.memory_space<hbm>>
      tpu.wait_dma2 semaphore(%run_scoped3A_200 : memref<!tpu.dma_semaphore, #tpu.memory_space<semaphore_mem>>) src(%arg8 : memref<2000xf32, #tpu.memory_space<vmem>>) dst(%dma_wait3A_202 : memref<2000xf32, #tpu.memory_space<hbm>>)
      tpu.yield
    }) : () -> ()
    %mul3A_167 = arith.constant 10000 : i32
    %mul3A_168 = arith.muli %add3A, %mul3A_167 : i32
    %add3A_169 = arith.constant 4000 : i32
    %add3A_170 = arith.addi %mul3A_168, %add3A_169 : i32
    "tpu.region"() ({
      %run_scoped3A_200 = tpu.sem_alloc : memref<!tpu.dma_semaphore, #tpu.memory_space<semaphore_mem>>
      %dma_start3A = tpu.memref_slice %arg2[%add3A_170] : memref<320000xi32, #tpu.memory_space<hbm>> -> memref<2000xi32, #tpu.memory_space<hbm>>
      %dma_start3A_201 = tpu.memref_slice %arg2[%add3A_170] : memref<320000xi32, #tpu.memory_space<hbm>> -> memref<2000xi32, #tpu.memory_space<hbm>>
      tpu.enqueue_dma source(%dma_start3A_201 : memref<2000xi32, #tpu.memory_space<hbm>>) target(%arg6 : memref<2000xi32, #tpu.memory_space<vmem>>) target_semaphore(%run_scoped3A_200 : memref<!tpu.dma_semaphore, #tpu.memory_space<semaphore_mem>>)
      %dma_wait3A = tpu.memref_slice %arg2[%add3A_170] : memref<320000xi32, #tpu.memory_space<hbm>> -> memref<2000xi32, #tpu.memory_space<hbm>>
      %dma_wait3A_202 = tpu.memref_slice %arg2[%add3A_170] : memref<320000xi32, #tpu.memory_space<hbm>> -> memref<2000xi32, #tpu.memory_space<hbm>>
      tpu.wait_dma2 semaphore(%run_scoped3A_200 : memref<!tpu.dma_semaphore, #tpu.memory_space<semaphore_mem>>) src(%dma_wait3A_202 : memref<2000xi32, #tpu.memory_space<hbm>>) dst(%arg6 : memref<2000xi32, #tpu.memory_space<vmem>>)
      tpu.yield
    }) : () -> ()
    "tpu.region"() ({
      %run_scoped3A_200 = tpu.sem_alloc : memref<!tpu.dma_semaphore, #tpu.memory_space<semaphore_mem>>
      %dma_start3A = tpu.memref_slice %arg3[%add3A_170] : memref<320000xi32, #tpu.memory_space<hbm>> -> memref<2000xi32, #tpu.memory_space<hbm>>
      %dma_start3A_201 = tpu.memref_slice %arg3[%add3A_170] : memref<320000xi32, #tpu.memory_space<hbm>> -> memref<2000xi32, #tpu.memory_space<hbm>>
      tpu.enqueue_dma source(%dma_start3A_201 : memref<2000xi32, #tpu.memory_space<hbm>>) target(%arg7 : memref<2000xi32, #tpu.memory_space<vmem>>) target_semaphore(%run_scoped3A_200 : memref<!tpu.dma_semaphore, #tpu.memory_space<semaphore_mem>>)
      %dma_wait3A = tpu.memref_slice %arg3[%add3A_170] : memref<320000xi32, #tpu.memory_space<hbm>> -> memref<2000xi32, #tpu.memory_space<hbm>>
      %dma_wait3A_202 = tpu.memref_slice %arg3[%add3A_170] : memref<320000xi32, #tpu.memory_space<hbm>> -> memref<2000xi32, #tpu.memory_space<hbm>>
      tpu.wait_dma2 semaphore(%run_scoped3A_200 : memref<!tpu.dma_semaphore, #tpu.memory_space<semaphore_mem>>) src(%dma_wait3A_202 : memref<2000xi32, #tpu.memory_space<hbm>>) dst(%arg7 : memref<2000xi32, #tpu.memory_space<vmem>>)
      tpu.yield
    }) : () -> ()
    %scan3A_171 = arith.constant 0 : i32
    %scan3A_172 = arith.constant 0 : i32
    %scan3A_173 = arith.constant 125 : i32
    %scan3A_174 = arith.addi %scan3A_172, %scan3A_173 : i32
    %scan3A_175 = arith.constant 1 : i32
    %scan3A_176 = scf.for %scan3A_200 = %scan3A_172 to %scan3A_174 step %scan3A_175 iter_args(%scan3A_201 = %scan3A_171) -> (i32)  : i32 {
      %mul3A_202 = arith.constant 16 : i32
      %mul3A_203 = arith.muli %scan3A_200, %mul3A_202 : i32
      %get3A = arith.index_cast %mul3A_203 : i32 to index
      %get3A_204 = tpu.vector_load %arg6[%get3A] {strides = array<i32>} : memref<2000xi32, #tpu.memory_space<vmem>>, vector<16xi32>,
      %mul3A_205 = arith.constant 16 : i32
      %mul3A_206 = arith.muli %scan3A_200, %mul3A_205 : i32
      %get3A_207 = arith.index_cast %mul3A_206 : i32 to index
      %get3A_208 = tpu.vector_load %arg7[%get3A_207] {strides = array<i32>} : memref<2000xi32, #tpu.memory_space<vmem>>, vector<16xi32>,
      %mul3A_209 = arith.constant 10000 : i32
      %mul3A_210 = vector.broadcast %mul3A_209 : i32 to vector<16xi32>
      %mul3A_211 = arith.muli %get3A_208, %mul3A_210 : vector<16xi32>
      %add3A_212 = arith.addi %mul3A_211, %get3A_204 : vector<16xi32>
      %shift_right_arithmetic3A = arith.constant 7 : i32
      %shift_right_arithmetic3A_213 = vector.broadcast %shift_right_arithmetic3A : i32 to vector<16xi32>
      %shift_right_arithmetic3A_214 = arith.shrsi %add3A_212, %shift_right_arithmetic3A_213 : vector<16xi32>
      %and3A = arith.constant 127 : i32
      %and3A_215 = vector.broadcast %and3A : i32 to vector<16xi32>
      %and3A_216 = arith.andi %add3A_212, %and3A_215 : vector<16xi32>
      %gather3A = tpu.vector_load_idx %arg5[%shift_right_arithmetic3A_214, %and3A_216] : memref<640x128xf32, #tpu.memory_space<vmem>>[vector<16xi32>, vector<16xi32>], vector<16xf32>,
      %mul3A_217 = arith.constant 16 : i32
      %mul3A_218 = arith.muli %scan3A_200, %mul3A_217 : i32
      %swap3A = arith.index_cast %mul3A_218 : i32 to index
      %swap3A_219 = tpu.vector_load %arg8[%swap3A] {strides = array<i32>} : memref<2000xf32, #tpu.memory_space<vmem>>, vector<16xf32>,
      tpu.vector_store %arg8[%swap3A], %gather3A {strides = array<i32>} : memref<2000xf32, #tpu.memory_space<vmem>>, vector<16xf32>,
      %scan3A_220 = arith.constant 0 : i32
      scf.yield %scan3A_220 : i32
    }
    %scan3A_177 = arith.constant 125 : i32
    "tpu.region"() ({
      %run_scoped3A_200 = tpu.sem_alloc : memref<!tpu.dma_semaphore, #tpu.memory_space<semaphore_mem>>
      %dma_start3A = tpu.memref_slice %arg4[%add3A_170] : memref<320000xf32, #tpu.memory_space<hbm>> -> memref<2000xf32, #tpu.memory_space<hbm>>
      %dma_start3A_201 = tpu.memref_slice %arg4[%add3A_170] : memref<320000xf32, #tpu.memory_space<hbm>> -> memref<2000xf32, #tpu.memory_space<hbm>>
      tpu.enqueue_dma source(%arg8 : memref<2000xf32, #tpu.memory_space<vmem>>) target(%dma_start3A_201 : memref<2000xf32, #tpu.memory_space<hbm>>) target_semaphore(%run_scoped3A_200 : memref<!tpu.dma_semaphore, #tpu.memory_space<semaphore_mem>>)
      %dma_wait3A = tpu.memref_slice %arg4[%add3A_170] : memref<320000xf32, #tpu.memory_space<hbm>> -> memref<2000xf32, #tpu.memory_space<hbm>>
      %dma_wait3A_202 = tpu.memref_slice %arg4[%add3A_170] : memref<320000xf32, #tpu.memory_space<hbm>> -> memref<2000xf32, #tpu.memory_space<hbm>>
      tpu.wait_dma2 semaphore(%run_scoped3A_200 : memref<!tpu.dma_semaphore, #tpu.memory_space<semaphore_mem>>) src(%arg8 : memref<2000xf32, #tpu.memory_space<vmem>>) dst(%dma_wait3A_202 : memref<2000xf32, #tpu.memory_space<hbm>>)
      tpu.yield
    }) : () -> ()
    %mul3A_178 = arith.constant 10000 : i32
    %mul3A_179 = arith.muli %add3A, %mul3A_178 : i32
    %add3A_180 = arith.constant 6000 : i32
    %add3A_181 = arith.addi %mul3A_179, %add3A_180 : i32
    "tpu.region"() ({
      %run_scoped3A_200 = tpu.sem_alloc : memref<!tpu.dma_semaphore, #tpu.memory_space<semaphore_mem>>
      %dma_start3A = tpu.memref_slice %arg2[%add3A_181] : memref<320000xi32, #tpu.memory_space<hbm>> -> memref<2000xi32, #tpu.memory_space<hbm>>
      %dma_start3A_201 = tpu.memref_slice %arg2[%add3A_181] : memref<320000xi32, #tpu.memory_space<hbm>> -> memref<2000xi32, #tpu.memory_space<hbm>>
      tpu.enqueue_dma source(%dma_start3A_201 : memref<2000xi32, #tpu.memory_space<hbm>>) target(%arg6 : memref<2000xi32, #tpu.memory_space<vmem>>) target_semaphore(%run_scoped3A_200 : memref<!tpu.dma_semaphore, #tpu.memory_space<semaphore_mem>>)
      %dma_wait3A = tpu.memref_slice %arg2[%add3A_181] : memref<320000xi32, #tpu.memory_space<hbm>> -> memref<2000xi32, #tpu.memory_space<hbm>>
      %dma_wait3A_202 = tpu.memref_slice %arg2[%add3A_181] : memref<320000xi32, #tpu.memory_space<hbm>> -> memref<2000xi32, #tpu.memory_space<hbm>>
      tpu.wait_dma2 semaphore(%run_scoped3A_200 : memref<!tpu.dma_semaphore, #tpu.memory_space<semaphore_mem>>) src(%dma_wait3A_202 : memref<2000xi32, #tpu.memory_space<hbm>>) dst(%arg6 : memref<2000xi32, #tpu.memory_space<vmem>>)
      tpu.yield
    }) : () -> ()
    "tpu.region"() ({
      %run_scoped3A_200 = tpu.sem_alloc : memref<!tpu.dma_semaphore, #tpu.memory_space<semaphore_mem>>
      %dma_start3A = tpu.memref_slice %arg3[%add3A_181] : memref<320000xi32, #tpu.memory_space<hbm>> -> memref<2000xi32, #tpu.memory_space<hbm>>
      %dma_start3A_201 = tpu.memref_slice %arg3[%add3A_181] : memref<320000xi32, #tpu.memory_space<hbm>> -> memref<2000xi32, #tpu.memory_space<hbm>>
      tpu.enqueue_dma source(%dma_start3A_201 : memref<2000xi32, #tpu.memory_space<hbm>>) target(%arg7 : memref<2000xi32, #tpu.memory_space<vmem>>) target_semaphore(%run_scoped3A_200 : memref<!tpu.dma_semaphore, #tpu.memory_space<semaphore_mem>>)
      %dma_wait3A = tpu.memref_slice %arg3[%add3A_181] : memref<320000xi32, #tpu.memory_space<hbm>> -> memref<2000xi32, #tpu.memory_space<hbm>>
      %dma_wait3A_202 = tpu.memref_slice %arg3[%add3A_181] : memref<320000xi32, #tpu.memory_space<hbm>> -> memref<2000xi32, #tpu.memory_space<hbm>>
      tpu.wait_dma2 semaphore(%run_scoped3A_200 : memref<!tpu.dma_semaphore, #tpu.memory_space<semaphore_mem>>) src(%dma_wait3A_202 : memref<2000xi32, #tpu.memory_space<hbm>>) dst(%arg7 : memref<2000xi32, #tpu.memory_space<vmem>>)
      tpu.yield
    }) : () -> ()
    %scan3A_182 = arith.constant 0 : i32
    %scan3A_183 = arith.constant 0 : i32
    %scan3A_184 = arith.constant 125 : i32
    %scan3A_185 = arith.addi %scan3A_183, %scan3A_184 : i32
    %scan3A_186 = arith.constant 1 : i32
    %scan3A_187 = scf.for %scan3A_200 = %scan3A_183 to %scan3A_185 step %scan3A_186 iter_args(%scan3A_201 = %scan3A_182) -> (i32)  : i32 {
      %mul3A_202 = arith.constant 16 : i32
      %mul3A_203 = arith.muli %scan3A_200, %mul3A_202 : i32
      %get3A = arith.index_cast %mul3A_203 : i32 to index
      %get3A_204 = tpu.vector_load %arg6[%get3A] {strides = array<i32>} : memref<2000xi32, #tpu.memory_space<vmem>>, vector<16xi32>,
      %mul3A_205 = arith.constant 16 : i32
      %mul3A_206 = arith.muli %scan3A_200, %mul3A_205 : i32
      %get3A_207 = arith.index_cast %mul3A_206 : i32 to index
      %get3A_208 = tpu.vector_load %arg7[%get3A_207] {strides = array<i32>} : memref<2000xi32, #tpu.memory_space<vmem>>, vector<16xi32>,
      %mul3A_209 = arith.constant 10000 : i32
      %mul3A_210 = vector.broadcast %mul3A_209 : i32 to vector<16xi32>
      %mul3A_211 = arith.muli %get3A_208, %mul3A_210 : vector<16xi32>
      %add3A_212 = arith.addi %mul3A_211, %get3A_204 : vector<16xi32>
      %shift_right_arithmetic3A = arith.constant 7 : i32
      %shift_right_arithmetic3A_213 = vector.broadcast %shift_right_arithmetic3A : i32 to vector<16xi32>
      %shift_right_arithmetic3A_214 = arith.shrsi %add3A_212, %shift_right_arithmetic3A_213 : vector<16xi32>
      %and3A = arith.constant 127 : i32
      %and3A_215 = vector.broadcast %and3A : i32 to vector<16xi32>
      %and3A_216 = arith.andi %add3A_212, %and3A_215 : vector<16xi32>
      %gather3A = tpu.vector_load_idx %arg5[%shift_right_arithmetic3A_214, %and3A_216] : memref<640x128xf32, #tpu.memory_space<vmem>>[vector<16xi32>, vector<16xi32>], vector<16xf32>,
      %mul3A_217 = arith.constant 16 : i32
      %mul3A_218 = arith.muli %scan3A_200, %mul3A_217 : i32
      %swap3A = arith.index_cast %mul3A_218 : i32 to index
      %swap3A_219 = tpu.vector_load %arg8[%swap3A] {strides = array<i32>} : memref<2000xf32, #tpu.memory_space<vmem>>, vector<16xf32>,
      tpu.vector_store %arg8[%swap3A], %gather3A {strides = array<i32>} : memref<2000xf32, #tpu.memory_space<vmem>>, vector<16xf32>,
      %scan3A_220 = arith.constant 0 : i32
      scf.yield %scan3A_220 : i32
    }
    %scan3A_188 = arith.constant 125 : i32
    "tpu.region"() ({
      %run_scoped3A_200 = tpu.sem_alloc : memref<!tpu.dma_semaphore, #tpu.memory_space<semaphore_mem>>
      %dma_start3A = tpu.memref_slice %arg4[%add3A_181] : memref<320000xf32, #tpu.memory_space<hbm>> -> memref<2000xf32, #tpu.memory_space<hbm>>
      %dma_start3A_201 = tpu.memref_slice %arg4[%add3A_181] : memref<320000xf32, #tpu.memory_space<hbm>> -> memref<2000xf32, #tpu.memory_space<hbm>>
      tpu.enqueue_dma source(%arg8 : memref<2000xf32, #tpu.memory_space<vmem>>) target(%dma_start3A_201 : memref<2000xf32, #tpu.memory_space<hbm>>) target_semaphore(%run_scoped3A_200 : memref<!tpu.dma_semaphore, #tpu.memory_space<semaphore_mem>>)
      %dma_wait3A = tpu.memref_slice %arg4[%add3A_181] : memref<320000xf32, #tpu.memory_space<hbm>> -> memref<2000xf32, #tpu.memory_space<hbm>>
      %dma_wait3A_202 = tpu.memref_slice %arg4[%add3A_181] : memref<320000xf32, #tpu.memory_space<hbm>> -> memref<2000xf32, #tpu.memory_space<hbm>>
      tpu.wait_dma2 semaphore(%run_scoped3A_200 : memref<!tpu.dma_semaphore, #tpu.memory_space<semaphore_mem>>) src(%arg8 : memref<2000xf32, #tpu.memory_space<vmem>>) dst(%dma_wait3A_202 : memref<2000xf32, #tpu.memory_space<hbm>>)
      tpu.yield
    }) : () -> ()
    %mul3A_189 = arith.constant 10000 : i32
    %mul3A_190 = arith.muli %add3A, %mul3A_189 : i32
    %add3A_191 = arith.constant 8000 : i32
    %add3A_192 = arith.addi %mul3A_190, %add3A_191 : i32
    "tpu.region"() ({
      %run_scoped3A_200 = tpu.sem_alloc : memref<!tpu.dma_semaphore, #tpu.memory_space<semaphore_mem>>
      %dma_start3A = tpu.memref_slice %arg2[%add3A_192] : memref<320000xi32, #tpu.memory_space<hbm>> -> memref<2000xi32, #tpu.memory_space<hbm>>
      %dma_start3A_201 = tpu.memref_slice %arg2[%add3A_192] : memref<320000xi32, #tpu.memory_space<hbm>> -> memref<2000xi32, #tpu.memory_space<hbm>>
      tpu.enqueue_dma source(%dma_start3A_201 : memref<2000xi32, #tpu.memory_space<hbm>>) target(%arg6 : memref<2000xi32, #tpu.memory_space<vmem>>) target_semaphore(%run_scoped3A_200 : memref<!tpu.dma_semaphore, #tpu.memory_space<semaphore_mem>>)
      %dma_wait3A = tpu.memref_slice %arg2[%add3A_192] : memref<320000xi32, #tpu.memory_space<hbm>> -> memref<2000xi32, #tpu.memory_space<hbm>>
      %dma_wait3A_202 = tpu.memref_slice %arg2[%add3A_192] : memref<320000xi32, #tpu.memory_space<hbm>> -> memref<2000xi32, #tpu.memory_space<hbm>>
      tpu.wait_dma2 semaphore(%run_scoped3A_200 : memref<!tpu.dma_semaphore, #tpu.memory_space<semaphore_mem>>) src(%dma_wait3A_202 : memref<2000xi32, #tpu.memory_space<hbm>>) dst(%arg6 : memref<2000xi32, #tpu.memory_space<vmem>>)
      tpu.yield
    }) : () -> ()
    "tpu.region"() ({
      %run_scoped3A_200 = tpu.sem_alloc : memref<!tpu.dma_semaphore, #tpu.memory_space<semaphore_mem>>
      %dma_start3A = tpu.memref_slice %arg3[%add3A_192] : memref<320000xi32, #tpu.memory_space<hbm>> -> memref<2000xi32, #tpu.memory_space<hbm>>
      %dma_start3A_201 = tpu.memref_slice %arg3[%add3A_192] : memref<320000xi32, #tpu.memory_space<hbm>> -> memref<2000xi32, #tpu.memory_space<hbm>>
      tpu.enqueue_dma source(%dma_start3A_201 : memref<2000xi32, #tpu.memory_space<hbm>>) target(%arg7 : memref<2000xi32, #tpu.memory_space<vmem>>) target_semaphore(%run_scoped3A_200 : memref<!tpu.dma_semaphore, #tpu.memory_space<semaphore_mem>>)
      %dma_wait3A = tpu.memref_slice %arg3[%add3A_192] : memref<320000xi32, #tpu.memory_space<hbm>> -> memref<2000xi32, #tpu.memory_space<hbm>>
      %dma_wait3A_202 = tpu.memref_slice %arg3[%add3A_192] : memref<320000xi32, #tpu.memory_space<hbm>> -> memref<2000xi32, #tpu.memory_space<hbm>>
      tpu.wait_dma2 semaphore(%run_scoped3A_200 : memref<!tpu.dma_semaphore, #tpu.memory_space<semaphore_mem>>) src(%dma_wait3A_202 : memref<2000xi32, #tpu.memory_space<hbm>>) dst(%arg7 : memref<2000xi32, #tpu.memory_space<vmem>>)
      tpu.yield
    }) : () -> ()
    %scan3A_193 = arith.constant 0 : i32
    %scan3A_194 = arith.constant 0 : i32
    %scan3A_195 = arith.constant 125 : i32
    %scan3A_196 = arith.addi %scan3A_194, %scan3A_195 : i32
    %scan3A_197 = arith.constant 1 : i32
    %scan3A_198 = scf.for %scan3A_200 = %scan3A_194 to %scan3A_196 step %scan3A_197 iter_args(%scan3A_201 = %scan3A_193) -> (i32)  : i32 {
      %mul3A_202 = arith.constant 16 : i32
      %mul3A_203 = arith.muli %scan3A_200, %mul3A_202 : i32
      %get3A = arith.index_cast %mul3A_203 : i32 to index
      %get3A_204 = tpu.vector_load %arg6[%get3A] {strides = array<i32>} : memref<2000xi32, #tpu.memory_space<vmem>>, vector<16xi32>,
      %mul3A_205 = arith.constant 16 : i32
      %mul3A_206 = arith.muli %scan3A_200, %mul3A_205 : i32
      %get3A_207 = arith.index_cast %mul3A_206 : i32 to index
      %get3A_208 = tpu.vector_load %arg7[%get3A_207] {strides = array<i32>} : memref<2000xi32, #tpu.memory_space<vmem>>, vector<16xi32>,
      %mul3A_209 = arith.constant 10000 : i32
      %mul3A_210 = vector.broadcast %mul3A_209 : i32 to vector<16xi32>
      %mul3A_211 = arith.muli %get3A_208, %mul3A_210 : vector<16xi32>
      %add3A_212 = arith.addi %mul3A_211, %get3A_204 : vector<16xi32>
      %shift_right_arithmetic3A = arith.constant 7 : i32
      %shift_right_arithmetic3A_213 = vector.broadcast %shift_right_arithmetic3A : i32 to vector<16xi32>
      %shift_right_arithmetic3A_214 = arith.shrsi %add3A_212, %shift_right_arithmetic3A_213 : vector<16xi32>
      %and3A = arith.constant 127 : i32
      %and3A_215 = vector.broadcast %and3A : i32 to vector<16xi32>
      %and3A_216 = arith.andi %add3A_212, %and3A_215 : vector<16xi32>
      %gather3A = tpu.vector_load_idx %arg5[%shift_right_arithmetic3A_214, %and3A_216] : memref<640x128xf32, #tpu.memory_space<vmem>>[vector<16xi32>, vector<16xi32>], vector<16xf32>,
      %mul3A_217 = arith.constant 16 : i32
      %mul3A_218 = arith.muli %scan3A_200, %mul3A_217 : i32
      %swap3A = arith.index_cast %mul3A_218 : i32 to index
      %swap3A_219 = tpu.vector_load %arg8[%swap3A] {strides = array<i32>} : memref<2000xf32, #tpu.memory_space<vmem>>, vector<16xf32>,
      tpu.vector_store %arg8[%swap3A], %gather3A {strides = array<i32>} : memref<2000xf32, #tpu.memory_space<vmem>>, vector<16xf32>,
      %scan3A_220 = arith.constant 0 : i32
      scf.yield %scan3A_220 : i32
    }
    %scan3A_199 = arith.constant 125 : i32
    "tpu.region"() ({
      %run_scoped3A_200 = tpu.sem_alloc : memref<!tpu.dma_semaphore, #tpu.memory_space<semaphore_mem>>
      %dma_start3A = tpu.memref_slice %arg4[%add3A_192] : memref<320000xf32, #tpu.memory_space<hbm>> -> memref<2000xf32, #tpu.memory_space<hbm>>
      %dma_start3A_201 = tpu.memref_slice %arg4[%add3A_192] : memref<320000xf32, #tpu.memory_space<hbm>> -> memref<2000xf32, #tpu.memory_space<hbm>>
      tpu.enqueue_dma source(%arg8 : memref<2000xf32, #tpu.memory_space<vmem>>) target(%dma_start3A_201 : memref<2000xf32, #tpu.memory_space<hbm>>) target_semaphore(%run_scoped3A_200 : memref<!tpu.dma_semaphore, #tpu.memory_space<semaphore_mem>>)
      %dma_wait3A = tpu.memref_slice %arg4[%add3A_192] : memref<320000xf32, #tpu.memory_space<hbm>> -> memref<2000xf32, #tpu.memory_space<hbm>>
      %dma_wait3A_202 = tpu.memref_slice %arg4[%add3A_192] : memref<320000xf32, #tpu.memory_space<hbm>> -> memref<2000xf32, #tpu.memory_space<hbm>>
      tpu.wait_dma2 semaphore(%run_scoped3A_200 : memref<!tpu.dma_semaphore, #tpu.memory_space<semaphore_mem>>) src(%arg8 : memref<2000xf32, #tpu.memory_space<vmem>>) dst(%dma_wait3A_202 : memref<2000xf32, #tpu.memory_space<hbm>>)
      tpu.yield
    }) : () -> ()
    return
  }
}

module attributes {stable_mosaic.version = 14 : i64} {
  func.func @_mm_body(%arg0: i32, %arg1: i32, %arg2: memref<2000x128xf32, #tpu.memory_space<vmem>>, %arg3: memref<1x128x128xf32, #tpu.memory_space<vmem>>, %arg4: memref<2000x128xf32, #tpu.memory_space<vmem>>) attributes {dimension_semantics = [#tpu.dimension_semantics<arbitrary>, #tpu.dimension_semantics<arbitrary>], iteration_bounds = array<i64: 8, 5>, scalar_prefetch = 0 : i64, scratch_operands = 0 : i64, tpu.core_type = #tpu.core_type<tc>, window_params = [{transform_indices = @transform_0, window_bounds = array<i64: 2000, 128>}, {transform_indices = @transform_1, window_bounds = array<i64: 1, 128, 128>}, {transform_indices = @transform_2, window_bounds = array<i64: 2000, 128>}]} {
    %get3A = arith.constant 0 : index
    %get3A_0 = arith.constant 0 : index
    %get3A_1 = vector.load %arg2[%get3A, %get3A_0] : memref<2000x128xf32, #tpu.memory_space<vmem>>, vector<2000x128xf32>
    %get3A_2 = arith.constant 0 : index
    %get3A_3 = arith.constant 0 : index
    %get3A_4 = arith.constant 0 : index
    %get3A_5 = vector.load %arg3[%get3A_2, %get3A_3, %get3A_4] : memref<1x128x128xf32, #tpu.memory_space<vmem>>, vector<1x128x128xf32>
    %get3A_6 = vector.shape_cast %get3A_5 : vector<1x128x128xf32> to vector<128x128xf32>
    %dot_general3A = arith.constant dense<0.000000e+00> : vector<2000x128xf32>
    %dot_general3A_7 = tpu.matmul %get3A_1, %get3A_6, %dot_general3A {dimension_numbers = #tpu.dot_dimension_numbers<[1], [0], [0], [1], [0, 0, 1, 1], [], []>, transpose_lhs_hint = false} : vector<2000x128xf32>, vector<128x128xf32>, vector<2000x128xf32> -> vector<2000x128xf32>
    %swap3A = arith.constant 0 : index
    %swap3A_8 = arith.constant 0 : index
    %swap3A_9 = vector.load %arg4[%swap3A, %swap3A_8] : memref<2000x128xf32, #tpu.memory_space<vmem>>, vector<2000x128xf32>
    tpu.vector_store %arg4[%swap3A, %swap3A_8], %dot_general3A_7 {strides = array<i32>} : memref<2000x128xf32, #tpu.memory_space<vmem>>, vector<2000x128xf32>,
    return
  }
  func.func @transform_0(%arg0: i32, %arg1: i32) -> (i32, i32) {
    %c0_i32 = arith.constant 0 : i32
    %c0_i32_0 = arith.constant 0 : i32
    return %arg1, %c0_i32 : i32, i32
  }
  func.func @transform_1(%arg0: i32, %arg1: i32) -> (i32, i32, i32) {
    %c0_i32 = arith.constant 0 : i32
    %c0_i32_0 = arith.constant 0 : i32
    %c0_i32_1 = arith.constant 0 : i32
    return %arg0, %c0_i32, %c0_i32_0 : i32, i32, i32
  }
  func.func @transform_2(%arg0: i32, %arg1: i32) -> (i32, i32) {
    %mul3A = arith.constant 5 : i32
    %mul3A_0 = arith.muli %arg0, %mul3A : i32
    %add3A = arith.addi %mul3A_0, %arg1 : i32
    %c0_i32 = arith.constant 0 : i32
    %c0_i32_1 = arith.constant 0 : i32
    return %add3A, %c0_i32 : i32, i32
  }
}

module attributes {stable_mosaic.version = 14 : i64} {
  func.func @_comb_body(%arg0: i32, %arg1: memref<2x2000x128xf32, #tpu.memory_space<vmem>>, %arg2: memref<1x128xf32, #tpu.memory_space<vmem>>, %arg3: memref<2000x128xf32, #tpu.memory_space<vmem>>) attributes {dimension_semantics = [#tpu.dimension_semantics<arbitrary>], iteration_bounds = array<i64: 5>, scalar_prefetch = 0 : i64, scratch_operands = 0 : i64, tpu.core_type = #tpu.core_type<tc>, window_params = [{transform_indices = @transform_0, window_bounds = array<i64: 2, 2000, 128>}, {pipeline_mode = #tpu.pipeline_mode<synchronous>, transform_indices = @transform_1, window_bounds = array<i64: 1, 128>}, {transform_indices = @transform_2, window_bounds = array<i64: 2000, 128>}]} {
    %get3A = arith.constant 0 : index
    %get3A_0 = arith.constant 0 : index
    %get3A_1 = arith.constant 0 : index
    %get3A_2 = vector.load %arg1[%get3A, %get3A_0, %get3A_1] : memref<2x2000x128xf32, #tpu.memory_space<vmem>>, vector<1x2000x128xf32>
    %get3A_3 = vector.shape_cast %get3A_2 : vector<1x2000x128xf32> to vector<2000x128xf32>
    %get3A_4 = arith.constant 1 : index
    %get3A_5 = arith.constant 0 : index
    %get3A_6 = arith.constant 0 : index
    %get3A_7 = vector.load %arg1[%get3A_4, %get3A_5, %get3A_6] : memref<2x2000x128xf32, #tpu.memory_space<vmem>>, vector<1x2000x128xf32>
    %get3A_8 = vector.shape_cast %get3A_7 : vector<1x2000x128xf32> to vector<2000x128xf32>
    %add3A = arith.addf %get3A_3, %get3A_8 : vector<2000x128xf32>
    %get3A_9 = arith.constant 0 : index
    %get3A_10 = arith.constant 0 : index
    %get3A_11 = vector.load %arg2[%get3A_9, %get3A_10] : memref<1x128xf32, #tpu.memory_space<vmem>>, vector<1x128xf32>
    %add3A_12 = vector.broadcast %get3A_11 : vector<1x128xf32> to vector<2000x128xf32>
    %add3A_13 = arith.addf %add3A, %add3A_12 : vector<2000x128xf32>
    %swap3A = arith.constant 0 : index
    %swap3A_14 = arith.constant 0 : index
    %swap3A_15 = vector.load %arg3[%swap3A, %swap3A_14] : memref<2000x128xf32, #tpu.memory_space<vmem>>, vector<2000x128xf32>
    tpu.vector_store %arg3[%swap3A, %swap3A_14], %add3A_13 {strides = array<i32>} : memref<2000x128xf32, #tpu.memory_space<vmem>>, vector<2000x128xf32>,
    return
  }
  func.func @transform_0(%arg0: i32) -> (i32, i32, i32) {
    %c0_i32 = arith.constant 0 : i32
    %c0_i32_0 = arith.constant 0 : i32
    %c0_i32_1 = arith.constant 0 : i32
    return %c0_i32, %arg0, %c0_i32_0 : i32, i32, i32
  }
  func.func @transform_1(%arg0: i32) -> (i32, i32) {
    %c0_i32 = arith.constant 0 : i32
    %c0_i32_0 = arith.constant 0 : i32
    %c0_i32_1 = arith.constant 0 : i32
    return %c0_i32, %c0_i32_0 : i32, i32
  }
  func.func @transform_2(%arg0: i32) -> (i32, i32) {
    %c0_i32 = arith.constant 0 : i32
    %c0_i32_0 = arith.constant 0 : i32
    return %arg0, %c0_i32 : i32, i32
  }
}

</mosaic_0001>

<sc_bundles>
// kernel: kernel.6.cloned.1.call-start
scs
__scs_entry_jumppad:
0x0: {  	(pc) =	sbr.rel $0x88, $3  }
0x1: {  	(tag) =	ssettag $0x0;
	lr =	simm.s32 $0x1  }
0x2: {  	[smem:$0x3F9C] =	sst lr;
	_ =	strace $0xD0000000  }
0x3: {  	_ = 	snop  }
0x4: {  	_ = 	snop  }
0x5: {  	_ = 	snop  }
0x6: {  	_ = 	snop  }
0x7: {  	_ = 	snop  }
__scs_overlays_trampoline_lowered:
0x8: {  	[smem:$0x3FAB] =	sst s0  }
0x9: {  	[smem:$0x3FAC] =	sst s1  }
0xa: {  	[smem:$0x3FAD] =	sst s2  }
0xb: {  	[smem:$0x3FAE] =	sst s3  }
0xc: {  	[smem:$0x3FAF] =	sst s4  }
0xd: {  	[smem:$0x3FB0] =	sst s5  }
0xe: {  	[smem:$0x3FB1] =	sst s6  }
0xf: {  	[smem:$0x3FB2] =	sst s7  }
0x10: {  	[smem:$0x3FB3] =	sst s8  }
0x11: {  	[smem:$0x3FB4] =	sst s9;
	s0 =	simm.s32 @!p0 $0x0  }
0x12: {  	s1 =	sld [smem:$0x3F9A];
	s0 =	simm.s32 @p0 $0x1  }
0x13: {  	[smem:$0x3FB5] =	sst s0;
	s0 =	simm.s32 @!p1 $0x0  }
0x14: {  	s2 =	sld [smem:$0x3F99];
	s0 =	simm.s32 @p1 $0x1  }
0x15: {  	[smem:$0x3FB6] =	sst s0;
	s0 =	simm.s32 @!p2 $0x0  }
0x16: {  	s3 =	sld [smem:$0x3FDB];
	s0 =	simm.s32 @p2 $0x1  }
0x17: {  	s4 =	simm.s32 $0x1BF5;
	[smem:$0x3FB8] =	sst s0  }
0x18: {  	s0 =	sld [smem:$0x3F9B];
	_ =	swait.ge [sflag:s4], $0x0  }
0x19: {  	s7 =	sld [smem:$0x3F9C]  }
0x1a: {  	s8 =	sadd.s32 $0xFFFFE003, lr  }
0x1b: {  	s9 =	sadd.s32 $0xFFFFFEF7, lr;
	s5 =	simm.s32 $0xFFFFFFFF;
	p2 =	slt.u32 s8, $0xFFFFF086  }
0x1c: {  	p1 =	slt.u32 s9, $0xF7A;
	s5 =	simm.s32 @!p2 $0x0  }
0x1d: {  	s5 =	simm.s32 @p1 $0x1;
	p0 =	seq.s32 s7, s2  }
0x1e: {  	s7 =	smul.u32 @!p0 $0xF7A, s2;
	p2 =	seq.s32 @!p0 s5, $0x0  }
0x1f: {  	s9 =	smul.u32 $0xF7A, s1;
	s8 =	simm.s32 @!p0 $0x1BF5;
	p2 =	por !p2, p0  }
0x20: {  	[sflag:s8] =	ssyncset.s32 @!p0 $0xFFFFF086;
	s6 =	sadd.s32 @!p0 s3, s7;
	s7 =	simm.s32 @!p0 $0x108  }
0x21: {  	s3 =	sadd.s32 s3, s9;
	s6 =	sadd.s32 @!p0 $0x88, s6;
	s7 =	simm.s32 @p2 $0x1082  }
0x22: {  	[simem:s7], [sflag:s8] =	dma.local @!p0 [hbm:s6], $0xF7A  }
0x23: {  	s9 =	sor.u32 $0xD0000000, s2;
	s6 =	simm.s32 $0x108;
	_ =	swait.ge @!p0 [sflag:s8], $0x0  }
0x24: {  	s3 =	sadd.s32 $0x88, s3;
	s6 =	simm.s32 @!p1 $0x1082;
	[sflag:s4] =	ssyncset.s32 $0xFFFFF086  }
0x25: {  	[simem:s6], [sflag:s4] =	dma.local [hbm:s3], $0xF7A  }
0x26: {  	[smem:$0x3F9C] =	sst s1;
	(tag) =	ssettag s2;
	_ =	strace s9  }
0x27: {  	s1 =	sld [smem:$0x3FAC]  }
0x28: {  	s2 =	sld [smem:$0x3FAD]  }
0x29: {  	s4 =	sld [smem:$0x3FAF]  }
0x2a: {  	p0 =	seq.s32 s5, $0x0;
	s5 =	sld [smem:$0x3FB0]  }
0x2b: {  	s6 =	sld [smem:$0x3FB1]  }
0x2c: {  	s7 =	sld [smem:$0x3FB2]  }
0x2d: {  	s3 =	simm.s32 $0x108;
	s8 =	sld [smem:$0x3FB3]  }
0x2e: {  	s3 =	simm.s32 @!p0 $0x1082;
	s9 =	sld [smem:$0x3FB4]  }
0x2f: {  	lr =	sadd.s32 s0, s3;
	s0 =	sld [smem:$0x3FAB]  }
0x30: {  	s3 =	sld [smem:$0x3FAE]  }
0x31: {  	[smem:$0x3FB7] =	sst s10  }
0x32: {  	s10 =	sld [smem:$0x3FB5];
	_ =	sdelay $0x3  }
0x33: {  	p0 =	seq.s32 s10, $0x1;
	s10 =	sld [smem:$0x3FB7];
	_ =	sdelay $0x3  }
0x34: {  	[smem:$0x3FB7] =	sst s10  }
0x35: {  	s10 =	sld [smem:$0x3FB6];
	_ =	sdelay $0x3  }
0x36: {  	p1 =	seq.s32 s10, $0x1;
	s10 =	sld [smem:$0x3FB7];
	_ =	sdelay $0x3  }
0x37: {  	[smem:$0x3FB7] =	sst s10  }
0x38: {  	s10 =	sld [smem:$0x3FB8]  }
0x39: {  	_ = 	snop;
	(pc) =	sbr.ind lr, $3  }
0x3a: {  	_ = 	snop  }
0x3b: {  	_ = 	snop  }
0x3c: {  	p2 =	seq.s32 s10, $0x1;
	s10 =	sld [smem:$0x3FB7]  }
0x3d: {  	_ =	shalt  }
0x3e: {  	_ =	shalt  }
0x3f: {  	_ =	shalt  }
0x40: {  	_ =	shalt  }
0x41: {  	_ =	shalt  }
0x42: {  	_ =	shalt  }
0x43: {  	_ =	shalt  }
0x44: {  	_ =	shalt  }
0x45: {  	_ =	shalt  }
0x46: {  	_ =	shalt  }
0x47: {  	_ =	shalt  }
0x48: {  	_ =	shalt  }
0x49: {  	_ =	shalt  }
0x4a: {  	_ =	shalt  }
0x4b: {  	_ =	shalt  }
0x4c: {  	_ =	shalt  }
0x4d: {  	_ =	shalt  }
0x4e: {  	_ =	shalt  }
0x4f: {  	_ =	shalt  }
0x50: {  	_ =	shalt  }
0x51: {  	_ =	shalt  }
0x52: {  	_ =	shalt  }
0x53: {  	_ =	shalt  }
0x54: {  	_ =	shalt  }
0x55: {  	_ =	shalt  }
0x56: {  	_ =	shalt  }
0x57: {  	_ =	shalt  }
0x58: {  	_ =	shalt  }
0x59: {  	_ =	shalt  }
0x5a: {  	_ =	shalt  }
0x5b: {  	_ =	shalt  }
0x5c: {  	_ =	shalt  }
0x5d: {  	_ =	shalt  }
0x5e: {  	_ =	shalt  }
0x5f: {  	_ =	shalt  }
0x60: {  	_ =	shalt  }
0x61: {  	_ =	shalt  }
0x62: {  	_ =	shalt  }
0x63: {  	_ =	shalt  }
0x64: {  	_ =	shalt  }
0x65: {  	_ =	shalt  }
0x66: {  	_ =	shalt  }
0x67: {  	_ =	shalt  }
0x68: {  	_ =	shalt  }
0x69: {  	_ =	shalt  }
0x6a: {  	_ =	shalt  }
0x6b: {  	_ =	shalt  }
0x6c: {  	_ =	shalt  }
0x6d: {  	_ =	shalt  }
0x6e: {  	_ =	shalt  }
0x6f: {  	_ =	shalt  }
0x70: {  	_ =	shalt  }
0x71: {  	_ =	shalt  }
0x72: {  	_ =	shalt  }
0x73: {  	_ =	shalt  }
0x74: {  	_ =	shalt  }
0x75: {  	_ =	shalt  }
0x76: {  	_ =	shalt  }
0x77: {  	_ =	shalt  }
0x78: {  	_ =	shalt  }
0x79: {  	_ =	shalt  }
0x7a: {  	_ =	shalt  }
0x7b: {  	_ =	shalt  }
0x7c: {  	_ =	shalt  }
0x7d: {  	_ =	shalt  }
0x7e: {  	_ =	shalt  }
0x7f: {  	_ =	shalt  }
0x80: {  	_ =	shalt  }
0x81: {  	_ =	shalt  }
0x82: {  	_ =	shalt  }
0x83: {  	_ =	shalt  }
0x84: {  	_ =	shalt  }
0x85: {  	_ =	shalt  }
0x86: {  	_ =	shalt  }
0x87: {  	_ =	shalt  }
.Lfunc_end0:
.L_simem_size_0:
called_computation_lowered:
.L_overlay_start_0:
0x88: {  	s2 =	sld [smem:$0x3FD9]  }
0x89: {  	s3 =	sld [smem:$0x3FFE];
	_ =	sdelay $0x1  }
0x8a: {  	s1 =	srdreg.scid  }
0x8b: {  	s0 =	sand.u32 $0x1, s1  }
0x8c: {  	s17 =	sshll.u32 s0, $0xA;
	s2 =	sadd.s32 s3, s2  }
0x8d: {  	s2 =	sadd.s32 s2, s17  }
0x8e: {  	[smem:$0x3FC3] =	sst s2  }
0x8f: {  	_ = 	snop  }
0x90: {  	s2 =	sld [smem:$0x3FC5]  }
0x91: {  	s18 =	sld [smem:$0x3FD0];
	(tm) =	ssettm $0x1  }
0x92: {  	s4 =	sld [smem:$0x3FFB];
	_ =	sdelay $0x3  }
0x93: {  	_ =	strace s4  }
0x94: {  	s4 =	sld [smem:$0x3FFC];
	_ =	sdelay $0x3  }
0x95: {  	_ =	strace s4  }
0x96: {  	s4 =	sld [smem:$0x3FFD];
	_ =	sdelay $0x3  }
0x97: {  	_ =	strace s4  }
0x98: {  	_ =	strace $0x8FFFFFFF  }
0x99: {  	s19 =	sld [smem:$0x3FDB];
	_ =	sdelay $0x1  }
0x9a: {  	s5 =	simm.s32 $_scs_section_size  }
0x9b: {  	s6 =	simm.s32 $_size__tile_overlayer_lowered;
	s7 =	simm.s32 $_tile_overlayer_lowered  }
0x9c: {  	s22 =	simm.s32 $0x1BFF;
	s21 =	sshll.u32 s7, $0x1;
	s4 =	sadd.s32 s5, s19  }
0x9d: {  	s8 =	simm.s32 $0x0;
	s20 =	sshll.u32 s6, $0x1;
	s6 =	sadd.s32 s21, s4  }
0x9e: {  	[timem:s8], [sflag:s22] =	dma.local [hbm:s6], s20  }
0x9f: {  	_ =	swait.ge [sflag:s22], s20  }
0xa0: {  	s5 =	ssub.s32 $0x0, s20;
	[sflag:s22] =	ssyncset.done $0x0  }
0xa1: {  	[sflag:s22] =	ssyncadd.s32 s5;
	_ =	sdelay $0x1  }
0xa2: {  	s23 =	simm.s32 $0x1B8B  }
0xa3: {  	_ =	swait.ge [sflag:s23], $0x1  }
0xa4: {  	[sflag:s23] =	ssyncset.done $0x0  }
0xa5: {  	s25 =	simm.s32 $0x1B8E;
	s24 =	sld [smem:$0x3FFE];
	[sflag:s23] =	ssyncadd.s32 $0xFFFFFFFF  }
0xa6: {  	s26 =	simm.s32 $execute0_lowered;
	[smem:$0x3FD2] =	sst s25  }
0xa7: {  	s6 =	sshll.u32 s26, $0x1;
	_ =	strace $0x80000046;
	[dreg:$0x1] =	wrdreg $0xFFFFFFFF  }
0xa8: {  	s28 =	simm.s32 $_size_execute0_lowered;
	s4 =	sadd.s32 s4, s6;
	[dreg:$0x0] =	wrdreg $0x0  }
0xa9: {  	s6 =	sshll.u32 s28, $0x1;
	[dreg:$0x2] =	wrdreg s4  }
0xaa: {  	[dreg:$0x3] =	wrdreg s6  }
0xab: {  	[dreg:$0x4] =	wrdreg $0xC0  }
0xac: {  	_ =	task [dreg:s8], $0x5FFFF  }
0xad: {  	[dreg:$0x1] =	wrdreg $0xFFFFFFFF  }
0xae: {  	[dreg:$0x0] =	wrdreg $0x60  }
0xaf: {  	[dreg:$0x2] =	wrdreg s18  }
0xb0: {  	[dreg:$0x3] =	wrdreg s2  }
0xb1: {  	[dreg:$0x4] =	wrdreg s24  }
0xb2: {  	[dreg:$0x5] =	wrdreg $0x170000  }
0xb3: {  	[dreg:$0x6] =	wrdreg $0x9  }
0xb4: {  	_ =	task.clear_ibuf [dreg:s8], $0x7FFFF;
	_ =	strace $0x90000046  }
0xb5: {  	s29 =	simm.s32 $0x9;
	_ =	strace $0x80000048  }
0xb6: {  	_ =	swait.ge [sflag:s29], $0x1  }
0xb7: {  	[sflag:s29] =	ssyncadd.s32 $0xFFFFFFFF  }
0xb8: {  	_ =	strace $0x90000048  }
0xb9: {  	_ =	sfence  }
0xba: {  	s30 =	sld [smem:$0x0];
	_ =	sdelay $0x2  }
0xbb: {  	s31 =	sshll.u32 s1, $0xD;
	s1 =	sshrl.u32 s1, $0x2  }
0xbc: {  	s3 =	sand.u32 $0x4000, s31;
	s1 =	sadd.s32 s1, s30  }
0xbd: {  	s0 =	sor.u32 s3, s0;
	s1 =	sshll.u32 s1, $0x11  }
0xbe: {  	s0 =	sor.u32 s1, s0  }
0xbf: {  	s0 =	sadd.s32 $0x8F2B, s0  }
0xc0: {  	[sflag:s0] =	ssyncadd.remote.s32 $0x1  }
0xc1: {  	_ =	sfence.sel $0xFFFF  }
0xc2: {  	[dreg:$0x0] =	wrdreg $0xFFFFFFFF;
	(pc) =	sbr.abs _section_cstart, $3  }
0xc3: {  	[dreg:$0x1] =	wrdreg $0xFFFFFFFF  }
0xc4: {  	_ =	task.clear_ibuf [dreg:s8], $0x2FFFF;
	_ =	strace $0x9FFFFFFF  }
0xc5: {  	(tm) =	ssettm $0x7FFFFFFF  }
tec
execute0_lowered:
.L_overlay_start_1:
0x0: {  	(tag) =	ssettag $0x1  }
0x1: {  	s5 =	rddreg [dreg:$0x0]  }
0x2: {  	s6 =	rddreg [dreg:$0x1]  }
0x3: {  	s0 =	rddreg [dreg:$0x2]  }
0x4: {  	s2 =	srdreg.scid;
	s10 =	stileid.u32  }
0x5: {  	s1 =	simm.s32 $0x0;
	s2 =	sand.u32 $0x1, s2;
	s3 =	smul.u32 $0x4E20, s10  }
0x6: {  	[smem:$0x7FF] =	sst s1;
	s26 =	ssub.s32 $0x2, s2  }
0x7: {  	s7 =	sadd.s32 $0xAC00, s0;
	s4 =	sshrl.u32 s26, $0x1;
	s3 =	sshrl.u32 s3, $0x3  }
0x8: {  	s8 =	sshll.u32 s10, $0x1;
	s9 =	ssub.s32 s26, s4;
	s4 =	sadd.s32 s5, s3  }
0x9: {  	s0 =	sor.u32 s2, s8;
	s8 =	sadd.s32 s6, s3;
	[dreg:$0x5] =	wrdreg s4  }
0xa: {  	s11 =	sadd.s32 $0xFA, s3;
	[dreg:$0x6] =	wrdreg s8  }
0xb: {  	s10 =	smul.u32 $0x5000, s10;
	s13 =	sadd.s32 s5, s11;
	s4 =	rddreg [dreg:$0x3]  }
0xc: {  	s12 =	sadd.s32 $0x1F4, s3;
	s2 =	sadd.s32 s6, s11;
	[dreg:$0x7] =	wrdreg s13  }
0xd: {  	s0 =	smul.u32 $0x2710, s0;
	s14 =	sadd.s32 s5, s12;
	[dreg:$0x8] =	wrdreg s2  }
0xe: {  	s16 =	sadd.s32 $0x2EE, s3;
	s15 =	sadd.s32 s6, s12;
	[dreg:$0x9] =	wrdreg s14  }
0xf: {  	s17 =	sadd.s32 $0x3E8, s3;
	s18 =	sadd.s32 s5, s16;
	[dreg:$0xa] =	wrdreg s15  }
0x10: {  	s21 =	sadd.s32 $0x4E2, s3;
	s19 =	sadd.s32 s5, s17;
	[dreg:$0xb] =	wrdreg s18  }
0x11: {  	s22 =	sadd.s32 $0x5DC, s3;
	s20 =	sadd.s32 s6, s17;
	[dreg:$0xd] =	wrdreg s19  }
0x12: {  	s26 =	sadd.s32 $0x6D6, s3;
	s23 =	sadd.s32 s5, s21;
	[dreg:$0xe] =	wrdreg s20  }
0x13: {  	s24 =	sadd.s32 s5, s22;
	s25 =	sadd.s32 s6, s22;
	[dreg:$0xf] =	wrdreg s23  }
0x14: {  	s8 =	sadd.s32 s5, s26;
	s11 =	sadd.s32 $0x7D0, s3;
	[dreg:$0x11] =	wrdreg s24  }
0x15: {  	s3 =	sadd.s32 $0x8CA, s3;
	s9 =	smax.u32 s9, $0x1;
	[dreg:$0x12] =	wrdreg s25  }
0x16: {  	s2 =	sadd.s32 s6, s16;
	[dreg:$0x13] =	wrdreg s8;
	s12 =	sadd.s32 s5, s11  }
0x17: {  	s13 =	sshrl.u32 s0, $0x3;
	s14 =	sadd.s32 s6, s11;
	s20 =	sadd.s32 s5, s3  }
0x18: {  	s19 =	sshrl.u32 s10, $0x2;
	s10 =	simm.s32 $0x1;
	[dreg:$0xc] =	wrdreg s2  }
0x19: {  	s11 =	simm.s32 $0x14000;
	s2 =	sadd.s32 s6, s21;
	[dreg:$0x15] =	wrdreg s12  }
0x1a: {  	[dreg:$0x16] =	wrdreg s14;
	s15 =	sadd.s32 $0xFA, s13;
	s21 =	sadd.s32 s6, s3  }
0x1b: {  	s16 =	sadd.s32 $0x1F4, s13;
	s17 =	sadd.s32 $0x2EE, s13;
	s0 =	sadd.s32 s5, s13  }
0x1c: {  	s3 =	sadd.s32 s7, s13;
	s18 =	sadd.s32 $0x3E8, s13;
	s8 =	sadd.s32 s19, s4  }
0x1d: {  	s12 =	simm.s32 $0x14800;
	s14 =	simm.s32 $0x15000;
	[dreg:$0x10] =	wrdreg s2  }
0x1e: {  	s2 =	sadd.s32 s6, s26;
	s22 =	sadd.s32 s5, s15;
	s23 =	sadd.s32 s6, s15  }
0x1f: {  	s24 =	sadd.s32 s7, s15;
	s25 =	sadd.s32 s5, s16;
	s26 =	sadd.s32 s6, s16  }
0x20: {  	s28 =	sadd.s32 s7, s16;
	s29 =	sadd.s32 s5, s17;
	s30 =	sadd.s32 s6, s17  }
0x21: {  	s31 =	sadd.s32 s7, s17;
	s5 =	sadd.s32 s5, s18;
	s7 =	sadd.s32 s7, s18  }
0x22: {  	s15 =	simm.s32 $0x0;
	[dreg:$0x14] =	wrdreg s2;
	s2 =	sadd.s32 s6, s13  }
0x23: {  	v0 =	vimm.f32 $0.0e+00;
	v1 =	vlaneseq.u32;
	v2 =	vimm.f32 $1.000000000e+00;
	s6 =	sadd.s32 s6, s18;
	s13 =	simm.s32 $0x80;
	_ =	strace $0x80000047  }
.LBB2_1:
0x24: {  	s16 =	simm.s32 $0x10;
	s17 =	sand.u32 $0x1FF0, s1  }
.LBB2_2:
0x25: {  	p0 =	sne.s32 s16, $0x13F0;
	[tilespmem:s17+$0x15800] =	vst v0;
	s17 =	smov.u32 s16;
	s16 =	sadd.s32 $0x10, s16  }
.Ltmp0:
0x26: {  	(pc) =	sbr.rel @p0 .LBB2_2-.Ltmp0, $2  }
0x27: {  	_ =	sdelay $0x2  }
0x28: {  	s17 =	sand.u32 $0x1FF0, s17  }
0x29: {  	s16 =	simm.s32 $0x0  }
0x2a: {  	[tilespmem:s17+$0x15800] =	vst v0;
	s17 =	simm.s32 $0x10;
	s18 =	sand.u32 $0x1FFF0, s16  }
.LBB2_4:
0x2b: {  	p0 =	sne.s32 s17, $0x13FF0;
	[tilespmem:s18+$0x0] =	vst v0;
	s18 =	smov.u32 s17;
	s17 =	sadd.s32 $0x10, s17  }
.Ltmp1:
0x2c: {  	(pc) =	sbr.rel @p0 .LBB2_4-.Ltmp1, $2  }
0x2d: {  	_ =	sdelay $0x2  }
0x2e: {  	s18 =	sand.u32 $0x1FFF0, s18  }
0x2f: {  	[tilespmem:s18+$0x0] =	vst v0;
	s17 =	simm.s32 $0x10;
	v3 =	vor.u32 s16, v1;
	s16 =	sand.u32 $0x3F0, s16  }
.LBB2_6:
0x30: {  	p0 =	sne.s32 s17, $0x270;
	[tilespmem:s16+$0x16C00] =	vst v3;
	s16 =	smov.u32 s17;
	s17 =	sadd.s32 $0x10, s17  }
.Ltmp2:
0x31: {  	(pc) =	sbr.rel @p0 .LBB2_6-.Ltmp2, $2  }
0x32: {  	_ =	sdelay $0x2  }
0x33: {  	v3 =	vor.u32 s16, v1;
	s16 =	sand.u32 $0x3F0, s16  }
0x34: {  	[tilespmem:s16+$0x16C00] =	vst v3;
	s17 =	simm.s32 $0x15800  }
0x35: {  	[spmem:s8] =	stream.linear.scatter [tilespmem:s17], [sflag:$0x1], $0x1400, $0x38;
	[tilespmem:$0x18400] =	vst v63  }
0x36: {  	_ =	swait.ge [sflag:s10], $0x1400  }
0x37: {  	[sflag:s10] =	ssyncset.done $0x0  }
0x38: {  	[sflag:s10] =	ssyncadd.s32 $0xFFFFEC00  }
0x39: {  	[bflag:$0x0] =	sbarrier.arrive $0xFFFF  }
0x3a: {  	s18 =	simm.s32 $0x0;
	s17 =	rddreg [dreg:$0x5]  }
0x3b: {  	[tilespmem:s11], [sflag:$0x1] =	stream.linear.gather [hbm4b:s17+s18], $0x7D0, $0x38;
	[tilespmem:$0x18400] =	vst v63  }
0x3c: {  	_ =	swait.ge [sflag:s10], $0x7D0  }
0x3d: {  	[sflag:s10] =	ssyncset.done $0x0  }
0x3e: {  	s19 =	rddreg [dreg:$0x6];
	[sflag:s10] =	ssyncadd.s32 $0xFFFFF830  }
0x3f: {  	[tilespmem:s12], [sflag:$0x1] =	stream.linear.gather [hbm4b:s19+s18], $0x7D0, $0x38;
	[tilespmem:$0x18400] =	vst v63  }
0x40: {  	_ =	swait.ge [sflag:s10], $0x7D0  }
0x41: {  	[sflag:s10] =	ssyncset.done $0x0  }
0x42: {  	s16 =	simm.s32 $0x40;
	s17 =	simm.s32 $0x0;
	[sflag:s10] =	ssyncadd.s32 $0xFFFFF830  }
.LBB2_8:
0x43: {  	p0 =	sne.s32 s16, $0x1F00;
	v3 =	vld [tilespmem:s17+$0x14800];
	_ =	sdelay $0x1  }
0x44: {  	v4 =	vld [tilespmem:s17+$0x14000];
	_ =	sdelay $0x2  }
0x45: {  	v3 =	vmul.u32 $0x2710, v3;
	_ =	sdelay $0x1  }
0x46: {  	v3 =	vadd.s32 v4, v3  }
.Ltmp3:
0x47: {  	(pc) =	sbr.rel @p0 .LBB2_8-.Ltmp3, $2  }
0x48: {  	_ =	sdelay $0x2  }
0x49: {  	s17 =	sshra.s32 s16, $0x2;
	s16 =	sadd.s32 $0x40, s16;
	[tilespmem:v3+s1+$0x0] =	vst.idx.add.f32.msk $0xffff, v2  }
0x4a: {  	v3 =	vld [tilespmem:s17+$0x14800];
	_ =	sdelay $0x1  }
0x4b: {  	v4 =	vld [tilespmem:s17+$0x14000];
	_ =	sdelay $0x2  }
0x4c: {  	v3 =	vmul.u32 $0x2710, v3;
	_ =	sdelay $0x1  }
0x4d: {  	v3 =	vadd.s32 v4, v3;
	_ =	sdelay $0x4  }
0x4e: {  	s16 =	simm.s32 $0x0;
	s18 =	rddreg [dreg:$0x7];
	[tilespmem:v3+s1+$0x0] =	vst.idx.add.f32.msk $0xffff, v2  }
0x4f: {  	[tilespmem:s11], [sflag:$0x1] =	stream.linear.gather [hbm4b:s18+s16], $0x7D0, $0x38;
	[tilespmem:$0x18400] =	vst v63  }
0x50: {  	_ =	swait.ge [sflag:s10], $0x7D0  }
0x51: {  	[sflag:s10] =	ssyncset.done $0x0  }
0x52: {  	s19 =	rddreg [dreg:$0x8];
	[sflag:s10] =	ssyncadd.s32 $0xFFFFF830  }
0x53: {  	[tilespmem:s12], [sflag:$0x1] =	stream.linear.gather [hbm4b:s19+s16], $0x7D0, $0x38;
	[tilespmem:$0x18400] =	vst v63  }
0x54: {  	_ =	swait.ge [sflag:s10], $0x7D0  }
0x55: {  	[sflag:s10] =	ssyncset.done $0x0  }
0x56: {  	s17 =	simm.s32 $0x0;
	s16 =	simm.s32 $0x40;
	[sflag:s10] =	ssyncadd.s32 $0xFFFFF830  }
.LBB2_10:
0x57: {  	p0 =	sne.s32 s16, $0x1F00;
	v3 =	vld [tilespmem:s17+$0x14800];
	_ =	sdelay $0x1  }
0x58: {  	v4 =	vld [tilespmem:s17+$0x14000];
	_ =	sdelay $0x2  }
0x59: {  	v3 =	vmul.u32 $0x2710, v3;
	_ =	sdelay $0x1  }
0x5a: {  	v3 =	vadd.s32 v4, v3  }
.Ltmp4:
0x5b: {  	(pc) =	sbr.rel @p0 .LBB2_10-.Ltmp4, $2  }
0x5c: {  	_ =	sdelay $0x2  }
0x5d: {  	s17 =	sshra.s32 s16, $0x2;
	s16 =	sadd.s32 $0x40, s16;
	[tilespmem:v3+s1+$0x0] =	vst.idx.add.f32.msk $0xffff, v2  }
0x5e: {  	v3 =	vld [tilespmem:s17+$0x14800];
	_ =	sdelay $0x1  }
0x5f: {  	v4 =	vld [tilespmem:s17+$0x14000];
	_ =	sdelay $0x2  }
0x60: {  	v3 =	vmul.u32 $0x2710, v3;
	_ =	sdelay $0x1  }
0x61: {  	v3 =	vadd.s32 v4, v3;
	_ =	sdelay $0x4  }
0x62: {  	s16 =	simm.s32 $0x0;
	s18 =	rddreg [dreg:$0x9];
	[tilespmem:v3+s1+$0x0] =	vst.idx.add.f32.msk $0xffff, v2  }
0x63: {  	[tilespmem:s11], [sflag:$0x1] =	stream.linear.gather [hbm4b:s18+s16], $0x7D0, $0x38;
	[tilespmem:$0x18400] =	vst v63  }
0x64: {  	_ =	swait.ge [sflag:s10], $0x7D0  }
0x65: {  	[sflag:s10] =	ssyncset.done $0x0  }
0x66: {  	s19 =	rddreg [dreg:$0xa];
	[sflag:s10] =	ssyncadd.s32 $0xFFFFF830  }
0x67: {  	[tilespmem:s12], [sflag:$0x1] =	stream.linear.gather [hbm4b:s19+s16], $0x7D0, $0x38;
	[tilespmem:$0x18400] =	vst v63  }
0x68: {  	_ =	swait.ge [sflag:s10], $0x7D0  }
0x69: {  	[sflag:s10] =	ssyncset.done $0x0  }
0x6a: {  	s17 =	simm.s32 $0x0;
	s16 =	simm.s32 $0x40;
	[sflag:s10] =	ssyncadd.s32 $0xFFFFF830  }
.LBB2_12:
0x6b: {  	p0 =	sne.s32 s16, $0x1F00;
	v3 =	vld [tilespmem:s17+$0x14800];
	_ =	sdelay $0x1  }
0x6c: {  	v4 =	vld [tilespmem:s17+$0x14000];
	_ =	sdelay $0x2  }
0x6d: {  	v3 =	vmul.u32 $0x2710, v3;
	_ =	sdelay $0x1  }
0x6e: {  	v3 =	vadd.s32 v4, v3  }
.Ltmp5:
0x6f: {  	(pc) =	sbr.rel @p0 .LBB2_12-.Ltmp5, $2  }
0x70: {  	_ =	sdelay $0x2  }
0x71: {  	s17 =	sshra.s32 s16, $0x2;
	s16 =	sadd.s32 $0x40, s16;
	[tilespmem:v3+s1+$0x0] =	vst.idx.add.f32.msk $0xffff, v2  }
0x72: {  	v3 =	vld [tilespmem:s17+$0x14800];
	_ =	sdelay $0x1  }
0x73: {  	v4 =	vld [tilespmem:s17+$0x14000];
	_ =	sdelay $0x2  }
0x74: {  	v3 =	vmul.u32 $0x2710, v3;
	_ =	sdelay $0x1  }
0x75: {  	v3 =	vadd.s32 v4, v3;
	_ =	sdelay $0x4  }
0x76: {  	s16 =	simm.s32 $0x0;
	s18 =	rddreg [dreg:$0xb];
	[tilespmem:v3+s1+$0x0] =	vst.idx.add.f32.msk $0xffff, v2  }
0x77: {  	[tilespmem:s11], [sflag:$0x1] =	stream.linear.gather [hbm4b:s18+s16], $0x7D0, $0x38;
	[tilespmem:$0x18400] =	vst v63  }
0x78: {  	_ =	swait.ge [sflag:s10], $0x7D0  }
0x79: {  	[sflag:s10] =	ssyncset.done $0x0  }
0x7a: {  	s19 =	rddreg [dreg:$0xc];
	[sflag:s10] =	ssyncadd.s32 $0xFFFFF830  }
0x7b: {  	[tilespmem:s12], [sflag:$0x1] =	stream.linear.gather [hbm4b:s19+s16], $0x7D0, $0x38;
	[tilespmem:$0x18400] =	vst v63  }
0x7c: {  	_ =	swait.ge [sflag:s10], $0x7D0  }
0x7d: {  	[sflag:s10] =	ssyncset.done $0x0  }
0x7e: {  	s17 =	simm.s32 $0x0;
	s16 =	simm.s32 $0x40;
	[sflag:s10] =	ssyncadd.s32 $0xFFFFF830  }
.LBB2_14:
0x7f: {  	p0 =	sne.s32 s16, $0x1F00;
	v3 =	vld [tilespmem:s17+$0x14800];
	_ =	sdelay $0x1  }
0x80: {  	v4 =	vld [tilespmem:s17+$0x14000];
	_ =	sdelay $0x2  }
0x81: {  	v3 =	vmul.u32 $0x2710, v3;
	_ =	sdelay $0x1  }
0x82: {  	v3 =	vadd.s32 v4, v3  }
.Ltmp6:
0x83: {  	(pc) =	sbr.rel @p0 .LBB2_14-.Ltmp6, $2  }
0x84: {  	_ =	sdelay $0x2  }
0x85: {  	s17 =	sshra.s32 s16, $0x2;
	s16 =	sadd.s32 $0x40, s16;
	[tilespmem:v3+s1+$0x0] =	vst.idx.add.f32.msk $0xffff, v2  }
0x86: {  	v3 =	vld [tilespmem:s17+$0x14800];
	_ =	sdelay $0x1  }
0x87: {  	v4 =	vld [tilespmem:s17+$0x14000];
	_ =	sdelay $0x2  }
0x88: {  	v3 =	vmul.u32 $0x2710, v3;
	_ =	sdelay $0x1  }
0x89: {  	v3 =	vadd.s32 v4, v3;
	_ =	sdelay $0x4  }
0x8a: {  	s16 =	simm.s32 $0x0;
	s18 =	rddreg [dreg:$0xd];
	[tilespmem:v3+s1+$0x0] =	vst.idx.add.f32.msk $0xffff, v2  }
0x8b: {  	[tilespmem:s11], [sflag:$0x1] =	stream.linear.gather [hbm4b:s18+s16], $0x7D0, $0x38;
	[tilespmem:$0x18400] =	vst v63  }
0x8c: {  	_ =	swait.ge [sflag:s10], $0x7D0  }
0x8d: {  	[sflag:s10] =	ssyncset.done $0x0  }
0x8e: {  	s19 =	rddreg [dreg:$0xe];
	[sflag:s10] =	ssyncadd.s32 $0xFFFFF830  }
0x8f: {  	[tilespmem:s12], [sflag:$0x1] =	stream.linear.gather [hbm4b:s19+s16], $0x7D0, $0x38;
	[tilespmem:$0x18400] =	vst v63  }
0x90: {  	_ =	swait.ge [sflag:s10], $0x7D0  }
0x91: {  	[sflag:s10] =	ssyncset.done $0x0  }
0x92: {  	s17 =	simm.s32 $0x0;
	s16 =	simm.s32 $0x40;
	[sflag:s10] =	ssyncadd.s32 $0xFFFFF830  }
.LBB2_16:
0x93: {  	p0 =	sne.s32 s16, $0x1F00;
	v3 =	vld [tilespmem:s17+$0x14800];
	_ =	sdelay $0x1  }
0x94: {  	v4 =	vld [tilespmem:s17+$0x14000];
	_ =	sdelay $0x2  }
0x95: {  	v3 =	vmul.u32 $0x2710, v3;
	_ =	sdelay $0x1  }
0x96: {  	v3 =	vadd.s32 v4, v3  }
.Ltmp7:
0x97: {  	(pc) =	sbr.rel @p0 .LBB2_16-.Ltmp7, $2  }
0x98: {  	_ =	sdelay $0x2  }
0x99: {  	s17 =	sshra.s32 s16, $0x2;
	s16 =	sadd.s32 $0x40, s16;
	[tilespmem:v3+s1+$0x0] =	vst.idx.add.f32.msk $0xffff, v2  }
0x9a: {  	v3 =	vld [tilespmem:s17+$0x14800];
	_ =	sdelay $0x1  }
0x9b: {  	v4 =	vld [tilespmem:s17+$0x14000];
	_ =	sdelay $0x2  }
0x9c: {  	v3 =	vmul.u32 $0x2710, v3;
	_ =	sdelay $0x1  }
0x9d: {  	v3 =	vadd.s32 v4, v3;
	_ =	sdelay $0x4  }
0x9e: {  	s16 =	simm.s32 $0x0;
	s18 =	rddreg [dreg:$0xf];
	[tilespmem:v3+s1+$0x0] =	vst.idx.add.f32.msk $0xffff, v2  }
0x9f: {  	[tilespmem:s11], [sflag:$0x1] =	stream.linear.gather [hbm4b:s18+s16], $0x7D0, $0x38;
	[tilespmem:$0x18400] =	vst v63  }
0xa0: {  	_ =	swait.ge [sflag:s10], $0x7D0  }
0xa1: {  	[sflag:s10] =	ssyncset.done $0x0  }
0xa2: {  	s19 =	rddreg [dreg:$0x10];
	[sflag:s10] =	ssyncadd.s32 $0xFFFFF830  }
0xa3: {  	[tilespmem:s12], [sflag:$0x1] =	stream.linear.gather [hbm4b:s19+s16], $0x7D0, $0x38;
	[tilespmem:$0x18400] =	vst v63  }
0xa4: {  	_ =	swait.ge [sflag:s10], $0x7D0  }
0xa5: {  	[sflag:s10] =	ssyncset.done $0x0  }
0xa6: {  	s17 =	simm.s32 $0x0;
	s16 =	simm.s32 $0x40;
	[sflag:s10] =	ssyncadd.s32 $0xFFFFF830  }
.LBB2_18:
0xa7: {  	p0 =	sne.s32 s16, $0x1F00;
	v3 =	vld [tilespmem:s17+$0x14800];
	_ =	sdelay $0x1  }
0xa8: {  	v4 =	vld [tilespmem:s17+$0x14000];
	_ =	sdelay $0x2  }
0xa9: {  	v3 =	vmul.u32 $0x2710, v3;
	_ =	sdelay $0x1  }
0xaa: {  	v3 =	vadd.s32 v4, v3  }
.Ltmp8:
0xab: {  	(pc) =	sbr.rel @p0 .LBB2_18-.Ltmp8, $2  }
0xac: {  	_ =	sdelay $0x2  }
0xad: {  	s17 =	sshra.s32 s16, $0x2;
	s16 =	sadd.s32 $0x40, s16;
	[tilespmem:v3+s1+$0x0] =	vst.idx.add.f32.msk $0xffff, v2  }
0xae: {  	v3 =	vld [tilespmem:s17+$0x14800];
	_ =	sdelay $0x1  }
0xaf: {  	v4 =	vld [tilespmem:s17+$0x14000];
	_ =	sdelay $0x2  }
0xb0: {  	v3 =	vmul.u32 $0x2710, v3;
	_ =	sdelay $0x1  }
0xb1: {  	v3 =	vadd.s32 v4, v3;
	_ =	sdelay $0x4  }
0xb2: {  	s16 =	simm.s32 $0x0;
	s18 =	rddreg [dreg:$0x11];
	[tilespmem:v3+s1+$0x0] =	vst.idx.add.f32.msk $0xffff, v2  }
0xb3: {  	[tilespmem:s11], [sflag:$0x1] =	stream.linear.gather [hbm4b:s18+s16], $0x7D0, $0x38;
	[tilespmem:$0x18400] =	vst v63  }
0xb4: {  	_ =	swait.ge [sflag:s10], $0x7D0  }
0xb5: {  	[sflag:s10] =	ssyncset.done $0x0  }
0xb6: {  	s19 =	rddreg [dreg:$0x12];
	[sflag:s10] =	ssyncadd.s32 $0xFFFFF830  }
0xb7: {  	[tilespmem:s12], [sflag:$0x1] =	stream.linear.gather [hbm4b:s19+s16], $0x7D0, $0x38;
	[tilespmem:$0x18400] =	vst v63  }
0xb8: {  	_ =	swait.ge [sflag:s10], $0x7D0  }
0xb9: {  	[sflag:s10] =	ssyncset.done $0x0  }
0xba: {  	s17 =	simm.s32 $0x0;
	s16 =	simm.s32 $0x40;
	[sflag:s10] =	ssyncadd.s32 $0xFFFFF830  }
.LBB2_20:
0xbb: {  	p0 =	sne.s32 s16, $0x1F00;
	v3 =	vld [tilespmem:s17+$0x14800];
	_ =	sdelay $0x1  }
0xbc: {  	v4 =	vld [tilespmem:s17+$0x14000];
	_ =	sdelay $0x2  }
0xbd: {  	v3 =	vmul.u32 $0x2710, v3;
	_ =	sdelay $0x1  }
0xbe: {  	v3 =	vadd.s32 v4, v3  }
.Ltmp9:
0xbf: {  	(pc) =	sbr.rel @p0 .LBB2_20-.Ltmp9, $2  }
0xc0: {  	_ =	sdelay $0x2  }
0xc1: {  	s17 =	sshra.s32 s16, $0x2;
	s16 =	sadd.s32 $0x40, s16;
	[tilespmem:v3+s1+$0x0] =	vst.idx.add.f32.msk $0xffff, v2  }
0xc2: {  	v3 =	vld [tilespmem:s17+$0x14800];
	_ =	sdelay $0x1  }
0xc3: {  	v4 =	vld [tilespmem:s17+$0x14000];
	_ =	sdelay $0x2  }
0xc4: {  	v3 =	vmul.u32 $0x2710, v3;
	_ =	sdelay $0x1  }
0xc5: {  	v3 =	vadd.s32 v4, v3;
	_ =	sdelay $0x4  }
0xc6: {  	s16 =	simm.s32 $0x0;
	s18 =	rddreg [dreg:$0x13];
	[tilespmem:v3+s1+$0x0] =	vst.idx.add.f32.msk $0xffff, v2  }
0xc7: {  	[tilespmem:s11], [sflag:$0x1] =	stream.linear.gather [hbm4b:s18+s16], $0x7D0, $0x38;
	[tilespmem:$0x18400] =	vst v63  }
0xc8: {  	_ =	swait.ge [sflag:s10], $0x7D0  }
0xc9: {  	[sflag:s10] =	ssyncset.done $0x0  }
0xca: {  	s19 =	rddreg [dreg:$0x14];
	[sflag:s10] =	ssyncadd.s32 $0xFFFFF830  }
0xcb: {  	[tilespmem:s12], [sflag:$0x1] =	stream.linear.gather [hbm4b:s19+s16], $0x7D0, $0x38;
	[tilespmem:$0x18400] =	vst v63  }
0xcc: {  	_ =	swait.ge [sflag:s10], $0x7D0  }
0xcd: {  	[sflag:s10] =	ssyncset.done $0x0  }
0xce: {  	s17 =	simm.s32 $0x0;
	s16 =	simm.s32 $0x40;
	[sflag:s10] =	ssyncadd.s32 $0xFFFFF830  }
.LBB2_22:
0xcf: {  	p0 =	sne.s32 s16, $0x1F00;
	v3 =	vld [tilespmem:s17+$0x14800];
	_ =	sdelay $0x1  }
0xd0: {  	v4 =	vld [tilespmem:s17+$0x14000];
	_ =	sdelay $0x2  }
0xd1: {  	v3 =	vmul.u32 $0x2710, v3;
	_ =	sdelay $0x1  }
0xd2: {  	v3 =	vadd.s32 v4, v3  }
.Ltmp10:
0xd3: {  	(pc) =	sbr.rel @p0 .LBB2_22-.Ltmp10, $2  }
0xd4: {  	_ =	sdelay $0x2  }
0xd5: {  	s17 =	sshra.s32 s16, $0x2;
	s16 =	sadd.s32 $0x40, s16;
	[tilespmem:v3+s1+$0x0] =	vst.idx.add.f32.msk $0xffff, v2  }
0xd6: {  	v3 =	vld [tilespmem:s17+$0x14800];
	_ =	sdelay $0x1  }
0xd7: {  	v4 =	vld [tilespmem:s17+$0x14000];
	_ =	sdelay $0x2  }
0xd8: {  	v3 =	vmul.u32 $0x2710, v3;
	_ =	sdelay $0x1  }
0xd9: {  	v3 =	vadd.s32 v4, v3;
	_ =	sdelay $0x4  }
0xda: {  	s16 =	simm.s32 $0x0;
	s18 =	rddreg [dreg:$0x15];
	[tilespmem:v3+s1+$0x0] =	vst.idx.add.f32.msk $0xffff, v2  }
0xdb: {  	[tilespmem:s11], [sflag:$0x1] =	stream.linear.gather [hbm4b:s18+s16], $0x7D0, $0x38;
	[tilespmem:$0x18400] =	vst v63  }
0xdc: {  	_ =	swait.ge [sflag:s10], $0x7D0  }
0xdd: {  	[sflag:s10] =	ssyncset.done $0x0  }
0xde: {  	s19 =	rddreg [dreg:$0x16];
	[sflag:s10] =	ssyncadd.s32 $0xFFFFF830  }
0xdf: {  	[tilespmem:s12], [sflag:$0x1] =	stream.linear.gather [hbm4b:s19+s16], $0x7D0, $0x38;
	[tilespmem:$0x18400] =	vst v63  }
0xe0: {  	_ =	swait.ge [sflag:s10], $0x7D0  }
0xe1: {  	[sflag:s10] =	ssyncset.done $0x0  }
0xe2: {  	s17 =	simm.s32 $0x0;
	s16 =	simm.s32 $0x40;
	[sflag:s10] =	ssyncadd.s32 $0xFFFFF830  }
.LBB2_24:
0xe3: {  	p0 =	sne.s32 s16, $0x1F00;
	v3 =	vld [tilespmem:s17+$0x14800];
	_ =	sdelay $0x1  }
0xe4: {  	v4 =	vld [tilespmem:s17+$0x14000];
	_ =	sdelay $0x2  }
0xe5: {  	v3 =	vmul.u32 $0x2710, v3;
	_ =	sdelay $0x1  }
0xe6: {  	v3 =	vadd.s32 v4, v3  }
.Ltmp11:
0xe7: {  	(pc) =	sbr.rel @p0 .LBB2_24-.Ltmp11, $2  }
0xe8: {  	_ =	sdelay $0x2  }
0xe9: {  	s17 =	sshra.s32 s16, $0x2;
	s16 =	sadd.s32 $0x40, s16;
	[tilespmem:v3+s1+$0x0] =	vst.idx.add.f32.msk $0xffff, v2  }
0xea: {  	v3 =	vld [tilespmem:s17+$0x14800];
	_ =	sdelay $0x1  }
0xeb: {  	v4 =	vld [tilespmem:s17+$0x14000];
	_ =	sdelay $0x2  }
0xec: {  	v3 =	vmul.u32 $0x2710, v3;
	_ =	sdelay $0x1  }
0xed: {  	v3 =	vadd.s32 v4, v3;
	_ =	sdelay $0x4  }
0xee: {  	s16 =	simm.s32 $0x0;
	[tilespmem:v3+s1+$0x0] =	vst.idx.add.f32.msk $0xffff, v2  }
0xef: {  	[tilespmem:s11], [sflag:$0x1] =	stream.linear.gather [hbm4b:s20+s16], $0x7D0, $0x38;
	[tilespmem:$0x18400] =	vst v63  }
0xf0: {  	_ =	swait.ge [sflag:s10], $0x7D0  }
0xf1: {  	[sflag:s10] =	ssyncset.done $0x0  }
0xf2: {  	[sflag:s10] =	ssyncadd.s32 $0xFFFFF830  }
0xf3: {  	[tilespmem:s12], [sflag:$0x1] =	stream.linear.gather [hbm4b:s21+s16], $0x7D0, $0x38;
	[tilespmem:$0x18400] =	vst v63  }
0xf4: {  	_ =	swait.ge [sflag:s10], $0x7D0  }
0xf5: {  	[sflag:s10] =	ssyncset.done $0x0  }
0xf6: {  	s17 =	simm.s32 $0x0;
	s16 =	simm.s32 $0x40;
	[sflag:s10] =	ssyncadd.s32 $0xFFFFF830  }
.LBB2_26:
0xf7: {  	p0 =	sne.s32 s16, $0x1F00;
	v3 =	vld [tilespmem:s17+$0x14800];
	_ =	sdelay $0x1  }
0xf8: {  	v4 =	vld [tilespmem:s17+$0x14000];
	_ =	sdelay $0x2  }
0xf9: {  	v3 =	vmul.u32 $0x2710, v3;
	_ =	sdelay $0x1  }
0xfa: {  	v3 =	vadd.s32 v4, v3  }
.Ltmp12:
0xfb: {  	(pc) =	sbr.rel @p0 .LBB2_26-.Ltmp12, $2  }
0xfc: {  	_ =	sdelay $0x2  }
0xfd: {  	s17 =	sshra.s32 s16, $0x2;
	s16 =	sadd.s32 $0x40, s16;
	[tilespmem:v3+s1+$0x0] =	vst.idx.add.f32.msk $0xffff, v2  }
0xfe: {  	v3 =	vld [tilespmem:s17+$0x14800];
	_ =	sdelay $0x1  }
0xff: {  	v4 =	vld [tilespmem:s17+$0x14000];
	_ =	sdelay $0x2  }
0x100: {  	v3 =	vmul.u32 $0x2710, v3;
	_ =	sdelay $0x1  }
0x101: {  	v3 =	vadd.s32 v4, v3;
	_ =	sdelay $0x4  }
0x102: {  	s16 =	simm.s32 $0x0;
	s18 =	simm.s32 $0x16C00;
	[tilespmem:v3+s1+$0x0] =	vst.idx.add.f32.msk $0xffff, v2  }
0x103: {  	[spmem:s4] =	stream.indirect.scatter.add.f32 [tilespmem:s16], [sflag:$0x1], $0x80, s18, s13, $0xb8;
	[tilespmem:$0x18400] =	vst v63  }
0x104: {  	_ =	swait.ge [sflag:s10], $0x4000  }
0x105: {  	[sflag:s10] =	ssyncset.done $0x0  }
0x106: {  	s19 =	simm.s32 $0x16C80;
	s18 =	simm.s32 $0x4000;
	[sflag:s10] =	ssyncadd.s32 $0xFFFFC000  }
0x107: {  	[spmem:s4] =	stream.indirect.scatter.add.f32 [tilespmem:s18], [sflag:$0x1], $0x80, s19, s13, $0xb8;
	[tilespmem:$0x18400] =	vst v63  }
0x108: {  	_ =	swait.ge [sflag:s10], $0x4000  }
0x109: {  	[sflag:s10] =	ssyncset.done $0x0  }
0x10a: {  	s18 =	simm.s32 $0x16D00;
	s19 =	simm.s32 $0x8000;
	[sflag:s10] =	ssyncadd.s32 $0xFFFFC000  }
0x10b: {  	[spmem:s4] =	stream.indirect.scatter.add.f32 [tilespmem:s19], [sflag:$0x1], $0x80, s18, s13, $0xb8;
	[tilespmem:$0x18400] =	vst v63  }
0x10c: {  	_ =	swait.ge [sflag:s10], $0x4000  }
0x10d: {  	[sflag:s10] =	ssyncset.done $0x0  }
0x10e: {  	s18 =	simm.s32 $0x16D80;
	s19 =	simm.s32 $0xC000;
	[sflag:s10] =	ssyncadd.s32 $0xFFFFC000  }
0x10f: {  	[spmem:s4] =	stream.indirect.scatter.add.f32 [tilespmem:s19], [sflag:$0x1], $0x80, s18, s13, $0xb8;
	[tilespmem:$0x18400] =	vst v63  }
0x110: {  	_ =	swait.ge [sflag:s10], $0x4000  }
0x111: {  	[sflag:s10] =	ssyncset.done $0x0  }
0x112: {  	s18 =	simm.s32 $0x16E00;
	s19 =	simm.s32 $0x10000;
	[sflag:s10] =	ssyncadd.s32 $0xFFFFC000  }
0x113: {  	[spmem:s4] =	stream.indirect.scatter.add.f32 [tilespmem:s19], [sflag:$0x1], $0x80, s18, s13, $0xb8;
	[tilespmem:$0x18400] =	vst v63  }
0x114: {  	_ =	swait.ge [sflag:s10], $0x4000  }
0x115: {  	[sflag:s10] =	ssyncset.done $0x0  }
0x116: {  	[sflag:s10] =	ssyncadd.s32 $0xFFFFC000  }
0x117: {  	[bflag:$0x0] =	sbarrier.arrive $0xFFFF  }
0x118: {  	[tilespmem:s16], [sflag:$0x1] =	stream.linear.gather [spmem:s4], $0x14000, $0x38;
	[tilespmem:$0x18400] =	vst v63  }
0x119: {  	_ =	swait.ge [sflag:s10], $0x14000  }
0x11a: {  	[sflag:s10] =	ssyncset.done $0x0  }
0x11b: {  	s17 =	simm.s32 $0x10;
	s16 =	sand.u32 $0x1FFF0, s16;
	[sflag:s10] =	ssyncadd.s32 $0xFFFEC000  }
.LBB2_28:
0x11c: {  	p0 =	sne.s32 s17, $0x13FF0;
	v3 =	vld [tilespmem:s16+$0x0];
	_ =	sdelay $0x4  }
0x11d: {  	v3 =	vmax.f32 v3, $1.000000000e+00  }
0x11e: {  	(erf) = vrcp.f32 v3;
	_ =	sdelay $0x5  }
.Ltmp13:
0x11f: {  	(pc) =	sbr.rel @p0 .LBB2_28-.Ltmp13, $3  }
0x120: {  	_ =	sdelay $0x1  }
0x121: {  	v3 =	vpop (erf)  }
0x122: {  	[tilespmem:s16+$0x0] =	vst v3;
	s16 =	sand.u32 $0x1FFF0, s17;
	s17 =	sadd.s32 $0x10, s17  }
0x123: {  	v3 =	vld [tilespmem:s16+$0x0];
	_ =	sdelay $0x4  }
0x124: {  	v3 =	vmax.f32 v3, $1.000000000e+00  }
0x125: {  	(erf) = vrcp.f32 v3;
	_ =	sdelay $0x8  }
0x126: {  	v3 =	vpop (erf)  }
0x127: {  	s19 =	simm.s32 $0x0;
	[tilespmem:s16+$0x0] =	vst v3  }
0x128: {  	[tilespmem:s11], [sflag:$0x1] =	stream.linear.gather [hbm4b:s0+s19], $0x7D0, $0x38;
	[tilespmem:$0x18400] =	vst v63  }
0x129: {  	_ =	swait.ge [sflag:s10], $0x7D0  }
0x12a: {  	[sflag:s10] =	ssyncset.done $0x0  }
0x12b: {  	[sflag:s10] =	ssyncadd.s32 $0xFFFFF830  }
0x12c: {  	[tilespmem:s12], [sflag:$0x1] =	stream.linear.gather [hbm4b:s2+s19], $0x7D0, $0x38;
	[tilespmem:$0x18400] =	vst v63  }
0x12d: {  	_ =	swait.ge [sflag:s10], $0x7D0  }
0x12e: {  	[sflag:s10] =	ssyncset.done $0x0  }
0x12f: {  	s16 =	simm.s32 $0x0;
	[sflag:s10] =	ssyncadd.s32 $0xFFFFF830  }
0x130: {  	v3 =	vld [tilespmem:s16+$0x14800];
	_ =	sdelay $0x1  }
0x131: {  	v4 =	vld [tilespmem:s16+$0x14000];
	_ =	sdelay $0x2  }
0x132: {  	s17 =	simm.s32 $0x10;
	v3 =	vmul.u32 $0x2710, v3  }
0x133: {  	v5 =	vld [tilespmem:s17+$0x14800]  }
0x134: {  	v4 =	vadd.s32 v4, v3  }
0x135: {  	v3 =	vld [tilespmem:s17+$0x14000];
	_ =	sdelay $0x2  }
0x136: {  	v5 =	vmul.u32 $0x2710, v5  }
0x137: {  	s18 =	simm.s32 $0x20;
	s19 =	simm.s32 $0xC0;
	v4 =	vld.idx.msk [tilespmem:v4+s1+$0x0], $0xffff  }
.LBB2_30:
0x138: {  	p0 =	sne.s32 s19, $0x1F00;
	v6 =	vld [tilespmem:s18+$0x14800];
	v7 =	vadd.s32 v3, v5;
	_ =	sdelay $0x1  }
.Ltmp14:
0x139: {  	v3 =	vld [tilespmem:s18+$0x14000];
	(pc) =	sbr.rel @p0 .LBB2_30-.Ltmp14, $4  }
0x13a: {  	_ = 	snop  }
0x13b: {  	[tilespmem:s16+$0x15000] =	vst v4;
	s16 =	smov.u32 s17;
	s17 =	smov.u32 s18  }
0x13c: {  	v5 =	vmul.u32 $0x2710, v6;
	v4 =	vld.idx.msk [tilespmem:v7+s1+$0x0], $0xffff  }
0x13d: {  	s18 =	sshra.s32 s19, $0x2;
	s19 =	sadd.s32 $0x40, s19  }
0x13e: {  	v6 =	vld [tilespmem:s18+$0x14800]  }
0x13f: {  	v3 =	vadd.s32 v3, v5  }
0x140: {  	v5 =	vld [tilespmem:s18+$0x14000];
	_ =	sdelay $0x2  }
0x141: {  	[tilespmem:s16+$0x15000] =	vst v4;
	v4 =	vmul.u32 $0x2710, v6  }
0x142: {  	v3 =	vld.idx.msk [tilespmem:v3+s1+$0x0], $0xffff  }
0x143: {  	v4 =	vadd.s32 v5, v4;
	_ =	sdelay $0x3  }
0x144: {  	[tilespmem:s17+$0x15000] =	vst v3  }
0x145: {  	v3 =	vld.idx.msk [tilespmem:v4+s1+$0x0], $0xffff;
	_ =	sdelay $0x4  }
0x146: {  	s19 =	simm.s32 $0x0;
	[tilespmem:s18+$0x15000] =	vst v3  }
0x147: {  	[hbm4b:s3+s19] =	stream.linear.scatter [tilespmem:s14], [sflag:$0x1], $0x7D0, $0x38;
	[tilespmem:$0x18400] =	vst v63  }
0x148: {  	_ =	swait.ge [sflag:s10], $0x7D0  }
0x149: {  	[sflag:s10] =	ssyncset.done $0x0  }
0x14a: {  	[sflag:s10] =	ssyncadd.s32 $0xFFFFF830  }
0x14b: {  	[tilespmem:s11], [sflag:$0x1] =	stream.linear.gather [hbm4b:s22+s19], $0x7D0, $0x38;
	[tilespmem:$0x18400] =	vst v63  }
0x14c: {  	_ =	swait.ge [sflag:s10], $0x7D0  }
0x14d: {  	[sflag:s10] =	ssyncset.done $0x0  }
0x14e: {  	[sflag:s10] =	ssyncadd.s32 $0xFFFFF830  }
0x14f: {  	[tilespmem:s12], [sflag:$0x1] =	stream.linear.gather [hbm4b:s23+s19], $0x7D0, $0x38;
	[tilespmem:$0x18400] =	vst v63  }
0x150: {  	_ =	swait.ge [sflag:s10], $0x7D0  }
0x151: {  	[sflag:s10] =	ssyncset.done $0x0  }
0x152: {  	s16 =	simm.s32 $0x0;
	[sflag:s10] =	ssyncadd.s32 $0xFFFFF830  }
0x153: {  	v3 =	vld [tilespmem:s16+$0x14800];
	_ =	sdelay $0x1  }
0x154: {  	v4 =	vld [tilespmem:s16+$0x14000];
	_ =	sdelay $0x2  }
0x155: {  	s17 =	simm.s32 $0x10;
	v3 =	vmul.u32 $0x2710, v3  }
0x156: {  	v5 =	vld [tilespmem:s17+$0x14800]  }
0x157: {  	v4 =	vadd.s32 v4, v3  }
0x158: {  	v3 =	vld [tilespmem:s17+$0x14000];
	_ =	sdelay $0x2  }
0x159: {  	v5 =	vmul.u32 $0x2710, v5  }
0x15a: {  	s18 =	simm.s32 $0x20;
	s19 =	simm.s32 $0xC0;
	v4 =	vld.idx.msk [tilespmem:v4+s1+$0x0], $0xffff  }
.LBB2_32:
0x15b: {  	p0 =	sne.s32 s19, $0x1F00;
	v6 =	vld [tilespmem:s18+$0x14800];
	v7 =	vadd.s32 v3, v5;
	_ =	sdelay $0x1  }
.Ltmp15:
0x15c: {  	v3 =	vld [tilespmem:s18+$0x14000];
	(pc) =	sbr.rel @p0 .LBB2_32-.Ltmp15, $4  }
0x15d: {  	_ = 	snop  }
0x15e: {  	[tilespmem:s16+$0x15000] =	vst v4;
	s16 =	smov.u32 s17;
	s17 =	smov.u32 s18  }
0x15f: {  	v5 =	vmul.u32 $0x2710, v6;
	v4 =	vld.idx.msk [tilespmem:v7+s1+$0x0], $0xffff  }
0x160: {  	s18 =	sshra.s32 s19, $0x2;
	s19 =	sadd.s32 $0x40, s19  }
0x161: {  	v6 =	vld [tilespmem:s18+$0x14800]  }
0x162: {  	v3 =	vadd.s32 v3, v5  }
0x163: {  	v5 =	vld [tilespmem:s18+$0x14000];
	_ =	sdelay $0x2  }
0x164: {  	[tilespmem:s16+$0x15000] =	vst v4;
	v4 =	vmul.u32 $0x2710, v6  }
0x165: {  	v3 =	vld.idx.msk [tilespmem:v3+s1+$0x0], $0xffff  }
0x166: {  	v4 =	vadd.s32 v5, v4;
	_ =	sdelay $0x3  }
0x167: {  	[tilespmem:s17+$0x15000] =	vst v3  }
0x168: {  	v3 =	vld.idx.msk [tilespmem:v4+s1+$0x0], $0xffff;
	_ =	sdelay $0x4  }
0x169: {  	s19 =	simm.s32 $0x0;
	[tilespmem:s18+$0x15000] =	vst v3  }
0x16a: {  	[hbm4b:s24+s19] =	stream.linear.scatter [tilespmem:s14], [sflag:$0x1], $0x7D0, $0x38;
	[tilespmem:$0x18400] =	vst v63  }
0x16b: {  	_ =	swait.ge [sflag:s10], $0x7D0  }
0x16c: {  	[sflag:s10] =	ssyncset.done $0x0  }
0x16d: {  	[sflag:s10] =	ssyncadd.s32 $0xFFFFF830  }
0x16e: {  	[tilespmem:s11], [sflag:$0x1] =	stream.linear.gather [hbm4b:s25+s19], $0x7D0, $0x38;
	[tilespmem:$0x18400] =	vst v63  }
0x16f: {  	_ =	swait.ge [sflag:s10], $0x7D0  }
0x170: {  	[sflag:s10] =	ssyncset.done $0x0  }
0x171: {  	[sflag:s10] =	ssyncadd.s32 $0xFFFFF830  }
0x172: {  	[tilespmem:s12], [sflag:$0x1] =	stream.linear.gather [hbm4b:s26+s19], $0x7D0, $0x38;
	[tilespmem:$0x18400] =	vst v63  }
0x173: {  	_ =	swait.ge [sflag:s10], $0x7D0  }
0x174: {  	[sflag:s10] =	ssyncset.done $0x0  }
0x175: {  	s16 =	simm.s32 $0x0;
	[sflag:s10] =	ssyncadd.s32 $0xFFFFF830  }
0x176: {  	v3 =	vld [tilespmem:s16+$0x14800];
	_ =	sdelay $0x1  }
0x177: {  	v4 =	vld [tilespmem:s16+$0x14000];
	_ =	sdelay $0x2  }
0x178: {  	s17 =	simm.s32 $0x10;
	v3 =	vmul.u32 $0x2710, v3  }
0x179: {  	v5 =	vld [tilespmem:s17+$0x14800]  }
0x17a: {  	v4 =	vadd.s32 v4, v3  }
0x17b: {  	v3 =	vld [tilespmem:s17+$0x14000];
	_ =	sdelay $0x2  }
0x17c: {  	v5 =	vmul.u32 $0x2710, v5  }
0x17d: {  	s18 =	simm.s32 $0x20;
	s19 =	simm.s32 $0xC0;
	v4 =	vld.idx.msk [tilespmem:v4+s1+$0x0], $0xffff  }
.LBB2_34:
0x17e: {  	p0 =	sne.s32 s19, $0x1F00;
	v6 =	vld [tilespmem:s18+$0x14800];
	v7 =	vadd.s32 v3, v5;
	_ =	sdelay $0x1  }
.Ltmp16:
0x17f: {  	v3 =	vld [tilespmem:s18+$0x14000];
	(pc) =	sbr.rel @p0 .LBB2_34-.Ltmp16, $4  }
0x180: {  	_ = 	snop  }
0x181: {  	[tilespmem:s16+$0x15000] =	vst v4;
	s16 =	smov.u32 s17;
	s17 =	smov.u32 s18  }
0x182: {  	v5 =	vmul.u32 $0x2710, v6;
	v4 =	vld.idx.msk [tilespmem:v7+s1+$0x0], $0xffff  }
0x183: {  	s18 =	sshra.s32 s19, $0x2;
	s19 =	sadd.s32 $0x40, s19  }
0x184: {  	v6 =	vld [tilespmem:s18+$0x14800]  }
0x185: {  	v3 =	vadd.s32 v3, v5  }
0x186: {  	v5 =	vld [tilespmem:s18+$0x14000];
	_ =	sdelay $0x2  }
0x187: {  	[tilespmem:s16+$0x15000] =	vst v4;
	v4 =	vmul.u32 $0x2710, v6  }
0x188: {  	v3 =	vld.idx.msk [tilespmem:v3+s1+$0x0], $0xffff  }
0x189: {  	v4 =	vadd.s32 v5, v4;
	_ =	sdelay $0x3  }
0x18a: {  	[tilespmem:s17+$0x15000] =	vst v3  }
0x18b: {  	v3 =	vld.idx.msk [tilespmem:v4+s1+$0x0], $0xffff;
	_ =	sdelay $0x4  }
0x18c: {  	s19 =	simm.s32 $0x0;
	[tilespmem:s18+$0x15000] =	vst v3  }
0x18d: {  	[hbm4b:s28+s19] =	stream.linear.scatter [tilespmem:s14], [sflag:$0x1], $0x7D0, $0x38;
	[tilespmem:$0x18400] =	vst v63  }
0x18e: {  	_ =	swait.ge [sflag:s10], $0x7D0  }
0x18f: {  	[sflag:s10] =	ssyncset.done $0x0  }
0x190: {  	[sflag:s10] =	ssyncadd.s32 $0xFFFFF830  }
0x191: {  	[tilespmem:s11], [sflag:$0x1] =	stream.linear.gather [hbm4b:s29+s19], $0x7D0, $0x38;
	[tilespmem:$0x18400] =	vst v63  }
0x192: {  	_ =	swait.ge [sflag:s10], $0x7D0  }
0x193: {  	[sflag:s10] =	ssyncset.done $0x0  }
0x194: {  	[sflag:s10] =	ssyncadd.s32 $0xFFFFF830  }
0x195: {  	[tilespmem:s12], [sflag:$0x1] =	stream.linear.gather [hbm4b:s30+s19], $0x7D0, $0x38;
	[tilespmem:$0x18400] =	vst v63  }
0x196: {  	_ =	swait.ge [sflag:s10], $0x7D0  }
0x197: {  	[sflag:s10] =	ssyncset.done $0x0  }
0x198: {  	s16 =	simm.s32 $0x0;
	[sflag:s10] =	ssyncadd.s32 $0xFFFFF830  }
0x199: {  	v3 =	vld [tilespmem:s16+$0x14800];
	_ =	sdelay $0x1  }
0x19a: {  	v4 =	vld [tilespmem:s16+$0x14000];
	_ =	sdelay $0x2  }
0x19b: {  	s17 =	simm.s32 $0x10;
	v3 =	vmul.u32 $0x2710, v3  }
0x19c: {  	v5 =	vld [tilespmem:s17+$0x14800]  }
0x19d: {  	v4 =	vadd.s32 v4, v3  }
0x19e: {  	v3 =	vld [tilespmem:s17+$0x14000];
	_ =	sdelay $0x2  }
0x19f: {  	v5 =	vmul.u32 $0x2710, v5  }
0x1a0: {  	s18 =	simm.s32 $0x20;
	s19 =	simm.s32 $0xC0;
	v4 =	vld.idx.msk [tilespmem:v4+s1+$0x0], $0xffff  }
.LBB2_36:
0x1a1: {  	p0 =	sne.s32 s19, $0x1F00;
	v6 =	vld [tilespmem:s18+$0x14800];
	v7 =	vadd.s32 v3, v5;
	_ =	sdelay $0x1  }
.Ltmp17:
0x1a2: {  	v3 =	vld [tilespmem:s18+$0x14000];
	(pc) =	sbr.rel @p0 .LBB2_36-.Ltmp17, $4  }
0x1a3: {  	_ = 	snop  }
0x1a4: {  	[tilespmem:s16+$0x15000] =	vst v4;
	s16 =	smov.u32 s17;
	s17 =	smov.u32 s18  }
0x1a5: {  	v5 =	vmul.u32 $0x2710, v6;
	v4 =	vld.idx.msk [tilespmem:v7+s1+$0x0], $0xffff  }
0x1a6: {  	s18 =	sshra.s32 s19, $0x2;
	s19 =	sadd.s32 $0x40, s19  }
0x1a7: {  	v6 =	vld [tilespmem:s18+$0x14800]  }
0x1a8: {  	v3 =	vadd.s32 v3, v5  }
0x1a9: {  	v5 =	vld [tilespmem:s18+$0x14000];
	_ =	sdelay $0x2  }
0x1aa: {  	[tilespmem:s16+$0x15000] =	vst v4;
	v4 =	vmul.u32 $0x2710, v6  }
0x1ab: {  	v3 =	vld.idx.msk [tilespmem:v3+s1+$0x0], $0xffff  }
0x1ac: {  	v4 =	vadd.s32 v5, v4;
	_ =	sdelay $0x3  }
0x1ad: {  	[tilespmem:s17+$0x15000] =	vst v3  }
0x1ae: {  	v3 =	vld.idx.msk [tilespmem:v4+s1+$0x0], $0xffff;
	_ =	sdelay $0x4  }
0x1af: {  	s19 =	simm.s32 $0x0;
	[tilespmem:s18+$0x15000] =	vst v3  }
0x1b0: {  	[hbm4b:s31+s19] =	stream.linear.scatter [tilespmem:s14], [sflag:$0x1], $0x7D0, $0x38;
	[tilespmem:$0x18400] =	vst v63  }
0x1b1: {  	_ =	swait.ge [sflag:s10], $0x7D0  }
0x1b2: {  	[sflag:s10] =	ssyncset.done $0x0  }
0x1b3: {  	[sflag:s10] =	ssyncadd.s32 $0xFFFFF830  }
0x1b4: {  	[tilespmem:s11], [sflag:$0x1] =	stream.linear.gather [hbm4b:s5+s19], $0x7D0, $0x38;
	[tilespmem:$0x18400] =	vst v63  }
0x1b5: {  	_ =	swait.ge [sflag:s10], $0x7D0  }
0x1b6: {  	[sflag:s10] =	ssyncset.done $0x0  }
0x1b7: {  	[sflag:s10] =	ssyncadd.s32 $0xFFFFF830  }
0x1b8: {  	[tilespmem:s12], [sflag:$0x1] =	stream.linear.gather [hbm4b:s6+s19], $0x7D0, $0x38;
	[tilespmem:$0x18400] =	vst v63  }
0x1b9: {  	_ =	swait.ge [sflag:s10], $0x7D0  }
0x1ba: {  	[sflag:s10] =	ssyncset.done $0x0  }
0x1bb: {  	s16 =	simm.s32 $0x0;
	[sflag:s10] =	ssyncadd.s32 $0xFFFFF830  }
0x1bc: {  	v3 =	vld [tilespmem:s16+$0x14800];
	_ =	sdelay $0x1  }
0x1bd: {  	v4 =	vld [tilespmem:s16+$0x14000];
	_ =	sdelay $0x2  }
0x1be: {  	s17 =	simm.s32 $0x10;
	v3 =	vmul.u32 $0x2710, v3  }
0x1bf: {  	v5 =	vld [tilespmem:s17+$0x14800]  }
0x1c0: {  	v4 =	vadd.s32 v4, v3  }
0x1c1: {  	v3 =	vld [tilespmem:s17+$0x14000];
	_ =	sdelay $0x2  }
0x1c2: {  	v5 =	vmul.u32 $0x2710, v5  }
0x1c3: {  	s18 =	simm.s32 $0x20;
	s19 =	simm.s32 $0xC0;
	v4 =	vld.idx.msk [tilespmem:v4+s1+$0x0], $0xffff  }
.LBB2_38:
0x1c4: {  	p0 =	sne.s32 s19, $0x1F00;
	v6 =	vld [tilespmem:s18+$0x14800];
	v7 =	vadd.s32 v3, v5;
	_ =	sdelay $0x1  }
.Ltmp18:
0x1c5: {  	v3 =	vld [tilespmem:s18+$0x14000];
	(pc) =	sbr.rel @p0 .LBB2_38-.Ltmp18, $4  }
0x1c6: {  	_ = 	snop  }
0x1c7: {  	[tilespmem:s16+$0x15000] =	vst v4;
	s16 =	smov.u32 s17;
	s17 =	smov.u32 s18  }
0x1c8: {  	v5 =	vmul.u32 $0x2710, v6;
	v4 =	vld.idx.msk [tilespmem:v7+s1+$0x0], $0xffff  }
0x1c9: {  	s18 =	sshra.s32 s19, $0x2;
	s19 =	sadd.s32 $0x40, s19  }
0x1ca: {  	v6 =	vld [tilespmem:s18+$0x14800]  }
0x1cb: {  	v3 =	vadd.s32 v3, v5  }
0x1cc: {  	v62 =	vld [tilespmem:s18+$0x14000];
	_ =	sdelay $0x2  }
0x1cd: {  	[tilespmem:s16+$0x15000] =	vst v4;
	v63 =	vmul.u32 $0x2710, v6  }
0x1ce: {  	v3 =	vld.idx.msk [tilespmem:v3+s1+$0x0], $0xffff  }
0x1cf: {  	v4 =	vadd.s32 v62, v63;
	_ =	sdelay $0x3  }
0x1d0: {  	[tilespmem:s17+$0x15000] =	vst v3  }
0x1d1: {  	v3 =	vld.idx.msk [tilespmem:v4+s1+$0x0], $0xffff;
	_ =	sdelay $0x2  }
0x1d2: {  	s15 =	sadd.s32 $0x1, s15  }
0x1d3: {  	p0 =	sne.s32 s15, s9  }
.Ltmp19:
0x1d4: {  	[tilespmem:s18+$0x15000] =	vst v3;
	(pc) =	sbr.rel @p0 .LBB2_1-.Ltmp19, $4  }
0x1d5: {  	[hbm4b:s7+s1] =	stream.linear.scatter [tilespmem:s14], [sflag:$0x1], $0x7D0, $0x38;
	[tilespmem:$0x18400] =	vst v63  }
0x1d6: {  	_ =	swait.ge [sflag:s10], $0x7D0  }
0x1d7: {  	[sflag:s10] =	ssyncset.done $0x0  }
0x1d8: {  	[sflag:s10] =	ssyncadd.s32 $0xFFFFF830  }
0x1d9: {  	_ =	sfence.sel $0x180000  }
0x1da: {  	[bflag:$0x0] =	sbarrier.arrive $0xFFFF  }
0x1db: {  	_ =	strace $0x90000047  }
0x1dc: {  	s0 =	stileid.u32;
	[bflag:$0x2] =	sbarrier.arrive $0xFFFF  }
0x1dd: {  	p0 =	sne.s32 s0, $0x0;
	s0 =	rddreg [dreg:$0x4]  }
0x1de: {  	s0 =	sadd.s32 @!p0 $0x100000, s0  }
0x1df: {  	[sflag:s0] =	ssyncadd.tile.s32 @!p0 $0x1;
	_ =	shalt  }
.Lfunc_end2:
_tile_overlayer_lowered:
.L_overlay_start_2:
0x1e0: {  	(tag) =	ssettag $0x2  }
0x1e1: {  	s0 =	rddreg [dreg:$0x0];
	s2 =	stileid.u32  }
0x1e2: {  	s1 =	rddreg [dreg:$0x1];
	p0 =	sne.s32 s2, $0x0  }
0x1e3: {  	s3 =	rddreg [dreg:$0x2];
	[bflag:$0x3] =	sbarrier.arrive $0xFFFF;
	s2 =	simm.s32 @!p0 $0x1C01  }
0x1e4: {  	[timem:s3], [sflag:s2] =	dma.local @!p0 [hbm:s0], s1  }
0x1e5: {  	s0 =	simm.s32 @!p0 $0x1  }
0x1e6: {  	_ =	swait.ge @!p0 [sflag:s0], s1  }
0x1e7: {  	s1 =	ssub.s32 @!p0 $0x0, s1;
	[sflag:s0] =	ssyncset.done @!p0 $0x0  }
0x1e8: {  	[sflag:s0] =	ssyncadd.s32 @!p0 s1  }
0x1e9: {  	[bflag:$0x3] =	sbarrier.arrive $0xFFFF  }
0x1ea: {  	_ =	shalt  }

// kernel: kernel.9.cloned.1.call-start
scs
__scs_entry_jumppad:
0x0: {  	(pc) =	sbr.rel $0x88, $3  }
0x1: {  	(tag) =	ssettag $0x0;
	lr =	simm.s32 $0x1  }
0x2: {  	[smem:$0x3F9C] =	sst lr;
	_ =	strace $0xD0000000  }
0x3: {  	_ = 	snop  }
0x4: {  	_ = 	snop  }
0x5: {  	_ = 	snop  }
0x6: {  	_ = 	snop  }
0x7: {  	_ = 	snop  }
__scs_overlays_trampoline_lowered:
0x8: {  	[smem:$0x3FAB] =	sst s0  }
0x9: {  	[smem:$0x3FAC] =	sst s1  }
0xa: {  	[smem:$0x3FAD] =	sst s2  }
0xb: {  	[smem:$0x3FAE] =	sst s3  }
0xc: {  	[smem:$0x3FAF] =	sst s4  }
0xd: {  	[smem:$0x3FB0] =	sst s5  }
0xe: {  	[smem:$0x3FB1] =	sst s6  }
0xf: {  	[smem:$0x3FB2] =	sst s7  }
0x10: {  	[smem:$0x3FB3] =	sst s8  }
0x11: {  	[smem:$0x3FB4] =	sst s9;
	s0 =	simm.s32 @!p0 $0x0  }
0x12: {  	s1 =	sld [smem:$0x3F9A];
	s0 =	simm.s32 @p0 $0x1  }
0x13: {  	[smem:$0x3FB5] =	sst s0;
	s0 =	simm.s32 @!p1 $0x0  }
0x14: {  	s2 =	sld [smem:$0x3F99];
	s0 =	simm.s32 @p1 $0x1  }
0x15: {  	[smem:$0x3FB6] =	sst s0;
	s0 =	simm.s32 @!p2 $0x0  }
0x16: {  	s3 =	sld [smem:$0x3FDB];
	s0 =	simm.s32 @p2 $0x1  }
0x17: {  	s4 =	simm.s32 $0x1BF5;
	[smem:$0x3FB8] =	sst s0  }
0x18: {  	s0 =	sld [smem:$0x3F9B];
	_ =	swait.ge [sflag:s4], $0x0  }
0x19: {  	s7 =	sld [smem:$0x3F9C]  }
0x1a: {  	s8 =	sadd.s32 $0xFFFFE003, lr  }
0x1b: {  	s9 =	sadd.s32 $0xFFFFFEF7, lr;
	s5 =	simm.s32 $0xFFFFFFFF;
	p2 =	slt.u32 s8, $0xFFFFF086  }
0x1c: {  	p1 =	slt.u32 s9, $0xF7A;
	s5 =	simm.s32 @!p2 $0x0  }
0x1d: {  	s5 =	simm.s32 @p1 $0x1;
	p0 =	seq.s32 s7, s2  }
0x1e: {  	s7 =	smul.u32 @!p0 $0xF7A, s2;
	p2 =	seq.s32 @!p0 s5, $0x0  }
0x1f: {  	s9 =	smul.u32 $0xF7A, s1;
	s8 =	simm.s32 @!p0 $0x1BF5;
	p2 =	por !p2, p0  }
0x20: {  	[sflag:s8] =	ssyncset.s32 @!p0 $0xFFFFF086;
	s6 =	sadd.s32 @!p0 s3, s7;
	s7 =	simm.s32 @!p0 $0x108  }
0x21: {  	s3 =	sadd.s32 s3, s9;
	s6 =	sadd.s32 @!p0 $0x88, s6;
	s7 =	simm.s32 @p2 $0x1082  }
0x22: {  	[simem:s7], [sflag:s8] =	dma.local @!p0 [hbm:s6], $0xF7A  }
0x23: {  	s9 =	sor.u32 $0xD0000000, s2;
	s6 =	simm.s32 $0x108;
	_ =	swait.ge @!p0 [sflag:s8], $0x0  }
0x24: {  	s3 =	sadd.s32 $0x88, s3;
	s6 =	simm.s32 @!p1 $0x1082;
	[sflag:s4] =	ssyncset.s32 $0xFFFFF086  }
0x25: {  	[simem:s6], [sflag:s4] =	dma.local [hbm:s3], $0xF7A  }
0x26: {  	[smem:$0x3F9C] =	sst s1;
	(tag) =	ssettag s2;
	_ =	strace s9  }
0x27: {  	s1 =	sld [smem:$0x3FAC]  }
0x28: {  	s2 =	sld [smem:$0x3FAD]  }
0x29: {  	s4 =	sld [smem:$0x3FAF]  }
0x2a: {  	p0 =	seq.s32 s5, $0x0;
	s5 =	sld [smem:$0x3FB0]  }
0x2b: {  	s6 =	sld [smem:$0x3FB1]  }
0x2c: {  	s7 =	sld [smem:$0x3FB2]  }
0x2d: {  	s3 =	simm.s32 $0x108;
	s8 =	sld [smem:$0x3FB3]  }
0x2e: {  	s3 =	simm.s32 @!p0 $0x1082;
	s9 =	sld [smem:$0x3FB4]  }
0x2f: {  	lr =	sadd.s32 s0, s3;
	s0 =	sld [smem:$0x3FAB]  }
0x30: {  	s3 =	sld [smem:$0x3FAE]  }
0x31: {  	[smem:$0x3FB7] =	sst s10  }
0x32: {  	s10 =	sld [smem:$0x3FB5];
	_ =	sdelay $0x3  }
0x33: {  	p0 =	seq.s32 s10, $0x1;
	s10 =	sld [smem:$0x3FB7];
	_ =	sdelay $0x3  }
0x34: {  	[smem:$0x3FB7] =	sst s10  }
0x35: {  	s10 =	sld [smem:$0x3FB6];
	_ =	sdelay $0x3  }
0x36: {  	p1 =	seq.s32 s10, $0x1;
	s10 =	sld [smem:$0x3FB7];
	_ =	sdelay $0x3  }
0x37: {  	[smem:$0x3FB7] =	sst s10  }
0x38: {  	s10 =	sld [smem:$0x3FB8]  }
0x39: {  	_ = 	snop;
	(pc) =	sbr.ind lr, $3  }
0x3a: {  	_ = 	snop  }
0x3b: {  	_ = 	snop  }
0x3c: {  	p2 =	seq.s32 s10, $0x1;
	s10 =	sld [smem:$0x3FB7]  }
0x3d: {  	_ =	shalt  }
0x3e: {  	_ =	shalt  }
0x3f: {  	_ =	shalt  }
0x40: {  	_ =	shalt  }
0x41: {  	_ =	shalt  }
0x42: {  	_ =	shalt  }
0x43: {  	_ =	shalt  }
0x44: {  	_ =	shalt  }
0x45: {  	_ =	shalt  }
0x46: {  	_ =	shalt  }
0x47: {  	_ =	shalt  }
0x48: {  	_ =	shalt  }
0x49: {  	_ =	shalt  }
0x4a: {  	_ =	shalt  }
0x4b: {  	_ =	shalt  }
0x4c: {  	_ =	shalt  }
0x4d: {  	_ =	shalt  }
0x4e: {  	_ =	shalt  }
0x4f: {  	_ =	shalt  }
0x50: {  	_ =	shalt  }
0x51: {  	_ =	shalt  }
0x52: {  	_ =	shalt  }
0x53: {  	_ =	shalt  }
0x54: {  	_ =	shalt  }
0x55: {  	_ =	shalt  }
0x56: {  	_ =	shalt  }
0x57: {  	_ =	shalt  }
0x58: {  	_ =	shalt  }
0x59: {  	_ =	shalt  }
0x5a: {  	_ =	shalt  }
0x5b: {  	_ =	shalt  }
0x5c: {  	_ =	shalt  }
0x5d: {  	_ =	shalt  }
0x5e: {  	_ =	shalt  }
0x5f: {  	_ =	shalt  }
0x60: {  	_ =	shalt  }
0x61: {  	_ =	shalt  }
0x62: {  	_ =	shalt  }
0x63: {  	_ =	shalt  }
0x64: {  	_ =	shalt  }
0x65: {  	_ =	shalt  }
0x66: {  	_ =	shalt  }
0x67: {  	_ =	shalt  }
0x68: {  	_ =	shalt  }
0x69: {  	_ =	shalt  }
0x6a: {  	_ =	shalt  }
0x6b: {  	_ =	shalt  }
0x6c: {  	_ =	shalt  }
0x6d: {  	_ =	shalt  }
0x6e: {  	_ =	shalt  }
0x6f: {  	_ =	shalt  }
0x70: {  	_ =	shalt  }
0x71: {  	_ =	shalt  }
0x72: {  	_ =	shalt  }
0x73: {  	_ =	shalt  }
0x74: {  	_ =	shalt  }
0x75: {  	_ =	shalt  }
0x76: {  	_ =	shalt  }
0x77: {  	_ =	shalt  }
0x78: {  	_ =	shalt  }
0x79: {  	_ =	shalt  }
0x7a: {  	_ =	shalt  }
0x7b: {  	_ =	shalt  }
0x7c: {  	_ =	shalt  }
0x7d: {  	_ =	shalt  }
0x7e: {  	_ =	shalt  }
0x7f: {  	_ =	shalt  }
0x80: {  	_ =	shalt  }
0x81: {  	_ =	shalt  }
0x82: {  	_ =	shalt  }
0x83: {  	_ =	shalt  }
0x84: {  	_ =	shalt  }
0x85: {  	_ =	shalt  }
0x86: {  	_ =	shalt  }
0x87: {  	_ =	shalt  }
.Lfunc_end0:
.L_simem_size_0:
called_computation.1_lowered:
.L_overlay_start_0:
0x88: {  	s2 =	sld [smem:$0x3FD9]  }
0x89: {  	s3 =	sld [smem:$0x3FFE];
	_ =	sdelay $0x1  }
0x8a: {  	s1 =	srdreg.scid  }
0x8b: {  	s0 =	sand.u32 $0x1, s1  }
0x8c: {  	s17 =	sshll.u32 s0, $0xA;
	s2 =	sadd.s32 s3, s2  }
0x8d: {  	s2 =	sadd.s32 s2, s17  }
0x8e: {  	[smem:$0x3FC3] =	sst s2  }
0x8f: {  	_ = 	snop  }
0x90: {  	s2 =	sld [smem:$0x3FC5]  }
0x91: {  	s18 =	sld [smem:$0x3FD0];
	(tm) =	ssettm $0x1  }
0x92: {  	s4 =	sld [smem:$0x3FFB];
	_ =	sdelay $0x3  }
0x93: {  	_ =	strace s4  }
0x94: {  	s4 =	sld [smem:$0x3FFC];
	_ =	sdelay $0x3  }
0x95: {  	_ =	strace s4  }
0x96: {  	s4 =	sld [smem:$0x3FFD];
	_ =	sdelay $0x3  }
0x97: {  	_ =	strace s4  }
0x98: {  	_ =	strace $0x8FFFFFFF  }
0x99: {  	s19 =	sld [smem:$0x3FDB];
	_ =	sdelay $0x1  }
0x9a: {  	s5 =	simm.s32 $_scs_section_size  }
0x9b: {  	s6 =	simm.s32 $_size__tile_overlayer_lowered;
	s7 =	simm.s32 $_tile_overlayer_lowered  }
0x9c: {  	s22 =	simm.s32 $0x1BFF;
	s21 =	sshll.u32 s7, $0x1;
	s4 =	sadd.s32 s5, s19  }
0x9d: {  	s8 =	simm.s32 $0x0;
	s20 =	sshll.u32 s6, $0x1;
	s6 =	sadd.s32 s21, s4  }
0x9e: {  	[timem:s8], [sflag:s22] =	dma.local [hbm:s6], s20  }
0x9f: {  	_ =	swait.ge [sflag:s22], s20  }
0xa0: {  	s5 =	ssub.s32 $0x0, s20;
	[sflag:s22] =	ssyncset.done $0x0  }
0xa1: {  	[sflag:s22] =	ssyncadd.s32 s5;
	_ =	sdelay $0x1  }
0xa2: {  	s23 =	simm.s32 $0x1B8B  }
0xa3: {  	_ =	swait.ge [sflag:s23], $0x1  }
0xa4: {  	[sflag:s23] =	ssyncset.done $0x0  }
0xa5: {  	s25 =	simm.s32 $0x1B8E;
	s24 =	sld [smem:$0x3FFE];
	[sflag:s23] =	ssyncadd.s32 $0xFFFFFFFF  }
0xa6: {  	s26 =	simm.s32 $execute0_lowered;
	[smem:$0x3FD2] =	sst s25  }
0xa7: {  	s6 =	sshll.u32 s26, $0x1;
	_ =	strace $0x80000049;
	[dreg:$0x1] =	wrdreg $0xFFFFFFFF  }
0xa8: {  	s28 =	simm.s32 $_size_execute0_lowered;
	s4 =	sadd.s32 s4, s6;
	[dreg:$0x0] =	wrdreg $0x0  }
0xa9: {  	s6 =	sshll.u32 s28, $0x1;
	[dreg:$0x2] =	wrdreg s4  }
0xaa: {  	[dreg:$0x3] =	wrdreg s6  }
0xab: {  	[dreg:$0x4] =	wrdreg $0xC0  }
0xac: {  	_ =	task [dreg:s8], $0x5FFFF  }
0xad: {  	[dreg:$0x1] =	wrdreg $0xFFFFFFFF  }
0xae: {  	[dreg:$0x0] =	wrdreg $0x60  }
0xaf: {  	[dreg:$0x2] =	wrdreg s24  }
0xb0: {  	[dreg:$0x3] =	wrdreg s18  }
0xb1: {  	[dreg:$0x4] =	wrdreg s2  }
0xb2: {  	[dreg:$0x5] =	wrdreg $0x43000  }
0xb3: {  	[dreg:$0x6] =	wrdreg $0x9  }
0xb4: {  	_ =	task.clear_ibuf [dreg:s8], $0x7FFFF;
	_ =	strace $0x90000049  }
0xb5: {  	s29 =	simm.s32 $0x9;
	_ =	strace $0x8000004B  }
0xb6: {  	_ =	swait.ge [sflag:s29], $0x1  }
0xb7: {  	[sflag:s29] =	ssyncadd.s32 $0xFFFFFFFF  }
0xb8: {  	_ =	strace $0x9000004B  }
0xb9: {  	_ =	sfence  }
0xba: {  	s30 =	sld [smem:$0x0];
	_ =	sdelay $0x2  }
0xbb: {  	s31 =	sshll.u32 s1, $0xD;
	s1 =	sshrl.u32 s1, $0x2  }
0xbc: {  	s3 =	sand.u32 $0x4000, s31;
	s1 =	sadd.s32 s1, s30  }
0xbd: {  	s0 =	sor.u32 s3, s0;
	s1 =	sshll.u32 s1, $0x11  }
0xbe: {  	s0 =	sor.u32 s1, s0  }
0xbf: {  	s0 =	sadd.s32 $0x8F2B, s0  }
0xc0: {  	[sflag:s0] =	ssyncadd.remote.s32 $0x1  }
0xc1: {  	_ =	sfence.sel $0xFFFF  }
0xc2: {  	[dreg:$0x0] =	wrdreg $0xFFFFFFFF;
	(pc) =	sbr.abs _section_cstart, $3  }
0xc3: {  	[dreg:$0x1] =	wrdreg $0xFFFFFFFF  }
0xc4: {  	_ =	task.clear_ibuf [dreg:s8], $0x2FFFF;
	_ =	strace $0x9FFFFFFF  }
0xc5: {  	(tm) =	ssettm $0x7FFFFFFF  }
tec
execute0_lowered:
.L_overlay_start_1:
0x0: {  	(tag) =	ssettag $0x1  }
0x1: {  	s0 =	rddreg [dreg:$0x0]  }
0x2: {  	s1 =	rddreg [dreg:$0x1]  }
0x3: {  	s2 =	rddreg [dreg:$0x2]  }
0x4: {  	s3 =	rddreg [dreg:$0x3]  }
0x5: {  	s4 =	simm.s32 $0x0;
	s23 =	stileid.u32;
	s24 =	srdreg.scid  }
0x6: {  	s13 =	simm.s32 $0x4F;
	s19 =	simm.s32 $0x300;
	s20 =	simm.s32 $0x1  }
0x7: {  	s21 =	simm.s32 $0x100;
	s22 =	simm.s32 $0x180;
	s28 =	simm.s32 $0x80  }
0x8: {  	s29 =	simm.s32 $0x0;
	s30 =	simm.s32 $0x0;
	[smem:$0x7FF] =	sst s4  }
0x9: {  	s6 =	sadd.s32 $0x14A00, s0;
	s5 =	smul.u32 $0x4E200, s23;
	s7 =	sadd.s32 $0xE00, s0  }
0xa: {  	s8 =	sadd.s32 $0xAC00, s0;
	s4 =	sand.u32 $0x1, s24;
	s0 =	sadd.s32 $0x14D200, s0  }
0xb: {  	s12 =	sshll.u32 s23, $0x1;
	p0 =	slt.u32 s23, $0x2;
	s16 =	smul.u32 $0x13C00, s23  }
0xc: {  	s18 =	smul.u32 $0x4F000, s23;
	_ =	strace $0x8000004A;
	s10 =	ssub.s32 $0x2, s4  }
0xd: {  	s15 =	sor.u32 s4, s12;
	s4 =	smul.u32 $0x138800, s4;
	s13 =	simm.s32 @!p0 $0x4E  }
0xe: {  	p0 =	seq.s32 s23, $0xF;
	s23 =	simm.s32 $0x200;
	s5 =	sshrl.u32 s5, $0x2  }
0xf: {  	s11 =	sshrl.u32 s10, $0x1;
	s17 =	smul.u32 $0x4E, s15;
	s15 =	smin.u32 s15, $0x4  }
0x10: {  	s31 =	sshrl.u32 s18, $0x2;
	s9 =	sadd.s32 s5, s3;
	s25 =	ssub.s32 s10, s11  }
0x11: {  	s16 =	sadd.s32 s16, s4;
	s4 =	sshrl.u32 s4, $0x3;
	s26 =	sadd.s32 $0x4000, s9  }
0x12: {  	s11 =	sadd.s32 $0x8000, s9;
	s12 =	sadd.s32 $0xC000, s9;
	s14 =	sadd.s32 $0x10000, s9  }
0x13: {  	s15 =	sadd.s32 s15, s17;
	s16 =	sshrl.u32 s16, $0x3;
	s18 =	smax.u32 s25, $0x1  }
0x14: {  	[dreg:$0x5] =	wrdreg s26;
	s16 =	sadd.s32 s0, s16;
	s0 =	sadd.s32 s0, s4  }
0x15: {  	s4 =	sadd.s32 s31, s3;
	s17 =	sadd.s32 $0x25080, s0;
	s0 =	sadd.s32 $0x128400, s3  }
0x16: {  	v0 =	vimm.f32 $0.0e+00;
	s26 =	simm.s32 $0x280;
	s25 =	sshrl.u32 @!p0 s4, $0x3;
	s24 =	sshrl.u32 @p0 s0, $0x3  }
.LBB2_1:
0x17: {  	s4 =	simm.s32 $0x0  }
0x18: {  	s0 =	simm.s32 $0x10;
	s4 =	sand.u32 $0x3FF0, s4  }
.LBB2_2:
0x19: {  	p1 =	sne.s32 s0, $0x3FF0;
	[tilespmem:s4+$0x300] =	vst v0;
	s4 =	smov.u32 s0;
	s0 =	sadd.s32 $0x10, s0  }
.Ltmp0:
0x1a: {  	(pc) =	sbr.rel @p1 .LBB2_2-.Ltmp0, $2  }
0x1b: {  	_ =	sdelay $0x2  }
0x1c: {  	s4 =	sand.u32 $0x3FF0, s4  }
0x1d: {  	[tilespmem:s4+$0x300] =	vst v0  }
0x1e: {  	[spmem:s9] =	stream.linear.scatter [tilespmem:s19], [sflag:$0x1], $0x4000, $0x38;
	[tilespmem:$0x17B80] =	vst v63  }
0x1f: {  	_ =	swait.ge [sflag:s20], $0x4000  }
0x20: {  	[sflag:s20] =	ssyncset.done $0x0  }
0x21: {  	s0 =	rddreg [dreg:$0x5];
	[sflag:s20] =	ssyncadd.s32 $0xFFFFC000  }
0x22: {  	[spmem:s0] =	stream.linear.scatter [tilespmem:s19], [sflag:$0x1], $0x4000, $0x38;
	[tilespmem:$0x17B80] =	vst v63  }
0x23: {  	_ =	swait.ge [sflag:s20], $0x4000  }
0x24: {  	[sflag:s20] =	ssyncset.done $0x0  }
0x25: {  	[sflag:s20] =	ssyncadd.s32 $0xFFFFC000  }
0x26: {  	[spmem:s11] =	stream.linear.scatter [tilespmem:s19], [sflag:$0x1], $0x4000, $0x38;
	[tilespmem:$0x17B80] =	vst v63  }
0x27: {  	_ =	swait.ge [sflag:s20], $0x4000  }
0x28: {  	[sflag:s20] =	ssyncset.done $0x0  }
0x29: {  	[sflag:s20] =	ssyncadd.s32 $0xFFFFC000  }
0x2a: {  	[spmem:s12] =	stream.linear.scatter [tilespmem:s19], [sflag:$0x1], $0x4000, $0x38;
	[tilespmem:$0x17B80] =	vst v63  }
0x2b: {  	_ =	swait.ge [sflag:s20], $0x4000  }
0x2c: {  	[sflag:s20] =	ssyncset.done $0x0  }
0x2d: {  	[sflag:s20] =	ssyncadd.s32 $0xFFFFC000  }
0x2e: {  	[spmem:s14] =	stream.linear.scatter [tilespmem:s19], [sflag:$0x1], $0x3880, $0x38;
	[tilespmem:$0x17B80] =	vst v63  }
0x2f: {  	_ =	swait.ge [sflag:s20], $0x3880  }
0x30: {  	[sflag:s20] =	ssyncset.done $0x0  }
0x31: {  	[sflag:s20] =	ssyncadd.s32 $0xFFFFC780  }
0x32: {  	s31 =	simm.s32 $0x0;
	[bflag:$0x0] =	sbarrier.arrive $0xFFFF  }
.LBB2_4:
0x33: {  	s0 =	sadd.s32 s31, s15  }
0x34: {  	s0 =	sshll.u32 s0, $0x4  }
0x35: {  	s0 =	sand.u32 $0x1FFFFFF0, s0  }
0x36: {  	s4 =	sadd.s32 s7, s0  }
0x37: {  	[tilespmem:s21], [sflag:$0x1] =	stream.linear.gather [hbm4b:s4+s30], $0x80, $0x38;
	[tilespmem:$0x17B80] =	vst v63  }
0x38: {  	_ =	swait.ge [sflag:s20], $0x80  }
0x39: {  	[sflag:s20] =	ssyncset.done $0x0  }
0x3a: {  	s5 =	sadd.s32 s1, s0;
	[sflag:s20] =	ssyncadd.s32 $0xFFFFFF80  }
0x3b: {  	[tilespmem:s22], [sflag:$0x1] =	stream.linear.gather [hbm4b:s5+s30], $0x80, $0x38;
	[tilespmem:$0x17B80] =	vst v63  }
0x3c: {  	_ =	swait.ge [sflag:s20], $0x80  }
0x3d: {  	[sflag:s20] =	ssyncset.done $0x0  }
0x3e: {  	s10 =	sadd.s32 s2, s0;
	[sflag:s20] =	ssyncadd.s32 $0xFFFFFF80  }
0x3f: {  	[tilespmem:s23], [sflag:$0x1] =	stream.linear.gather [hbm4b:s10+s30], $0x80, $0x38;
	[tilespmem:$0x17B80] =	vst v63  }
0x40: {  	_ =	swait.ge [sflag:s20], $0x80  }
0x41: {  	[sflag:s20] =	ssyncset.done $0x0  }
0x42: {  	s0 =	sadd.s32 s8, s0;
	[sflag:s20] =	ssyncadd.s32 $0xFFFFFF80  }
0x43: {  	[tilespmem:s26], [sflag:$0x1] =	stream.linear.gather [hbm4b:s0+s30], $0x80, $0x38;
	[tilespmem:$0x17B80] =	vst v63  }
0x44: {  	_ =	swait.ge [sflag:s20], $0x80  }
0x45: {  	[sflag:s20] =	ssyncset.done $0x0  }
0x46: {  	[sflag:s20] =	ssyncadd.s32 $0xFFFFFF80  }
0x47: {  	v1 =	vld [tilespmem:$0x100]  }
0x48: {  	v2 =	vld [tilespmem:$0x200]  }
0x49: {  	v3 =	vld [tilespmem:$0x180]  }
0x4a: {  	v4 =	vld [tilespmem:$0x110]  }
0x4b: {  	v5 =	vld [tilespmem:$0x210]  }
0x4c: {  	v6 =	vld [tilespmem:$0x190]  }
0x4d: {  	v7 =	vld [tilespmem:$0x120]  }
0x4e: {  	v8 =	vld [tilespmem:$0x220]  }
0x4f: {  	v9 =	vld [tilespmem:$0x1A0]  }
0x50: {  	v10 =	vld [tilespmem:$0x130]  }
0x51: {  	v11 =	vld [tilespmem:$0x230]  }
0x52: {  	v12 =	vld [tilespmem:$0x1B0];
	v2 =	vmul.u32 $0x2710, v2  }
0x53: {  	v13 =	vld [tilespmem:$0x140]  }
0x54: {  	[tilespmem:$0x80] =	vst v3;
	v3 =	vmul.u32 $0x2710, v8;
	v8 =	vld [tilespmem:$0x160];
	v1 =	vadd.s32 v1, v2;
	v2 =	vmul.u32 $0x2710, v5  }
0x55: {  	[tilespmem:$0x90] =	vst v6;
	v5 =	vld [tilespmem:$0x240]  }
0x56: {  	[tilespmem:$0xA0] =	vst v9;
	v9 =	vld [tilespmem:$0x1E0];
	v2 =	vadd.s32 v4, v2  }
0x57: {  	[tilespmem:$0x10] =	vst v2;
	v2 =	vld [tilespmem:$0x250]  }
0x58: {  	v6 =	vmul.u32 $0x2710, v11;
	[tilespmem:$0x0] =	vst v1;
	v1 =	vld [tilespmem:$0x1C0]  }
0x59: {  	v3 =	vadd.s32 v7, v3;
	v4 =	vld [tilespmem:$0x150]  }
0x5a: {  	v6 =	vadd.s32 v10, v6;
	[tilespmem:$0x20] =	vst v3;
	v3 =	vld [tilespmem:$0x260];
	v5 =	vmul.u32 $0x2710, v5  }
0x5b: {  	[tilespmem:$0x30] =	vst v6;
	v6 =	vld [tilespmem:$0x270]  }
0x5c: {  	[tilespmem:$0xB0] =	vst v12;
	v7 =	vld [tilespmem:$0x1D0];
	v5 =	vadd.s32 v13, v5;
	v2 =	vmul.u32 $0x2710, v2  }
0x5d: {  	[tilespmem:$0x40] =	vst v5;
	v5 =	vld [tilespmem:$0x170]  }
0x5e: {  	[tilespmem:$0xC0] =	vst v1;
	v1 =	vadd.s32 v4, v2  }
0x5f: {  	v2 =	vmul.u32 $0x2710, v3;
	[tilespmem:$0x50] =	vst v1;
	v1 =	vld [tilespmem:$0x1F0]  }
0x60: {  	[tilespmem:$0xE0] =	vst v9;
	v3 =	vmul.u32 $0x2710, v6  }
0x61: {  	[tilespmem:$0xD0] =	vst v7;
	v2 =	vadd.s32 v8, v2  }
0x62: {  	[tilespmem:$0x60] =	vst v2;
	v2 =	vadd.s32 v5, v3  }
0x63: {  	[tilespmem:$0x70] =	vst v2  }
0x64: {  	[tilespmem:$0xF0] =	vst v1  }
0x65: {  	[tilespmem:s19], [sflag:$0x1] =	stream.indirect.gather [hbm4b:s6+s28], $0x80, s30, s28, $0xb8;
	[tilespmem:$0x17B80] =	vst v63  }
0x66: {  	_ =	swait.ge [sflag:s20], $0x4000  }
0x67: {  	v1 =	vmov s30;
	[sflag:s20] =	ssyncset.done $0x0  }
0x68: {  	s0 =	simm.s32 $0x340;
	[sflag:s20] =	ssyncadd.s32 $0xFFFFC000  }
0x69: {  	v5 =	vld [tilespmem:s0+$0x30]  }
0x6a: {  	v8 =	vld [tilespmem:s0+$0x10]  }
0x6b: {  	v6 =	vld [tilespmem:s0+$0xFFFFFFC0]  }
0x6c: {  	v2 =	vld.idx.msk [tilespmem:v1+s26+$0x0], $0xffff  }
0x6d: {  	v10 =	vld [tilespmem:s0+$0xFFFFFFE0]  }
0x6e: {  	v1 =	vld [tilespmem:s0+$0xFFFFFFF0]  }
0x6f: {  	v3 =	vld [tilespmem:s0+$0x20]  }
0x70: {  	v4 =	vld [tilespmem:s0+$0xFFFFFFD0]  }
0x71: {  	v9 =	vmul.f32 v5, v2;
	v5 =	vld [tilespmem:s0+$0x0]  }
0x72: {  	v7 =	vmul.f32 v6, v2  }
0x73: {  	s4 =	simm.s32 $0x340;
	s5 =	simm.s32 $0x1;
	v6 =	vmul.f32 v10, v2;
	v8 =	vmul.f32 v8, v2  }
.LBB2_5:
0x74: {  	p1 =	sne.s32 s5, $0x7F  }
0x75: {  	v4 =	vmul.f32 v4, v2;
	v3 =	vmul.f32 v3, v2;
	[tilespmem:s0+$0x30] =	vst v9;
	s4 =	sadd.s32 $0x80, s4;
	s10 =	smov.u32 s5;
	s5 =	sadd.s32 $0x1, s5  }
0x76: {  	[tilespmem:s0+$0xFFFFFFC0] =	vst v7;
	v7 =	vmul.f32 v1, v2;
	v2 =	vmul.f32 v5, v2  }
0x77: {  	[tilespmem:s0+$0x10] =	vst v8  }
0x78: {  	v5 =	vmov s10;
	[tilespmem:s0+$0xFFFFFFE0] =	vst v6  }
0x79: {  	v1 =	vld [tilespmem:s4+$0xFFFFFFF0];
	[tilespmem:s0+$0xFFFFFFF0] =	vst v7  }
0x7a: {  	v6 =	vld [tilespmem:s4+$0x30];
	[tilespmem:s0+$0x0] =	vst v2  }
0x7b: {  	v8 =	vld [tilespmem:s4+$0x10];
	[tilespmem:s0+$0x20] =	vst v3  }
0x7c: {  	v7 =	vld [tilespmem:s4+$0xFFFFFFC0];
	[tilespmem:s0+$0xFFFFFFD0] =	vst v4;
	s0 =	smov.u32 s4  }
0x7d: {  	v2 =	vld.idx.msk [tilespmem:v5+s26+$0x0], $0xffff  }
0x7e: {  	v10 =	vld [tilespmem:s4+$0xFFFFFFE0]  }
0x7f: {  	v3 =	vld [tilespmem:s4+$0x20]  }
.Ltmp1:
0x80: {  	v4 =	vld [tilespmem:s4+$0xFFFFFFD0];
	(pc) =	sbr.rel @p1 .LBB2_5-.Ltmp1, $3  }
0x81: {  	v5 =	vld [tilespmem:s4+$0x0];
	_ =	sdelay $0x1  }
0x82: {  	v7 =	vmul.f32 v7, v2;
	v9 =	vmul.f32 v6, v2  }
0x83: {  	v8 =	vmul.f32 v8, v2;
	v6 =	vmul.f32 v10, v2  }
0x84: {  	[tilespmem:s0+$0x30] =	vst v9  }
0x85: {  	[tilespmem:s0+$0xFFFFFFC0] =	vst v7  }
0x86: {  	v1 =	vmul.f32 v1, v2;
	[tilespmem:s0+$0x10] =	vst v8  }
0x87: {  	v3 =	vmul.f32 v3, v2;
	[tilespmem:s0+$0xFFFFFFE0] =	vst v6  }
0x88: {  	v5 =	vmul.f32 v5, v2;
	[tilespmem:s0+$0xFFFFFFF0] =	vst v1  }
0x89: {  	s31 =	sadd.s32 $0x1, s31;
	v1 =	vmul.f32 v4, v2;
	[tilespmem:s0+$0x20] =	vst v3  }
0x8a: {  	p1 =	sne.s32 s31, s13;
	[tilespmem:s0+$0x0] =	vst v5  }
.Ltmp2:
0x8b: {  	[tilespmem:s0+$0xFFFFFFD0] =	vst v1;
	(pc) =	sbr.rel @p1 .LBB2_4-.Ltmp2, $4  }
0x8c: {  	[spmem:s3] =	stream.indirect.scatter.add.f32 [tilespmem:s19], [sflag:$0x1], $0x80, s28, s28, $0xb8;
	[tilespmem:$0x17B80] =	vst v63  }
0x8d: {  	_ =	swait.ge [sflag:s20], $0x4000  }
0x8e: {  	[sflag:s20] =	ssyncset.done $0x0  }
0x8f: {  	[sflag:s20] =	ssyncadd.s32 $0xFFFFC000  }
0x90: {  	[bflag:$0x0] =	sbarrier.arrive $0xFFFF;
	s0 =	simm.s32 @p0 $0x1FC1  }
0x91: {  	[hbm:s17], [sflag:s0] =	dma.local @p0 [spmem:s24], $0x2080  }
0x92: {  	s0 =	simm.s32 @p0 $0x1  }
0x93: {  	s4 =	stileid.u32;
	_ =	swait.ge @p0 [sflag:s0], $0x2080  }
0x94: {  	s29 =	sadd.s32 $0x1, s29;
	s4 =	sshll.u32 @!p0 s4, $0x6;
	[sflag:s0] =	ssyncset.done @p0 $0x0  }
0x95: {  	p1 =	sne.s32 s29, s18;
	[sflag:s0] =	ssyncadd.s32 @p0 $0xFFFFDF80;
	s0 =	sor.u32 @!p0 $0x1C01, s4  }
0x96: {  	[hbm:s16], [sflag:s0] =	dma.local @!p0 [spmem:s25], $0x2780  }
.Ltmp3:
0x97: {  	_ = 	snop;
	(pc) =	sbr.rel @p1 .LBB2_1-.Ltmp3, $4  }
0x98: {  	s0 =	simm.s32 @!p0 $0x1  }
0x99: {  	_ =	swait.ge @!p0 [sflag:s0], $0x2780  }
0x9a: {  	[sflag:s0] =	ssyncset.done @!p0 $0x0  }
0x9b: {  	[sflag:s0] =	ssyncadd.s32 @!p0 $0xFFFFD880  }
0x9c: {  	_ =	sfence.sel $0x180000  }
0x9d: {  	[bflag:$0x0] =	sbarrier.arrive $0xFFFF  }
0x9e: {  	_ =	strace $0x9000004A  }
0x9f: {  	s0 =	stileid.u32;
	[bflag:$0x2] =	sbarrier.arrive $0xFFFF  }
0xa0: {  	p0 =	sne.s32 s0, $0x0;
	s0 =	rddreg [dreg:$0x4]  }
0xa1: {  	s0 =	sadd.s32 @!p0 $0x100000, s0  }
0xa2: {  	[sflag:s0] =	ssyncadd.tile.s32 @!p0 $0x1;
	_ =	shalt  }
.Lfunc_end2:
_tile_overlayer_lowered:
.L_overlay_start_2:
0xa3: {  	(tag) =	ssettag $0x2  }
0xa4: {  	s0 =	rddreg [dreg:$0x0];
	s2 =	stileid.u32  }
0xa5: {  	s1 =	rddreg [dreg:$0x1];
	p0 =	sne.s32 s2, $0x0  }
0xa6: {  	s3 =	rddreg [dreg:$0x2];
	[bflag:$0x3] =	sbarrier.arrive $0xFFFF;
	s2 =	simm.s32 @!p0 $0x1C01  }
0xa7: {  	[timem:s3], [sflag:s2] =	dma.local @!p0 [hbm:s0], s1  }
0xa8: {  	s0 =	simm.s32 @!p0 $0x1  }
0xa9: {  	_ =	swait.ge @!p0 [sflag:s0], s1  }
0xaa: {  	s1 =	ssub.s32 @!p0 $0x0, s1;
	[sflag:s0] =	ssyncset.done @!p0 $0x0  }
0xab: {  	[sflag:s0] =	ssyncadd.s32 @!p0 s1  }
0xac: {  	[bflag:$0x3] =	sbarrier.arrive $0xFFFF  }
0xad: {  	_ =	shalt  }

</sc_bundles>
